<compile_context>
chip_gen: v7x
topology: tpu7x:2x2x1
jax: 0.10.2.dev20260603
libtpu: 0.0.44.dev20260713+nightly
codegen_flags: <defaults>
</compile_context>

<pallas_src>
import functools

import jax
import jax.numpy as jnp
from jax import lax
from jax.experimental import pallas as pl
from jax.experimental.pallas import tpu as pltpu
from jax.experimental.pallas import tpu_sc as plsc

F32 = jnp.float32



def _mm(a, w):
    return lax.dot_general(a, w, (((1,), (0,)), ((), ())),
                           preferred_element_type=F32)


def _rss(vh, nch):
    s2 = vh[:, :nch] ** 2 + vh[:, nch:2 * nch] ** 2 + vh[:, 2 * nch:] ** 2
    return jnp.sqrt(jnp.maximum(s2, 1e-8))


def _ln_s(s, g, b):
    mu = jnp.mean(s, axis=-1, keepdims=True)
    var = jnp.mean((s - mu) ** 2, axis=-1, keepdims=True)
    return (s - mu) / jnp.sqrt(var + 1e-5) * g + b


def _ln_v(v, nch):
    s2 = jnp.maximum(v[:, :nch] ** 2 + v[:, nch:2 * nch] ** 2
                     + v[:, 2 * nch:] ** 2, 1e-8)
    rms = jnp.sqrt(jnp.mean(s2, axis=-1, keepdims=True))
    return v / rms


def _node_math(x, w):
    xs, xv, nt = x[:, 0:6], x[:, 6:15], x[:, 15]
    vh = _mm(xv, w['np_wh'])
    vn = _rss(vh, 8)
    s = _mm(jnp.concatenate([xs, vn], 1), w['np_ws']) + w['np_bs']
    v = _mm(vh, w['np_wv'])
    s = _ln_s(s, w['npln_g'], w['npln_b'])
    v = _ln_v(v, 8)
    ids = lax.broadcasted_iota(jnp.int32, (x.shape[0], 20), 1).astype(F32)
    oh = (nt[:, None] == ids).astype(F32)
    s = jnp.concatenate([_mm(oh, w['ntype_emb']), s], 1)
    s = _ln_s(s, w['gnln_g'], w['gnln_b'])
    v = _ln_v(v, 8)
    vh = _mm(v, w['gn_wh'])
    vn = _rss(vh, 8)
    s = _mm(jnp.concatenate([s, vn], 1), w['gn_ws']) + w['gn_bs']
    v = _mm(vh, w['gn_wv'])
    return jnp.concatenate(
        [s, v, jnp.zeros((x.shape[0], 40), F32)], 1)


def _edge_math(gs, gd, ein, w):
    s_src, v_src = gs[:, 0:64], gs[:, 64:88]
    s_dst, v_dst = gd[:, 0:64], gd[:, 64:88]
    es_a, ev, et = ein[:, 0:32], ein[:, 32:35], ein[:, 35]
    vh = ev * w['ep_wh']
    vn = _rss(vh, 1)
    es = _mm(jnp.concatenate([es_a, vn], 1), w['ep_ws']) + w['ep_bs']
    ev1 = vh * w['ep_wv']
    es = _ln_s(es, w['epln_g'], w['epln_b'])
    ev1 = _ln_v(ev1, 1)
    ids = lax.broadcasted_iota(jnp.int32, (ein.shape[0], 4), 1).astype(F32)
    oh = (et[:, None] == ids).astype(F32)
    es = jnp.concatenate([_mm(oh, w['etype_emb']), es], 1)
    es = _ln_s(es, w['geln_g'], w['geln_b'])
    ev1 = _ln_v(ev1, 1)
    vh = ev1 * w['ge_wh']
    vn = _rss(vh, 1)
    es = _mm(jnp.concatenate([es, vn], 1), w['ge_ws']) + w['ge_bs']
    ev2 = vh * w['ge_wv']
    ms = jnp.concatenate([s_src, es, s_dst], 1)
    mv = jnp.concatenate([
        v_src[:, 0:8], ev2[:, 0:1], v_dst[:, 0:8],
        v_src[:, 8:16], ev2[:, 1:2], v_dst[:, 8:16],
        v_src[:, 16:24], ev2[:, 2:3], v_dst[:, 16:24]], 1)
    vh = _mm(mv, w['m0_wh'])
    vn = _rss(vh, 17)
    ms = _mm(jnp.concatenate([ms, vn], 1), w['m0_ws']) + w['m0_bs']
    v = _mm(vh, w['m0_wv'])
    vh = _mm(v, w['m1_wh'])
    vn = _rss(vh, 8)
    ms = _mm(jnp.concatenate([ms, vn], 1), w['m1_ws']) + w['m1_bs']
    v = _mm(vh, w['m1_wv'])
    vh = _mm(v, w['m2_wh'])
    vn = _rss(vh, 8)
    ms = _mm(jnp.concatenate([ms, vn], 1), w['m2_ws']) + w['m2_bs']
    v = _mm(vh, w['m2_wv'])
    B = gs.shape[0]
    return jnp.concatenate(
        [ms, v, jnp.ones((B, 1), F32), jnp.zeros((B, 39), F32)], 1)


def _final_math(nf, ag, w):
    s0, v0 = nf[:, 0:64], nf[:, 64:88]
    cnt = jnp.maximum(ag[:, 88:89], 1.0)
    s = s0 + ag[:, 0:64] / cnt
    v = v0 + ag[:, 64:88] / cnt
    s = _ln_s(s, w['n0_g'], w['n0_b'])
    v = _ln_v(v, 8)
    vh = _mm(v, w['f0_wh'])
    vn = _rss(vh, 16)
    fs = _mm(jnp.concatenate([s, vn], 1), w['f0_ws']) + w['f0_bs']
    fv = _mm(vh, w['f0_wv'])
    vh = _mm(fv, w['f1_wh'])
    vn = _rss(vh, 16)
    fs = _mm(jnp.concatenate([fs, vn], 1), w['f1_ws']) + w['f1_bs']
    fv = _mm(vh, w['f1_wv'])
    s = _ln_s(s + fs, w['n1_g'], w['n1_b'])
    v = _ln_v(v + fv, 8)
    s = _ln_s(s, w['fl_g'], w['fl_b'])
    v = _ln_v(v, 8)
    vh = _mm(v, w['o_wh'])
    vn = _rss(vh, 8)
    return _mm(jnp.concatenate([s, vn], 1), w['o_ws']) + w['o_bs']




def _prep_weights(p):
    I3 = jnp.eye(3, dtype=F32)

    def bd(W):
        return jnp.kron(I3, W)

    def row(x):
        return x.reshape(1, -1).astype(F32)

    c = p['convs'][0]
    return {
        'np_wh': bd(p['np_gvp']['Wh']), 'np_ws': p['np_gvp']['Ws'],
        'np_bs': row(p['np_gvp']['bs']), 'np_wv': bd(p['np_gvp']['Wv']),
        'npln_g': row(p['np_ln']['g']), 'npln_b': row(p['np_ln']['b']),
        'ntype_emb': p['ntype_emb'],
        'gnln_g': row(p['gn_ln']['g']), 'gnln_b': row(p['gn_ln']['b']),
        'gn_wh': bd(p['gn_gvp']['Wh']), 'gn_ws': p['gn_gvp']['Ws'],
        'gn_bs': row(p['gn_gvp']['bs']), 'gn_wv': bd(p['gn_gvp']['Wv']),
        'ep_wh': row(p['ep_gvp']['Wh']), 'ep_ws': p['ep_gvp']['Ws'],
        'ep_bs': row(p['ep_gvp']['bs']), 'ep_wv': row(p['ep_gvp']['Wv']),
        'epln_g': row(p['ep_ln']['g']), 'epln_b': row(p['ep_ln']['b']),
        'etype_emb': p['etype_emb'],
        'geln_g': row(p['ge_ln']['g']), 'geln_b': row(p['ge_ln']['b']),
        'ge_wh': row(p['ge_gvp']['Wh']), 'ge_ws': p['ge_gvp']['Ws'],
        'ge_bs': row(p['ge_gvp']['bs']), 'ge_wv': row(p['ge_gvp']['Wv']),
        'm0_wh': bd(c['msg0']['Wh']), 'm0_ws': c['msg0']['Ws'],
        'm0_bs': row(c['msg0']['bs']), 'm0_wv': bd(c['msg0']['Wv']),
        'm1_wh': bd(c['msg1']['Wh']), 'm1_ws': c['msg1']['Ws'],
        'm1_bs': row(c['msg1']['bs']), 'm1_wv': bd(c['msg1']['Wv']),
        'm2_wh': bd(c['msg2']['Wh']), 'm2_ws': c['msg2']['Ws'],
        'm2_bs': row(c['msg2']['bs']), 'm2_wv': bd(c['msg2']['Wv']),
        'n0_g': row(c['norm0']['g']), 'n0_b': row(c['norm0']['b']),
        'f0_wh': bd(c['ff0']['Wh']), 'f0_ws': c['ff0']['Ws'],
        'f0_bs': row(c['ff0']['bs']), 'f0_wv': bd(c['ff0']['Wv']),
        'f1_wh': bd(c['ff1']['Wh']), 'f1_ws': c['ff1']['Ws'],
        'f1_bs': row(c['ff1']['bs']), 'f1_wv': bd(c['ff1']['Wv']),
        'n1_g': row(c['norm1']['g']), 'n1_b': row(c['norm1']['b']),
        'fl_g': row(p['final_ln']['g']), 'fl_b': row(p['final_ln']['b']),
        'o_wh': bd(p['out_gvp']['Wh']), 'o_ws': p['out_gvp']['Ws'],
        'o_bs': row(p['out_gvp']['bs']),
    }


_A_KEYS = ['np_wh', 'np_ws', 'np_bs', 'np_wv', 'npln_g', 'npln_b',
           'ntype_emb', 'gnln_g', 'gnln_b', 'gn_wh', 'gn_ws', 'gn_bs',
           'gn_wv']
_C_KEYS = ['ep_wh', 'ep_ws', 'ep_bs', 'ep_wv', 'epln_g', 'epln_b',
           'etype_emb', 'geln_g', 'geln_b', 'ge_wh', 'ge_ws', 'ge_bs',
           'ge_wv',
           'm0_wh', 'm0_ws', 'm0_bs', 'm0_wv',
           'm1_wh', 'm1_ws', 'm1_bs', 'm1_wv',
           'm2_wh', 'm2_ws', 'm2_bs', 'm2_wv']
_E_KEYS = ['n0_g', 'n0_b', 'f0_wh', 'f0_ws', 'f0_bs', 'f0_wv',
           'f1_wh', 'f1_ws', 'f1_bs', 'f1_wv', 'n1_g', 'n1_b',
           'fl_g', 'fl_b', 'o_wh', 'o_ws', 'o_bs']


def _full_spec(x):
    return pl.BlockSpec(x.shape, lambda i: tuple(0 for _ in x.shape))




def _tc_node_prep(nodes_in, w, n_pad, blk):
    def body(xin_ref, *refs):
        wrefs, out_ref = refs[:-1], refs[-1]
        wd = {k: r[...] for k, r in zip(_A_KEYS, wrefs)}
        out_ref[...] = _node_math(xin_ref[...], wd)

    grid = (n_pad // blk,)
    return pl.pallas_call(
        body,
        grid=grid,
        in_specs=[pl.BlockSpec((blk, 16), lambda i: (i, 0))] +
                 [_full_spec(w[k]) for k in _A_KEYS],
        out_specs=pl.BlockSpec((blk, 128), lambda i: (i, 0)),
        out_shape=jax.ShapeDtypeStruct((n_pad, 128), F32),
    )(nodes_in, *[w[k] for k in _A_KEYS])


def _tc_edge_msgs(gsrc, gdst, ein, w, e_pad, e_real, blk):
    def body(gs_ref, gd_ref, ein_ref, *refs):
        wrefs, out_ref = refs[:-1], refs[-1]
        wd = {k: r[...] for k, r in zip(_C_KEYS, wrefs)}
        m = _edge_math(gs_ref[...], gd_ref[...], ein_ref[...], wd)
        i = pl.program_id(0)
        rows = i * blk + lax.broadcasted_iota(jnp.int32, (blk, 1), 0)
        out_ref[...] = m * (rows < e_real).astype(F32)

    grid = (e_pad // blk,)
    return pl.pallas_call(
        body,
        grid=grid,
        in_specs=[pl.BlockSpec((blk, 128), lambda i: (i, 0)),
                  pl.BlockSpec((blk, 128), lambda i: (i, 0)),
                  pl.BlockSpec((blk, 36), lambda i: (i, 0))] +
                 [_full_spec(w[k]) for k in _C_KEYS],
        out_specs=pl.BlockSpec((blk, 128), lambda i: (i, 0)),
        out_shape=jax.ShapeDtypeStruct((e_pad, 128), F32),
    )(gsrc, gdst, ein, *[w[k] for k in _C_KEYS])


def _tc_final(nf, agg, w, n_pad, blk):
    def body(nf_ref, ag_ref, *refs):
        wrefs, out_ref = refs[:-1], refs[-1]
        wd = {k: r[...] for k, r in zip(_E_KEYS, wrefs)}
        out_ref[...] = _final_math(nf_ref[...], ag_ref[...], wd)

    grid = (n_pad // blk,)
    return pl.pallas_call(
        body,
        grid=grid,
        in_specs=[pl.BlockSpec((blk, 128), lambda i: (i, 0)),
                  pl.BlockSpec((blk, 128), lambda i: (i, 0))] +
                 [_full_spec(w[k]) for k in _E_KEYS],
        out_specs=pl.BlockSpec((blk, 8), lambda i: (i, 0)),
        out_shape=jax.ShapeDtypeStruct((n_pad, 8), F32),
    )(nf, agg, *[w[k] for k in _E_KEYS])



_NC, _NS, _CH = 2, 16, 128


def _sc_gather(nf, src3d, dst3d, e_pad):
    nw = _NC * _NS
    n_chunks = e_pad // (nw * _CH)
    mesh = plsc.VectorSubcoreMesh(core_axis_name="c", subcore_axis_name="s")

    @functools.partial(
        pl.kernel, mesh=mesh,
        out_type=[jax.ShapeDtypeStruct((e_pad, 128), F32),
                  jax.ShapeDtypeStruct((e_pad, 128), F32)],
        scratch_types=[pltpu.VMEM((n_chunks, _CH), jnp.int32),
                       pltpu.VMEM((n_chunks, _CH), jnp.int32),
                       pltpu.VMEM((_CH, 128), F32),
                       pltpu.VMEM((_CH, 128), F32),
                       pltpu.SemaphoreType.DMA,
                       pltpu.SemaphoreType.DMA])
    def k(nf_hbm, src_hbm, dst_hbm, gsrc_hbm, gdst_hbm,
          src_v, dst_v, b0, b1, sem0, sem1):
        wid = lax.axis_index("s") * _NC + lax.axis_index("c")
        c0 = wid * n_chunks
        pltpu.sync_copy(src_hbm.at[wid], src_v)
        pltpu.sync_copy(dst_hbm.at[wid], dst_v)

        def body(j, carry):
            cp0 = pltpu.async_copy(nf_hbm.at[src_v.at[j]], b0, sem0)
            cp1 = pltpu.async_copy(nf_hbm.at[dst_v.at[j]], b1, sem1)
            cp0.wait()
            pltpu.sync_copy(b0, gsrc_hbm.at[pl.ds((c0 + j) * _CH, _CH)])
            cp1.wait()
            pltpu.sync_copy(b1, gdst_hbm.at[pl.ds((c0 + j) * _CH, _CH)])
            return carry

        lax.fori_loop(0, n_chunks, body, 0)

    return k(nf, src3d, dst3d)


def _sc_scatter(msgs, dst3, zrows, n_pad, e_pad):
    chunks_total = e_pad // _CH
    cpt = chunks_total // _NS
    nsub = n_pad // 4
    acc_rows = nsub + 16
    zrt = acc_rows // _NS
    wrt = nsub // _NS
    mesh = plsc.VectorSubcoreMesh(core_axis_name="c", subcore_axis_name="s")

    @functools.partial(
        pl.kernel, mesh=mesh,
        out_type=jax.ShapeDtypeStruct((n_pad, 128), F32),
        scratch_types=[pltpu.VMEM((1, 1, _CH), jnp.int32),
                       pltpu.VMEM((1, 1, _CH), jnp.int32),
                       pltpu.VMEM((_CH, 128), F32),
                       pltpu.VMEM_SHARED((acc_rows, 128), F32),
                       pltpu.SemaphoreType.DMA,
                       pltpu.SemaphoreType.DMA])
    def k(msgs_hbm, dst_hbm, z_hbm, out_hbm, idxb, ridx, mb0, acc, sm0, si0):
        c = lax.axis_index("c")
        s = lax.axis_index("s")

        for kk in range(2):
            r = 2 * c + kk
            base = r * nsub
            pltpu.sync_copy(z_hbm.at[pl.ds(0, zrt)],
                            acc.at[pl.ds(s * zrt, zrt)])
            plsc.subcore_barrier()

            def body(j, carry):
                row0 = (s * cpt + j) * _CH
                cp = pltpu.async_copy(msgs_hbm.at[pl.ds(row0, _CH)],
                                      mb0, sm0)
                ci = pltpu.async_copy(dst_hbm.at[pl.ds(s * cpt + j, 1)],
                                      idxb, si0)
                ci.wait()
                for l in range(_CH // 16):
                    iv = idxb[0, 0, pl.ds(16 * l, 16)]
                    loc = iv - base
                    ok = (loc >= 0) & (loc < nsub)
                    ridx[0, 0, pl.ds(16 * l, 16)] = jnp.where(
                        ok, loc, nsub)
                cp.wait()
                pltpu.sync_copy(mb0, acc.at[ridx.at[0, 0]], add=True)
                return carry

            lax.fori_loop(0, cpt, body, 0)
            plsc.subcore_barrier()
            pltpu.sync_copy(
                acc.at[pl.ds(s * wrt, wrt)],
                out_hbm.at[pl.ds(base + s * wrt, wrt)])
            plsc.subcore_barrier()

    return k(msgs, dst3, zrows)




def kernel(x_s, x_v, edge_index, ntypes, etypes, eattr_s, eattr_v, params):
    n = x_s.shape[0]
    e = edge_index.shape[1]
    blk_n, blk_e = 256, 512
    n_pad = -(-n // 256) * 256
    e_pad = -(-e // 4096) * 4096
    w = _prep_weights(params)

    xv_flat = jnp.transpose(x_v, (0, 2, 1)).reshape(n, 9)
    nodes_in = jnp.concatenate(
        [x_s, xv_flat, ntypes.astype(F32)[:, None]], axis=1)
    nodes_in = jnp.pad(nodes_in, ((0, n_pad - n), (0, 0)))

    ein = jnp.concatenate(
        [eattr_s, eattr_v.reshape(e, 3), etypes.astype(F32)[:, None]], axis=1)
    ein = jnp.pad(ein, ((0, e_pad - e), (0, 0)))

    src = jnp.pad(edge_index[0].astype(jnp.int32), (0, e_pad - e))
    dst = jnp.pad(edge_index[1].astype(jnp.int32), (0, e_pad - e))
    nw = _NC * _NS
    src3d = src.reshape(nw, e_pad // (nw * _CH), _CH)
    dst3d = dst.reshape(nw, e_pad // (nw * _CH), _CH)
    dst3 = dst.reshape(e_pad // _CH, 1, _CH)

    nf = _tc_node_prep(nodes_in, w, n_pad, blk_n)
    gsrc, gdst = _sc_gather(nf, src3d, dst3d, e_pad)
    msgs = _tc_edge_msgs(gsrc, gdst, ein, w, e_pad, e, blk_e)
    zrows = jnp.zeros(((n_pad // 4 + 16) // _NS, 128), F32)
    agg = _sc_scatter(msgs, dst3, zrows, n_pad, e_pad)
    out = _tc_final(nf, agg, w, n_pad, blk_n)
    return out[:n]

# --- scband reference (transcript-rebuilt; emitter-appended) ---
"""Pipeline reference for scband-vector-protein-gnn-pocket-miner-18013092839589 (READ-ONLY COPY).

The authoritative reference and input builder live on the scoring server;
editing this copy changes nothing except your own understanding.
"""

import jax, jax.numpy as jnp
import numpy as np

N_NODES = 50000
N_EDGES = 800000
NUM_CONVS = 1

def _gvp_params(key, si, vi, so, vo):
    h = max(vi, vo)
    k1, k2, k3 = jax.random.split(key, 3)
    p = {'Wh': jax.random.normal(k1, (vi, h), dtype=jnp.float32) / np.sqrt(vi),
         'Ws': jax.random.normal(k2, (si + h, so), dtype=jnp.float32) / np.sqrt(si + h),
         'bs': jnp.zeros((so,), dtype=jnp.float32)}
    if vo > 0:
        p['Wv'] = jax.random.normal(k3, (h, vo), dtype=jnp.float32) / np.sqrt(h)
    return p

def _ln_params(n):
    return {'g': jnp.ones((n,), dtype=jnp.float32), 'b': jnp.zeros((n,), dtype=jnp.float32)}

def _gvp(p, s, v):
    # GVP with activations=(None, None), vector_gate=False (as in the torch model)
    vh = jnp.einsum('nic,ih->nhc', v, p['Wh'])
    vn = jnp.sqrt(jnp.maximum(jnp.sum(vh * vh, axis=-1), 1e-8))
    s_out = jnp.concatenate([s, vn], axis=-1) @ p['Ws'] + p['bs']
    if 'Wv' in p:
        return s_out, jnp.einsum('nhc,ho->noc', vh, p['Wv'])
    return s_out, None

def _ln(p, s, v):
    # gvp.LayerNorm: standard LN on scalars, RMS-over-channels norm on vectors
    mu = jnp.mean(s, axis=-1, keepdims=True)
    var = jnp.var(s, axis=-1, keepdims=True)
    s_out = (s - mu) / jnp.sqrt(var + 1e-5) * p['g'] + p['b']
    vn = jnp.maximum(jnp.sum(v * v, axis=-1, keepdims=True), 1e-8)
    vn = jnp.sqrt(jnp.mean(vn, axis=-2, keepdims=True))
    return s_out, v / vn

def _make_params():
    key = jax.random.key(42)
    ks = jax.random.split(key, 24)
    convs = []
    for i in range(NUM_CONVS):
        kc = jax.random.split(ks[16 + i], 8)
        convs.append({
            'msg0': _gvp_params(kc[0], 160, 17, 64, 8),
            'msg1': _gvp_params(kc[1], 64, 8, 64, 8),
            'msg2': _gvp_params(kc[2], 64, 8, 64, 8),
            'norm0': _ln_params(64),
            'ff0': _gvp_params(kc[3], 64, 8, 256, 16),
            'ff1': _gvp_params(kc[4], 256, 16, 64, 8),
            'norm1': _ln_params(64),
        })
    return {
        'np_gvp': _gvp_params(ks[0], 6, 3, 64, 8),
        'np_ln': _ln_params(64),
        'ep_gvp': _gvp_params(ks[1], 32, 1, 32, 1),
        'ep_ln': _ln_params(32),
        'ntype_emb': jax.random.normal(ks[2], (20, 16), dtype=jnp.float32) * 0.1,
        'etype_emb': jax.random.normal(ks[3], (4, 8), dtype=jnp.float32) * 0.1,
        'gn_ln': _ln_params(80),
        'gn_gvp': _gvp_params(ks[4], 80, 8, 64, 8),
        'ge_ln': _ln_params(40),
        'ge_gvp': _gvp_params(ks[5], 40, 1, 32, 1),
        'convs': convs,
        'final_ln': _ln_params(64),
        'out_gvp': _gvp_params(ks[6], 64, 8, 8, 0),
    }

def setup_inputs(seed: int = 0):
    key = jax.random.key(seed)
    ks = jax.random.split(key, 8)
    return {
        'x_s': jax.random.normal(ks[0], (N_NODES, 6), dtype=jnp.float32),
        'x_v': jax.random.normal(ks[1], (N_NODES, 3, 3), dtype=jnp.float32),
        'edge_index': jax.random.randint(ks[2], (2, N_EDGES), 0, N_NODES),
        'ntypes': jax.random.randint(ks[3], (N_NODES,), 0, 20),
        'etypes': jax.random.randint(ks[4], (N_EDGES,), 0, 4),
        'eattr_s': jax.random.normal(ks[5], (N_EDGES, 32), dtype=jnp.float32),
        'eattr_v': jax.random.normal(ks[6], (N_EDGES, 1, 3), dtype=jnp.float32),
        'params': _make_params(),
    }

def _forward(x_s, x_v, eattr_s, eattr_v, params, edge_index, ntypes, etypes):
    p = params
    # initial structural projections (GVP then LayerNorm)
    s, v = _gvp(p['np_gvp'], x_s, x_v)
    s, v = _ln(p['np_ln'], s, v)
    es, ev = _gvp(p['ep_gvp'], eattr_s, eattr_v)
    es, ev = _ln(p['ep_ln'], es, ev)
    # embed types and concatenate to scalar channels
    s = jnp.concatenate([p['ntype_emb'][ntypes], s], axis=-1)
    es = jnp.concatenate([p['etype_emb'][etypes], es], axis=-1)
    # gvp_node / gvp_edge (LayerNorm then GVP)
    s, v = _ln(p['gn_ln'], s, v)
    s, v = _gvp(p['gn_gvp'], s, v)
    es, ev = _ln(p['ge_ln'], es, ev)
    es, ev = _gvp(p['ge_gvp'], es, ev)
    src = edge_index[0]
    dst = edge_index[1]
    n = s.shape[0]
    for lp in p['convs']:
        # GVPConv message: tuple_cat((s_j, v_j), edge_attr, (s_i, v_i)), j=src, i=dst
        ms = jnp.concatenate([s[src], es, s[dst]], axis=-1)
        mv = jnp.concatenate([v[src], ev, v[dst]], axis=-2)
        ms, mv = _gvp(lp['msg0'], ms, mv)
        ms, mv = _gvp(lp['msg1'], ms, mv)
        ms, mv = _gvp(lp['msg2'], ms, mv)
        # mean aggregation to destination nodes
        agg_s = jax.ops.segment_sum(ms, dst, num_segments=n)
        agg_v = jax.ops.segment_sum(mv, dst, num_segments=n)
        cnt = jnp.maximum(jax.ops.segment_sum(jnp.ones((ms.shape[0],), dtype=jnp.float32), dst, num_segments=n), 1.0)
        dh_s = agg_s / cnt[:, None]
        dh_v = agg_v / cnt[:, None, None]
        # residual + norm (dropout is identity in eval)
        s, v = _ln(lp['norm0'], s + dh_s, v + dh_v)
        fs, fv = _gvp(lp['ff0'], s, v)
        fs, fv = _gvp(lp['ff1'], fs, fv)
        s, v = _ln(lp['norm1'], s + fs, v + fv)
    s, v = _ln(p['final_ln'], s, v)
    out, _ = _gvp(p['out_gvp'], s, v)  # vo=0 -> scalar-only output
    return out

def reference(x_s, x_v, edge_index, ntypes, etypes, eattr_s, eattr_v, params):
    return _forward(x_s, x_v, eattr_s, eattr_v, params, edge_index, ntypes, etypes)

if __name__ == "__main__":
    import jax
    _d = setup_inputs()
    print(jax.jit(kernel)(*tuple(_d.values())))

</pallas_src>

<mosaic_0001>
#map = affine_map<(d0, d1) -> (0, 0)>
#map1 = affine_map<(d0, d1) -> (0, 0, 0)>
module attributes {stable_mosaic.version = 14 : i64} {
  func.func @k(%arg0: i32, %arg1: i32, %arg2: memref<50176x128xf32, #tpu.memory_space<hbm>>, %arg3: memref<32x196x128xi32, #tpu.memory_space<hbm>>, %arg4: memref<32x196x128xi32, #tpu.memory_space<hbm>>, %arg5: memref<802816x128xf32, #tpu.memory_space<hbm>>, %arg6: memref<802816x128xf32, #tpu.memory_space<hbm>>, %arg7: memref<196x128xi32, #tpu.memory_space<vmem>>, %arg8: memref<196x128xi32, #tpu.memory_space<vmem>>, %arg9: memref<128x128xf32, #tpu.memory_space<vmem>>, %arg10: memref<128x128xf32, #tpu.memory_space<vmem>>, %arg11: memref<!tpu.dma_semaphore, #tpu.memory_space<semaphore_mem>>, %arg12: memref<!tpu.dma_semaphore, #tpu.memory_space<semaphore_mem>>) attributes {dimension_semantics = [#tpu.dimension_semantics<core_parallel>, #tpu.dimension_semantics<subcore_parallel>], iteration_bounds = array<i64: 2, 16>, scalar_prefetch = 0 : i64, scratch_operands = 6 : i64, tpu.core_type = #tpu.core_type<sc_vector_subcore>, window_params = [{transform_indices = #map}, {transform_indices = #map1}, {transform_indices = #map1}, {transform_indices = #map}, {transform_indices = #map}]} {
    %mul3A = arith.constant 2 : i32
    %mul3A_0 = arith.muli %arg1, %mul3A : i32
    %add3A = arith.addi %mul3A_0, %arg0 : i32
    %mul3A_1 = arith.constant 196 : i32
    %mul3A_2 = arith.muli %add3A, %mul3A_1 : i32
    "tpu.region"() ({
      %run_scoped3A = tpu.sem_alloc : memref<!tpu.dma_semaphore, #tpu.memory_space<semaphore_mem>>
      %dma_start3A = arith.constant 0 : i32
      %dma_start3A_8 = arith.constant 0 : i32
      %dma_start3A_9 = tpu.memref_slice %arg3[%add3A, %dma_start3A, %dma_start3A_8] : memref<32x196x128xi32, #tpu.memory_space<hbm>> -> memref<1x196x128xi32, #tpu.memory_space<hbm>>
      %dma_start3A_10 = tpu.memref_squeeze %dma_start3A_9 : memref<1x196x128xi32, #tpu.memory_space<hbm>> -> memref<196x128xi32, #tpu.memory_space<hbm>>
      %dma_start3A_11 = arith.constant 0 : i32
      %dma_start3A_12 = arith.constant 0 : i32
      %dma_start3A_13 = tpu.memref_slice %arg3[%add3A, %dma_start3A_11, %dma_start3A_12] : memref<32x196x128xi32, #tpu.memory_space<hbm>> -> memref<1x196x128xi32, #tpu.memory_space<hbm>>
      %dma_start3A_14 = tpu.memref_squeeze %dma_start3A_13 : memref<1x196x128xi32, #tpu.memory_space<hbm>> -> memref<196x128xi32, #tpu.memory_space<hbm>>
      tpu.enqueue_dma source(%dma_start3A_14 : memref<196x128xi32, #tpu.memory_space<hbm>>) target(%arg7 : memref<196x128xi32, #tpu.memory_space<vmem>>) target_semaphore(%run_scoped3A : memref<!tpu.dma_semaphore, #tpu.memory_space<semaphore_mem>>)
      %dma_wait3A = arith.constant 0 : i32
      %dma_wait3A_15 = arith.constant 0 : i32
      %dma_wait3A_16 = tpu.memref_slice %arg3[%add3A, %dma_wait3A, %dma_wait3A_15] : memref<32x196x128xi32, #tpu.memory_space<hbm>> -> memref<1x196x128xi32, #tpu.memory_space<hbm>>
      %dma_wait3A_17 = tpu.memref_squeeze %dma_wait3A_16 : memref<1x196x128xi32, #tpu.memory_space<hbm>> -> memref<196x128xi32, #tpu.memory_space<hbm>>
      %dma_wait3A_18 = arith.constant 0 : i32
      %dma_wait3A_19 = arith.constant 0 : i32
      %dma_wait3A_20 = tpu.memref_slice %arg3[%add3A, %dma_wait3A_18, %dma_wait3A_19] : memref<32x196x128xi32, #tpu.memory_space<hbm>> -> memref<1x196x128xi32, #tpu.memory_space<hbm>>
      %dma_wait3A_21 = tpu.memref_squeeze %dma_wait3A_20 : memref<1x196x128xi32, #tpu.memory_space<hbm>> -> memref<196x128xi32, #tpu.memory_space<hbm>>
      tpu.wait_dma2 semaphore(%run_scoped3A : memref<!tpu.dma_semaphore, #tpu.memory_space<semaphore_mem>>) src(%dma_wait3A_21 : memref<196x128xi32, #tpu.memory_space<hbm>>) dst(%arg7 : memref<196x128xi32, #tpu.memory_space<vmem>>)
      tpu.yield
    }) : () -> ()
    "tpu.region"() ({
      %run_scoped3A = tpu.sem_alloc : memref<!tpu.dma_semaphore, #tpu.memory_space<semaphore_mem>>
      %dma_start3A = arith.constant 0 : i32
      %dma_start3A_8 = arith.constant 0 : i32
      %dma_start3A_9 = tpu.memref_slice %arg4[%add3A, %dma_start3A, %dma_start3A_8] : memref<32x196x128xi32, #tpu.memory_space<hbm>> -> memref<1x196x128xi32, #tpu.memory_space<hbm>>
      %dma_start3A_10 = tpu.memref_squeeze %dma_start3A_9 : memref<1x196x128xi32, #tpu.memory_space<hbm>> -> memref<196x128xi32, #tpu.memory_space<hbm>>
      %dma_start3A_11 = arith.constant 0 : i32
      %dma_start3A_12 = arith.constant 0 : i32
      %dma_start3A_13 = tpu.memref_slice %arg4[%add3A, %dma_start3A_11, %dma_start3A_12] : memref<32x196x128xi32, #tpu.memory_space<hbm>> -> memref<1x196x128xi32, #tpu.memory_space<hbm>>
      %dma_start3A_14 = tpu.memref_squeeze %dma_start3A_13 : memref<1x196x128xi32, #tpu.memory_space<hbm>> -> memref<196x128xi32, #tpu.memory_space<hbm>>
      tpu.enqueue_dma source(%dma_start3A_14 : memref<196x128xi32, #tpu.memory_space<hbm>>) target(%arg8 : memref<196x128xi32, #tpu.memory_space<vmem>>) target_semaphore(%run_scoped3A : memref<!tpu.dma_semaphore, #tpu.memory_space<semaphore_mem>>)
      %dma_wait3A = arith.constant 0 : i32
      %dma_wait3A_15 = arith.constant 0 : i32
      %dma_wait3A_16 = tpu.memref_slice %arg4[%add3A, %dma_wait3A, %dma_wait3A_15] : memref<32x196x128xi32, #tpu.memory_space<hbm>> -> memref<1x196x128xi32, #tpu.memory_space<hbm>>
      %dma_wait3A_17 = tpu.memref_squeeze %dma_wait3A_16 : memref<1x196x128xi32, #tpu.memory_space<hbm>> -> memref<196x128xi32, #tpu.memory_space<hbm>>
      %dma_wait3A_18 = arith.constant 0 : i32
      %dma_wait3A_19 = arith.constant 0 : i32
      %dma_wait3A_20 = tpu.memref_slice %arg4[%add3A, %dma_wait3A_18, %dma_wait3A_19] : memref<32x196x128xi32, #tpu.memory_space<hbm>> -> memref<1x196x128xi32, #tpu.memory_space<hbm>>
      %dma_wait3A_21 = tpu.memref_squeeze %dma_wait3A_20 : memref<1x196x128xi32, #tpu.memory_space<hbm>> -> memref<196x128xi32, #tpu.memory_space<hbm>>
      tpu.wait_dma2 semaphore(%run_scoped3A : memref<!tpu.dma_semaphore, #tpu.memory_space<semaphore_mem>>) src(%dma_wait3A_21 : memref<196x128xi32, #tpu.memory_space<hbm>>) dst(%arg8 : memref<196x128xi32, #tpu.memory_space<vmem>>)
      tpu.yield
    }) : () -> ()
    %scan3A = arith.constant 0 : i32
    %scan3A_3 = arith.constant 0 : i32
    %scan3A_4 = arith.constant 196 : i32
    %scan3A_5 = arith.addi %scan3A_3, %scan3A_4 : i32
    %scan3A_6 = arith.constant 1 : i32
    scf.for %scan3A_8 = %scan3A_3 to %scan3A_5 step %scan3A_6  : i32 {
      %dma_start3A = arith.constant 0 : i32
      %dma_start3A_9 = tpu.memref_slice %arg7[%scan3A_8, %dma_start3A] : memref<196x128xi32, #tpu.memory_space<vmem>> -> memref<1x128xi32, #tpu.memory_space<vmem>>
      %dma_start3A_10 = tpu.memref_squeeze %dma_start3A_9 : memref<1x128xi32, #tpu.memory_space<vmem>> -> memref<128xi32, #tpu.memory_space<vmem>>
      %dma_start3A_11 = arith.constant 0 : i32
      %dma_start3A_12 = arith.constant 0 : i32
      %dma_start3A_13 = tpu.memref_slice %arg2[%dma_start3A_11, %dma_start3A_12] : memref<50176x128xf32, #tpu.memory_space<hbm>> -> memref<50176x128xf32, #tpu.memory_space<hbm>>
      tpu.enqueue_indirect_dma source(%dma_start3A_13 : memref<50176x128xf32, #tpu.memory_space<hbm>>) target(%arg9 : memref<128x128xf32, #tpu.memory_space<vmem>>) offsets(%dma_start3A_10 : memref<128xi32, #tpu.memory_space<vmem>>) semaphore(%arg11 : memref<!tpu.dma_semaphore, #tpu.memory_space<semaphore_mem>>)
      %dma_start3A_14 = arith.constant 0 : i32
      %dma_start3A_15 = tpu.memref_slice %arg8[%scan3A_8, %dma_start3A_14] : memref<196x128xi32, #tpu.memory_space<vmem>> -> memref<1x128xi32, #tpu.memory_space<vmem>>
      %dma_start3A_16 = tpu.memref_squeeze %dma_start3A_15 : memref<1x128xi32, #tpu.memory_space<vmem>> -> memref<128xi32, #tpu.memory_space<vmem>>
      %dma_start3A_17 = arith.constant 0 : i32
      %dma_start3A_18 = arith.constant 0 : i32
      %dma_start3A_19 = tpu.memref_slice %arg2[%dma_start3A_17, %dma_start3A_18] : memref<50176x128xf32, #tpu.memory_space<hbm>> -> memref<50176x128xf32, #tpu.memory_space<hbm>>
      tpu.enqueue_indirect_dma source(%dma_start3A_19 : memref<50176x128xf32, #tpu.memory_space<hbm>>) target(%arg10 : memref<128x128xf32, #tpu.memory_space<vmem>>) offsets(%dma_start3A_16 : memref<128xi32, #tpu.memory_space<vmem>>) semaphore(%arg12 : memref<!tpu.dma_semaphore, #tpu.memory_space<semaphore_mem>>)
      %dma_wait3A = arith.constant 0 : i32
      %dma_wait3A_20 = tpu.memref_slice %arg7[%scan3A_8, %dma_wait3A] : memref<196x128xi32, #tpu.memory_space<vmem>> -> memref<1x128xi32, #tpu.memory_space<vmem>>
      %dma_wait3A_21 = tpu.memref_squeeze %dma_wait3A_20 : memref<1x128xi32, #tpu.memory_space<vmem>> -> memref<128xi32, #tpu.memory_space<vmem>>
      %dma_wait3A_22 = arith.constant 0 : i32
      %dma_wait3A_23 = arith.constant 0 : i32
      %dma_wait3A_24 = tpu.memref_slice %arg2[%dma_wait3A_22, %dma_wait3A_23] : memref<50176x128xf32, #tpu.memory_space<hbm>> -> memref<50176x128xf32, #tpu.memory_space<hbm>>
      tpu.wait_indirect_dma semaphore(%arg11 : memref<!tpu.dma_semaphore, #tpu.memory_space<semaphore_mem>>) src(%dma_wait3A_24 : memref<50176x128xf32, #tpu.memory_space<hbm>>) dst(%arg9 : memref<128x128xf32, #tpu.memory_space<vmem>>)
      %add3A_25 = arith.addi %mul3A_2, %scan3A_8 : i32
      %mul3A_26 = arith.constant 128 : i32
      %mul3A_27 = arith.muli %add3A_25, %mul3A_26 : i32
      "tpu.region"() ({
        %run_scoped3A = tpu.sem_alloc : memref<!tpu.dma_semaphore, #tpu.memory_space<semaphore_mem>>
        %dma_start3A_37 = arith.constant 0 : i32
        %dma_start3A_38 = tpu.memref_slice %arg5[%mul3A_27, %dma_start3A_37] : memref<802816x128xf32, #tpu.memory_space<hbm>> -> memref<128x128xf32, #tpu.memory_space<hbm>>
        %dma_start3A_39 = arith.constant 0 : i32
        %dma_start3A_40 = tpu.memref_slice %arg5[%mul3A_27, %dma_start3A_39] : memref<802816x128xf32, #tpu.memory_space<hbm>> -> memref<128x128xf32, #tpu.memory_space<hbm>>
        tpu.enqueue_dma source(%arg9 : memref<128x128xf32, #tpu.memory_space<vmem>>) target(%dma_start3A_40 : memref<128x128xf32, #tpu.memory_space<hbm>>) target_semaphore(%run_scoped3A : memref<!tpu.dma_semaphore, #tpu.memory_space<semaphore_mem>>)
        %dma_wait3A_41 = arith.constant 0 : i32
        %dma_wait3A_42 = tpu.memref_slice %arg5[%mul3A_27, %dma_wait3A_41] : memref<802816x128xf32, #tpu.memory_space<hbm>> -> memref<128x128xf32, #tpu.memory_space<hbm>>
        %dma_wait3A_43 = arith.constant 0 : i32
        %dma_wait3A_44 = tpu.memref_slice %arg5[%mul3A_27, %dma_wait3A_43] : memref<802816x128xf32, #tpu.memory_space<hbm>> -> memref<128x128xf32, #tpu.memory_space<hbm>>
        tpu.wait_dma2 semaphore(%run_scoped3A : memref<!tpu.dma_semaphore, #tpu.memory_space<semaphore_mem>>) src(%arg9 : memref<128x128xf32, #tpu.memory_space<vmem>>) dst(%dma_wait3A_44 : memref<128x128xf32, #tpu.memory_space<hbm>>)
        tpu.yield
      }) : () -> ()
      %dma_wait3A_28 = arith.constant 0 : i32
      %dma_wait3A_29 = tpu.memref_slice %arg8[%scan3A_8, %dma_wait3A_28] : memref<196x128xi32, #tpu.memory_space<vmem>> -> memref<1x128xi32, #tpu.memory_space<vmem>>
      %dma_wait3A_30 = tpu.memref_squeeze %dma_wait3A_29 : memref<1x128xi32, #tpu.memory_space<vmem>> -> memref<128xi32, #tpu.memory_space<vmem>>
      %dma_wait3A_31 = arith.constant 0 : i32
      %dma_wait3A_32 = arith.constant 0 : i32
      %dma_wait3A_33 = tpu.memref_slice %arg2[%dma_wait3A_31, %dma_wait3A_32] : memref<50176x128xf32, #tpu.memory_space<hbm>> -> memref<50176x128xf32, #tpu.memory_space<hbm>>
      tpu.wait_indirect_dma semaphore(%arg12 : memref<!tpu.dma_semaphore, #tpu.memory_space<semaphore_mem>>) src(%dma_wait3A_33 : memref<50176x128xf32, #tpu.memory_space<hbm>>) dst(%arg10 : memref<128x128xf32, #tpu.memory_space<vmem>>)
      %add3A_34 = arith.addi %mul3A_2, %scan3A_8 : i32
      %mul3A_35 = arith.constant 128 : i32
      %mul3A_36 = arith.muli %add3A_34, %mul3A_35 : i32
      "tpu.region"() ({
        %run_scoped3A = tpu.sem_alloc : memref<!tpu.dma_semaphore, #tpu.memory_space<semaphore_mem>>
        %dma_start3A_37 = arith.constant 0 : i32
        %dma_start3A_38 = tpu.memref_slice %arg6[%mul3A_36, %dma_start3A_37] : memref<802816x128xf32, #tpu.memory_space<hbm>> -> memref<128x128xf32, #tpu.memory_space<hbm>>
        %dma_start3A_39 = arith.constant 0 : i32
        %dma_start3A_40 = tpu.memref_slice %arg6[%mul3A_36, %dma_start3A_39] : memref<802816x128xf32, #tpu.memory_space<hbm>> -> memref<128x128xf32, #tpu.memory_space<hbm>>
        tpu.enqueue_dma source(%arg10 : memref<128x128xf32, #tpu.memory_space<vmem>>) target(%dma_start3A_40 : memref<128x128xf32, #tpu.memory_space<hbm>>) target_semaphore(%run_scoped3A : memref<!tpu.dma_semaphore, #tpu.memory_space<semaphore_mem>>)
        %dma_wait3A_41 = arith.constant 0 : i32
        %dma_wait3A_42 = tpu.memref_slice %arg6[%mul3A_36, %dma_wait3A_41] : memref<802816x128xf32, #tpu.memory_space<hbm>> -> memref<128x128xf32, #tpu.memory_space<hbm>>
        %dma_wait3A_43 = arith.constant 0 : i32
        %dma_wait3A_44 = tpu.memref_slice %arg6[%mul3A_36, %dma_wait3A_43] : memref<802816x128xf32, #tpu.memory_space<hbm>> -> memref<128x128xf32, #tpu.memory_space<hbm>>
        tpu.wait_dma2 semaphore(%run_scoped3A : memref<!tpu.dma_semaphore, #tpu.memory_space<semaphore_mem>>) src(%arg10 : memref<128x128xf32, #tpu.memory_space<vmem>>) dst(%dma_wait3A_44 : memref<128x128xf32, #tpu.memory_space<hbm>>)
        tpu.yield
      }) : () -> ()
    }
    %scan3A_7 = arith.constant 196 : i32
    return
  }
}

#map = affine_map<(d0, d1) -> (0, 0)>
#map1 = affine_map<(d0, d1) -> (0, 0, 0)>
module attributes {stable_mosaic.version = 14 : i64} {
  func.func @k(%arg0: i32, %arg1: i32, %arg2: memref<802816x128xf32, #tpu.memory_space<hbm>>, %arg3: memref<6272x1x128xi32, #tpu.memory_space<hbm>>, %arg4: memref<785x128xf32, #tpu.memory_space<hbm>>, %arg5: memref<50176x128xf32, #tpu.memory_space<hbm>>, %arg6: memref<1x1x128xi32, #tpu.memory_space<vmem>>, %arg7: memref<1x1x128xi32, #tpu.memory_space<vmem>>, %arg8: memref<128x128xf32, #tpu.memory_space<vmem>>, %arg9: memref<12560x128xf32, #tpu.memory_space<vmem_shared>>, %arg10: memref<!tpu.dma_semaphore, #tpu.memory_space<semaphore_mem>>, %arg11: memref<!tpu.dma_semaphore, #tpu.memory_space<semaphore_mem>>) attributes {dimension_semantics = [#tpu.dimension_semantics<core_parallel>, #tpu.dimension_semantics<subcore_parallel>], iteration_bounds = array<i64: 2, 16>, scalar_prefetch = 0 : i64, scratch_operands = 6 : i64, tpu.core_type = #tpu.core_type<sc_vector_subcore>, window_params = [{transform_indices = #map}, {transform_indices = #map1}, {transform_indices = #map}, {transform_indices = #map}]} {
    %mul3A = arith.constant 2 : i32
    %mul3A_0 = arith.muli %mul3A, %arg0 : i32
    %add3A = arith.constant 0 : i32
    %add3A_1 = arith.addi %mul3A_0, %add3A : i32
    %mul3A_2 = arith.constant 12544 : i32
    %mul3A_3 = arith.muli %add3A_1, %mul3A_2 : i32
    %mul3A_4 = arith.constant 785 : i32
    %mul3A_5 = arith.muli %arg1, %mul3A_4 : i32
    "tpu.region"() ({
      %run_scoped3A = tpu.sem_alloc : memref<!tpu.dma_semaphore, #tpu.memory_space<semaphore_mem>>
      %dma_start3A = arith.constant 0 : i32
      %dma_start3A_40 = tpu.memref_slice %arg9[%mul3A_5, %dma_start3A] : memref<12560x128xf32, #tpu.memory_space<vmem_shared>> -> memref<785x128xf32, #tpu.memory_space<vmem_shared>>
      %dma_start3A_41 = arith.constant 0 : i32
      %dma_start3A_42 = arith.constant 0 : i32
      %dma_start3A_43 = tpu.memref_slice %arg4[%dma_start3A_41, %dma_start3A_42] : memref<785x128xf32, #tpu.memory_space<hbm>> -> memref<785x128xf32, #tpu.memory_space<hbm>>
      tpu.enqueue_dma source(%dma_start3A_43 : memref<785x128xf32, #tpu.memory_space<hbm>>) target(%dma_start3A_40 : memref<785x128xf32, #tpu.memory_space<vmem_shared>>) target_semaphore(%run_scoped3A : memref<!tpu.dma_semaphore, #tpu.memory_space<semaphore_mem>>)
      %dma_wait3A = arith.constant 0 : i32
      %dma_wait3A_44 = tpu.memref_slice %arg9[%mul3A_5, %dma_wait3A] : memref<12560x128xf32, #tpu.memory_space<vmem_shared>> -> memref<785x128xf32, #tpu.memory_space<vmem_shared>>
      %dma_wait3A_45 = arith.constant 0 : i32
      %dma_wait3A_46 = arith.constant 0 : i32
      %dma_wait3A_47 = tpu.memref_slice %arg4[%dma_wait3A_45, %dma_wait3A_46] : memref<785x128xf32, #tpu.memory_space<hbm>> -> memref<785x128xf32, #tpu.memory_space<hbm>>
      tpu.wait_dma2 semaphore(%run_scoped3A : memref<!tpu.dma_semaphore, #tpu.memory_space<semaphore_mem>>) src(%dma_wait3A_47 : memref<785x128xf32, #tpu.memory_space<hbm>>) dst(%dma_wait3A_44 : memref<785x128xf32, #tpu.memory_space<vmem_shared>>)
      tpu.yield
    }) : () -> ()
    %barrier3A = arith.constant 0 : index
    tpu.barrier barrier_id(%barrier3A)
    %scan3A = arith.constant 0 : i32
    %scan3A_6 = arith.constant 0 : i32
    %scan3A_7 = arith.constant 392 : i32
    %scan3A_8 = arith.addi %scan3A_6, %scan3A_7 : i32
    %scan3A_9 = arith.constant 1 : i32
    scf.for %scan3A_40 = %scan3A_6 to %scan3A_8 step %scan3A_9  : i32 {
      %mul3A_41 = arith.constant 392 : i32
      %mul3A_42 = arith.muli %arg1, %mul3A_41 : i32
      %add3A_43 = arith.addi %mul3A_42, %scan3A_40 : i32
      %mul3A_44 = arith.constant 128 : i32
      %mul3A_45 = arith.muli %add3A_43, %mul3A_44 : i32
      %dma_start3A = arith.constant 0 : i32
      %dma_start3A_46 = tpu.memref_slice %arg2[%mul3A_45, %dma_start3A] : memref<802816x128xf32, #tpu.memory_space<hbm>> -> memref<128x128xf32, #tpu.memory_space<hbm>>
      %dma_start3A_47 = arith.constant 0 : i32
      %dma_start3A_48 = tpu.memref_slice %arg2[%mul3A_45, %dma_start3A_47] : memref<802816x128xf32, #tpu.memory_space<hbm>> -> memref<128x128xf32, #tpu.memory_space<hbm>>
      tpu.enqueue_dma source(%dma_start3A_48 : memref<128x128xf32, #tpu.memory_space<hbm>>) target(%arg8 : memref<128x128xf32, #tpu.memory_space<vmem>>) target_semaphore(%arg10 : memref<!tpu.dma_semaphore, #tpu.memory_space<semaphore_mem>>)
      %mul3A_49 = arith.constant 392 : i32
      %mul3A_50 = arith.muli %arg1, %mul3A_49 : i32
      %add3A_51 = arith.addi %mul3A_50, %scan3A_40 : i32
      %dma_start3A_52 = arith.constant 0 : i32
      %dma_start3A_53 = arith.constant 0 : i32
      %dma_start3A_54 = tpu.memref_slice %arg3[%add3A_51, %dma_start3A_52, %dma_start3A_53] : memref<6272x1x128xi32, #tpu.memory_space<hbm>> -> memref<1x1x128xi32, #tpu.memory_space<hbm>>
      %dma_start3A_55 = arith.constant 0 : i32
      %dma_start3A_56 = arith.constant 0 : i32
      %dma_start3A_57 = tpu.memref_slice %arg3[%add3A_51, %dma_start3A_55, %dma_start3A_56] : memref<6272x1x128xi32, #tpu.memory_space<hbm>> -> memref<1x1x128xi32, #tpu.memory_space<hbm>>
      tpu.enqueue_dma source(%dma_start3A_57 : memref<1x1x128xi32, #tpu.memory_space<hbm>>) target(%arg6 : memref<1x1x128xi32, #tpu.memory_space<vmem>>) target_semaphore(%arg11 : memref<!tpu.dma_semaphore, #tpu.memory_space<semaphore_mem>>)
      %dma_wait3A = arith.constant 0 : i32
      %dma_wait3A_58 = arith.constant 0 : i32
      %dma_wait3A_59 = tpu.memref_slice %arg3[%add3A_51, %dma_wait3A, %dma_wait3A_58] : memref<6272x1x128xi32, #tpu.memory_space<hbm>> -> memref<1x1x128xi32, #tpu.memory_space<hbm>>
      %dma_wait3A_60 = arith.constant 0 : i32
      %dma_wait3A_61 = arith.constant 0 : i32
      %dma_wait3A_62 = tpu.memref_slice %arg3[%add3A_51, %dma_wait3A_60, %dma_wait3A_61] : memref<6272x1x128xi32, #tpu.memory_space<hbm>> -> memref<1x1x128xi32, #tpu.memory_space<hbm>>
      tpu.wait_dma2 semaphore(%arg11 : memref<!tpu.dma_semaphore, #tpu.memory_space<semaphore_mem>>) src(%dma_wait3A_62 : memref<1x1x128xi32, #tpu.memory_space<hbm>>) dst(%arg6 : memref<1x1x128xi32, #tpu.memory_space<vmem>>)
      %get3A = arith.constant 0 : i32
      %get3A_63 = arith.constant 0 : i32
      %get3A_64 = arith.index_cast %get3A : i32 to index
      %get3A_65 = arith.index_cast %get3A_63 : i32 to index
      %get3A_66 = arith.constant 0 : index
      %get3A_67 = tpu.vector_load %arg6[%get3A_64, %get3A_65, %get3A_66] {strides = array<i32>} : memref<1x1x128xi32, #tpu.memory_space<vmem>>, vector<1x1x16xi32>,
      %get3A_68 = vector.shape_cast %get3A_67 : vector<1x1x16xi32> to vector<16xi32>
      %sub3A = vector.broadcast %mul3A_3 : i32 to vector<16xi32>
      %sub3A_69 = arith.subi %get3A_68, %sub3A : vector<16xi32>
      %ge3A = arith.constant 0 : i32
      %ge3A_70 = vector.broadcast %ge3A : i32 to vector<16xi32>
      %ge3A_71 = arith.cmpi sge, %sub3A_69, %ge3A_70 : vector<16xi32>
      %lt3A = arith.constant 12544 : i32
      %lt3A_72 = vector.broadcast %lt3A : i32 to vector<16xi32>
      %lt3A_73 = arith.cmpi slt, %sub3A_69, %lt3A_72 : vector<16xi32>
      %and3A = arith.andi %ge3A_71, %lt3A_73 : vector<16xi1>
      %jit3A = arith.constant 12544 : i32
      %broadcast_in_dim3A = vector.broadcast %jit3A : i32 to vector<16xi32>
      %select_n3A = arith.select %and3A, %sub3A_69, %broadcast_in_dim3A : vector<16xi1>, vector<16xi32>
      %swap3A = arith.constant 0 : i32
      %swap3A_74 = arith.constant 0 : i32
      %swap3A_75 = arith.index_cast %swap3A : i32 to index
      %swap3A_76 = arith.index_cast %swap3A_74 : i32 to index
      %swap3A_77 = arith.constant 0 : index
      %swap3A_78 = tpu.vector_load %arg7[%swap3A_75, %swap3A_76, %swap3A_77] {strides = array<i32>} : memref<1x1x128xi32, #tpu.memory_space<vmem>>, vector<1x1x16xi32>,
      %swap3A_79 = vector.shape_cast %swap3A_78 : vector<1x1x16xi32> to vector<16xi32>
      %swap3A_80 = vector.shape_cast %select_n3A : vector<16xi32> to vector<1x1x16xi32>
      tpu.vector_store %arg7[%swap3A_75, %swap3A_76, %swap3A_77], %swap3A_80 {strides = array<i32>} : memref<1x1x128xi32, #tpu.memory_space<vmem>>, vector<1x1x16xi32>,
      %get3A_81 = arith.constant 0 : i32
      %get3A_82 = arith.constant 0 : i32
      %get3A_83 = arith.index_cast %get3A_81 : i32 to index
      %get3A_84 = arith.index_cast %get3A_82 : i32 to index
      %get3A_85 = arith.constant 16 : index
      %get3A_86 = tpu.vector_load %arg6[%get3A_83, %get3A_84, %get3A_85] {strides = array<i32>} : memref<1x1x128xi32, #tpu.memory_space<vmem>>, vector<1x1x16xi32>,
      %get3A_87 = vector.shape_cast %get3A_86 : vector<1x1x16xi32> to vector<16xi32>
      %sub3A_88 = vector.broadcast %mul3A_3 : i32 to vector<16xi32>
      %sub3A_89 = arith.subi %get3A_87, %sub3A_88 : vector<16xi32>
      %ge3A_90 = arith.constant 0 : i32
      %ge3A_91 = vector.broadcast %ge3A_90 : i32 to vector<16xi32>
      %ge3A_92 = arith.cmpi sge, %sub3A_89, %ge3A_91 : vector<16xi32>
      %lt3A_93 = arith.constant 12544 : i32
      %lt3A_94 = vector.broadcast %lt3A_93 : i32 to vector<16xi32>
      %lt3A_95 = arith.cmpi slt, %sub3A_89, %lt3A_94 : vector<16xi32>
      %and3A_96 = arith.andi %ge3A_92, %lt3A_95 : vector<16xi1>
      %jit3A_97 = arith.constant 12544 : i32
      %broadcast_in_dim3A_98 = vector.broadcast %jit3A_97 : i32 to vector<16xi32>
      %select_n3A_99 = arith.select %and3A_96, %sub3A_89, %broadcast_in_dim3A_98 : vector<16xi1>, vector<16xi32>
      %swap3A_100 = arith.constant 0 : i32
      %swap3A_101 = arith.constant 0 : i32
      %swap3A_102 = arith.index_cast %swap3A_100 : i32 to index
      %swap3A_103 = arith.index_cast %swap3A_101 : i32 to index
      %swap3A_104 = arith.constant 16 : index
      %swap3A_105 = tpu.vector_load %arg7[%swap3A_102, %swap3A_103, %swap3A_104] {strides = array<i32>} : memref<1x1x128xi32, #tpu.memory_space<vmem>>, vector<1x1x16xi32>,
      %swap3A_106 = vector.shape_cast %swap3A_105 : vector<1x1x16xi32> to vector<16xi32>
      %swap3A_107 = vector.shape_cast %select_n3A_99 : vector<16xi32> to vector<1x1x16xi32>
      tpu.vector_store %arg7[%swap3A_102, %swap3A_103, %swap3A_104], %swap3A_107 {strides = array<i32>} : memref<1x1x128xi32, #tpu.memory_space<vmem>>, vector<1x1x16xi32>,
      %get3A_108 = arith.constant 0 : i32
      %get3A_109 = arith.constant 0 : i32
      %get3A_110 = arith.index_cast %get3A_108 : i32 to index
      %get3A_111 = arith.index_cast %get3A_109 : i32 to index
      %get3A_112 = arith.constant 32 : index
      %get3A_113 = tpu.vector_load %arg6[%get3A_110, %get3A_111, %get3A_112] {strides = array<i32>} : memref<1x1x128xi32, #tpu.memory_space<vmem>>, vector<1x1x16xi32>,
      %get3A_114 = vector.shape_cast %get3A_113 : vector<1x1x16xi32> to vector<16xi32>
      %sub3A_115 = vector.broadcast %mul3A_3 : i32 to vector<16xi32>
      %sub3A_116 = arith.subi %get3A_114, %sub3A_115 : vector<16xi32>
      %ge3A_117 = arith.constant 0 : i32
      %ge3A_118 = vector.broadcast %ge3A_117 : i32 to vector<16xi32>
      %ge3A_119 = arith.cmpi sge, %sub3A_116, %ge3A_118 : vector<16xi32>
      %lt3A_120 = arith.constant 12544 : i32
      %lt3A_121 = vector.broadcast %lt3A_120 : i32 to vector<16xi32>
      %lt3A_122 = arith.cmpi slt, %sub3A_116, %lt3A_121 : vector<16xi32>
      %and3A_123 = arith.andi %ge3A_119, %lt3A_122 : vector<16xi1>
      %jit3A_124 = arith.constant 12544 : i32
      %broadcast_in_dim3A_125 = vector.broadcast %jit3A_124 : i32 to vector<16xi32>
      %select_n3A_126 = arith.select %and3A_123, %sub3A_116, %broadcast_in_dim3A_125 : vector<16xi1>, vector<16xi32>
      %swap3A_127 = arith.constant 0 : i32
      %swap3A_128 = arith.constant 0 : i32
      %swap3A_129 = arith.index_cast %swap3A_127 : i32 to index
      %swap3A_130 = arith.index_cast %swap3A_128 : i32 to index
      %swap3A_131 = arith.constant 32 : index
      %swap3A_132 = tpu.vector_load %arg7[%swap3A_129, %swap3A_130, %swap3A_131] {strides = array<i32>} : memref<1x1x128xi32, #tpu.memory_space<vmem>>, vector<1x1x16xi32>,
      %swap3A_133 = vector.shape_cast %swap3A_132 : vector<1x1x16xi32> to vector<16xi32>
      %swap3A_134 = vector.shape_cast %select_n3A_126 : vector<16xi32> to vector<1x1x16xi32>
      tpu.vector_store %arg7[%swap3A_129, %swap3A_130, %swap3A_131], %swap3A_134 {strides = array<i32>} : memref<1x1x128xi32, #tpu.memory_space<vmem>>, vector<1x1x16xi32>,
      %get3A_135 = arith.constant 0 : i32
      %get3A_136 = arith.constant 0 : i32
      %get3A_137 = arith.index_cast %get3A_135 : i32 to index
      %get3A_138 = arith.index_cast %get3A_136 : i32 to index
      %get3A_139 = arith.constant 48 : index
      %get3A_140 = tpu.vector_load %arg6[%get3A_137, %get3A_138, %get3A_139] {strides = array<i32>} : memref<1x1x128xi32, #tpu.memory_space<vmem>>, vector<1x1x16xi32>,
      %get3A_141 = vector.shape_cast %get3A_140 : vector<1x1x16xi32> to vector<16xi32>
      %sub3A_142 = vector.broadcast %mul3A_3 : i32 to vector<16xi32>
      %sub3A_143 = arith.subi %get3A_141, %sub3A_142 : vector<16xi32>
      %ge3A_144 = arith.constant 0 : i32
      %ge3A_145 = vector.broadcast %ge3A_144 : i32 to vector<16xi32>
      %ge3A_146 = arith.cmpi sge, %sub3A_143, %ge3A_145 : vector<16xi32>
      %lt3A_147 = arith.constant 12544 : i32
      %lt3A_148 = vector.broadcast %lt3A_147 : i32 to vector<16xi32>
      %lt3A_149 = arith.cmpi slt, %sub3A_143, %lt3A_148 : vector<16xi32>
      %and3A_150 = arith.andi %ge3A_146, %lt3A_149 : vector<16xi1>
      %jit3A_151 = arith.constant 12544 : i32
      %broadcast_in_dim3A_152 = vector.broadcast %jit3A_151 : i32 to vector<16xi32>
      %select_n3A_153 = arith.select %and3A_150, %sub3A_143, %broadcast_in_dim3A_152 : vector<16xi1>, vector<16xi32>
      %swap3A_154 = arith.constant 0 : i32
      %swap3A_155 = arith.constant 0 : i32
      %swap3A_156 = arith.index_cast %swap3A_154 : i32 to index
      %swap3A_157 = arith.index_cast %swap3A_155 : i32 to index
      %swap3A_158 = arith.constant 48 : index
      %swap3A_159 = tpu.vector_load %arg7[%swap3A_156, %swap3A_157, %swap3A_158] {strides = array<i32>} : memref<1x1x128xi32, #tpu.memory_space<vmem>>, vector<1x1x16xi32>,
      %swap3A_160 = vector.shape_cast %swap3A_159 : vector<1x1x16xi32> to vector<16xi32>
      %swap3A_161 = vector.shape_cast %select_n3A_153 : vector<16xi32> to vector<1x1x16xi32>
      tpu.vector_store %arg7[%swap3A_156, %swap3A_157, %swap3A_158], %swap3A_161 {strides = array<i32>} : memref<1x1x128xi32, #tpu.memory_space<vmem>>, vector<1x1x16xi32>,
      %get3A_162 = arith.constant 0 : i32
      %get3A_163 = arith.constant 0 : i32
      %get3A_164 = arith.index_cast %get3A_162 : i32 to index
      %get3A_165 = arith.index_cast %get3A_163 : i32 to index
      %get3A_166 = arith.constant 64 : index
      %get3A_167 = tpu.vector_load %arg6[%get3A_164, %get3A_165, %get3A_166] {strides = array<i32>} : memref<1x1x128xi32, #tpu.memory_space<vmem>>, vector<1x1x16xi32>,
      %get3A_168 = vector.shape_cast %get3A_167 : vector<1x1x16xi32> to vector<16xi32>
      %sub3A_169 = vector.broadcast %mul3A_3 : i32 to vector<16xi32>
      %sub3A_170 = arith.subi %get3A_168, %sub3A_169 : vector<16xi32>
      %ge3A_171 = arith.constant 0 : i32
      %ge3A_172 = vector.broadcast %ge3A_171 : i32 to vector<16xi32>
      %ge3A_173 = arith.cmpi sge, %sub3A_170, %ge3A_172 : vector<16xi32>
      %lt3A_174 = arith.constant 12544 : i32
      %lt3A_175 = vector.broadcast %lt3A_174 : i32 to vector<16xi32>
      %lt3A_176 = arith.cmpi slt, %sub3A_170, %lt3A_175 : vector<16xi32>
      %and3A_177 = arith.andi %ge3A_173, %lt3A_176 : vector<16xi1>
      %jit3A_178 = arith.constant 12544 : i32
      %broadcast_in_dim3A_179 = vector.broadcast %jit3A_178 : i32 to vector<16xi32>
      %select_n3A_180 = arith.select %and3A_177, %sub3A_170, %broadcast_in_dim3A_179 : vector<16xi1>, vector<16xi32>
      %swap3A_181 = arith.constant 0 : i32
      %swap3A_182 = arith.constant 0 : i32
      %swap3A_183 = arith.index_cast %swap3A_181 : i32 to index
      %swap3A_184 = arith.index_cast %swap3A_182 : i32 to index
      %swap3A_185 = arith.constant 64 : index
      %swap3A_186 = tpu.vector_load %arg7[%swap3A_183, %swap3A_184, %swap3A_185] {strides = array<i32>} : memref<1x1x128xi32, #tpu.memory_space<vmem>>, vector<1x1x16xi32>,
      %swap3A_187 = vector.shape_cast %swap3A_186 : vector<1x1x16xi32> to vector<16xi32>
      %swap3A_188 = vector.shape_cast %select_n3A_180 : vector<16xi32> to vector<1x1x16xi32>
      tpu.vector_store %arg7[%swap3A_183, %swap3A_184, %swap3A_185], %swap3A_188 {strides = array<i32>} : memref<1x1x128xi32, #tpu.memory_space<vmem>>, vector<1x1x16xi32>,
      %get3A_189 = arith.constant 0 : i32
      %get3A_190 = arith.constant 0 : i32
      %get3A_191 = arith.index_cast %get3A_189 : i32 to index
      %get3A_192 = arith.index_cast %get3A_190 : i32 to index
      %get3A_193 = arith.constant 80 : index
      %get3A_194 = tpu.vector_load %arg6[%get3A_191, %get3A_192, %get3A_193] {strides = array<i32>} : memref<1x1x128xi32, #tpu.memory_space<vmem>>, vector<1x1x16xi32>,
      %get3A_195 = vector.shape_cast %get3A_194 : vector<1x1x16xi32> to vector<16xi32>
      %sub3A_196 = vector.broadcast %mul3A_3 : i32 to vector<16xi32>
      %sub3A_197 = arith.subi %get3A_195, %sub3A_196 : vector<16xi32>
      %ge3A_198 = arith.constant 0 : i32
      %ge3A_199 = vector.broadcast %ge3A_198 : i32 to vector<16xi32>
      %ge3A_200 = arith.cmpi sge, %sub3A_197, %ge3A_199 : vector<16xi32>
      %lt3A_201 = arith.constant 12544 : i32
      %lt3A_202 = vector.broadcast %lt3A_201 : i32 to vector<16xi32>
      %lt3A_203 = arith.cmpi slt, %sub3A_197, %lt3A_202 : vector<16xi32>
      %and3A_204 = arith.andi %ge3A_200, %lt3A_203 : vector<16xi1>
      %jit3A_205 = arith.constant 12544 : i32
      %broadcast_in_dim3A_206 = vector.broadcast %jit3A_205 : i32 to vector<16xi32>
      %select_n3A_207 = arith.select %and3A_204, %sub3A_197, %broadcast_in_dim3A_206 : vector<16xi1>, vector<16xi32>
      %swap3A_208 = arith.constant 0 : i32
      %swap3A_209 = arith.constant 0 : i32
      %swap3A_210 = arith.index_cast %swap3A_208 : i32 to index
      %swap3A_211 = arith.index_cast %swap3A_209 : i32 to index
      %swap3A_212 = arith.constant 80 : index
      %swap3A_213 = tpu.vector_load %arg7[%swap3A_210, %swap3A_211, %swap3A_212] {strides = array<i32>} : memref<1x1x128xi32, #tpu.memory_space<vmem>>, vector<1x1x16xi32>,
      %swap3A_214 = vector.shape_cast %swap3A_213 : vector<1x1x16xi32> to vector<16xi32>
      %swap3A_215 = vector.shape_cast %select_n3A_207 : vector<16xi32> to vector<1x1x16xi32>
      tpu.vector_store %arg7[%swap3A_210, %swap3A_211, %swap3A_212], %swap3A_215 {strides = array<i32>} : memref<1x1x128xi32, #tpu.memory_space<vmem>>, vector<1x1x16xi32>,
      %get3A_216 = arith.constant 0 : i32
      %get3A_217 = arith.constant 0 : i32
      %get3A_218 = arith.index_cast %get3A_216 : i32 to index
      %get3A_219 = arith.index_cast %get3A_217 : i32 to index
      %get3A_220 = arith.constant 96 : index
      %get3A_221 = tpu.vector_load %arg6[%get3A_218, %get3A_219, %get3A_220] {strides = array<i32>} : memref<1x1x128xi32, #tpu.memory_space<vmem>>, vector<1x1x16xi32>,
      %get3A_222 = vector.shape_cast %get3A_221 : vector<1x1x16xi32> to vector<16xi32>
      %sub3A_223 = vector.broadcast %mul3A_3 : i32 to vector<16xi32>
      %sub3A_224 = arith.subi %get3A_222, %sub3A_223 : vector<16xi32>
      %ge3A_225 = arith.constant 0 : i32
      %ge3A_226 = vector.broadcast %ge3A_225 : i32 to vector<16xi32>
      %ge3A_227 = arith.cmpi sge, %sub3A_224, %ge3A_226 : vector<16xi32>
      %lt3A_228 = arith.constant 12544 : i32
      %lt3A_229 = vector.broadcast %lt3A_228 : i32 to vector<16xi32>
      %lt3A_230 = arith.cmpi slt, %sub3A_224, %lt3A_229 : vector<16xi32>
      %and3A_231 = arith.andi %ge3A_227, %lt3A_230 : vector<16xi1>
      %jit3A_232 = arith.constant 12544 : i32
      %broadcast_in_dim3A_233 = vector.broadcast %jit3A_232 : i32 to vector<16xi32>
      %select_n3A_234 = arith.select %and3A_231, %sub3A_224, %broadcast_in_dim3A_233 : vector<16xi1>, vector<16xi32>
      %swap3A_235 = arith.constant 0 : i32
      %swap3A_236 = arith.constant 0 : i32
      %swap3A_237 = arith.index_cast %swap3A_235 : i32 to index
      %swap3A_238 = arith.index_cast %swap3A_236 : i32 to index
      %swap3A_239 = arith.constant 96 : index
      %swap3A_240 = tpu.vector_load %arg7[%swap3A_237, %swap3A_238, %swap3A_239] {strides = array<i32>} : memref<1x1x128xi32, #tpu.memory_space<vmem>>, vector<1x1x16xi32>,
      %swap3A_241 = vector.shape_cast %swap3A_240 : vector<1x1x16xi32> to vector<16xi32>
      %swap3A_242 = vector.shape_cast %select_n3A_234 : vector<16xi32> to vector<1x1x16xi32>
      tpu.vector_store %arg7[%swap3A_237, %swap3A_238, %swap3A_239], %swap3A_242 {strides = array<i32>} : memref<1x1x128xi32, #tpu.memory_space<vmem>>, vector<1x1x16xi32>,
      %get3A_243 = arith.constant 0 : i32
      %get3A_244 = arith.constant 0 : i32
      %get3A_245 = arith.index_cast %get3A_243 : i32 to index
      %get3A_246 = arith.index_cast %get3A_244 : i32 to index
      %get3A_247 = arith.constant 112 : index
      %get3A_248 = tpu.vector_load %arg6[%get3A_245, %get3A_246, %get3A_247] {strides = array<i32>} : memref<1x1x128xi32, #tpu.memory_space<vmem>>, vector<1x1x16xi32>,
      %get3A_249 = vector.shape_cast %get3A_248 : vector<1x1x16xi32> to vector<16xi32>
      %sub3A_250 = vector.broadcast %mul3A_3 : i32 to vector<16xi32>
      %sub3A_251 = arith.subi %get3A_249, %sub3A_250 : vector<16xi32>
      %ge3A_252 = arith.constant 0 : i32
      %ge3A_253 = vector.broadcast %ge3A_252 : i32 to vector<16xi32>
      %ge3A_254 = arith.cmpi sge, %sub3A_251, %ge3A_253 : vector<16xi32>
      %lt3A_255 = arith.constant 12544 : i32
      %lt3A_256 = vector.broadcast %lt3A_255 : i32 to vector<16xi32>
      %lt3A_257 = arith.cmpi slt, %sub3A_251, %lt3A_256 : vector<16xi32>
      %and3A_258 = arith.andi %ge3A_254, %lt3A_257 : vector<16xi1>
      %jit3A_259 = arith.constant 12544 : i32
      %broadcast_in_dim3A_260 = vector.broadcast %jit3A_259 : i32 to vector<16xi32>
      %select_n3A_261 = arith.select %and3A_258, %sub3A_251, %broadcast_in_dim3A_260 : vector<16xi1>, vector<16xi32>
      %swap3A_262 = arith.constant 0 : i32
      %swap3A_263 = arith.constant 0 : i32
      %swap3A_264 = arith.index_cast %swap3A_262 : i32 to index
      %swap3A_265 = arith.index_cast %swap3A_263 : i32 to index
      %swap3A_266 = arith.constant 112 : index
      %swap3A_267 = tpu.vector_load %arg7[%swap3A_264, %swap3A_265, %swap3A_266] {strides = array<i32>} : memref<1x1x128xi32, #tpu.memory_space<vmem>>, vector<1x1x16xi32>,
      %swap3A_268 = vector.shape_cast %swap3A_267 : vector<1x1x16xi32> to vector<16xi32>
      %swap3A_269 = vector.shape_cast %select_n3A_261 : vector<16xi32> to vector<1x1x16xi32>
      tpu.vector_store %arg7[%swap3A_264, %swap3A_265, %swap3A_266], %swap3A_269 {strides = array<i32>} : memref<1x1x128xi32, #tpu.memory_space<vmem>>, vector<1x1x16xi32>,
      %dma_wait3A_270 = arith.constant 0 : i32
      %dma_wait3A_271 = tpu.memref_slice %arg2[%mul3A_45, %dma_wait3A_270] : memref<802816x128xf32, #tpu.memory_space<hbm>> -> memref<128x128xf32, #tpu.memory_space<hbm>>
      %dma_wait3A_272 = arith.constant 0 : i32
      %dma_wait3A_273 = tpu.memref_slice %arg2[%mul3A_45, %dma_wait3A_272] : memref<802816x128xf32, #tpu.memory_space<hbm>> -> memref<128x128xf32, #tpu.memory_space<hbm>>
      tpu.wait_dma2 semaphore(%arg10 : memref<!tpu.dma_semaphore, #tpu.memory_space<semaphore_mem>>) src(%dma_wait3A_273 : memref<128x128xf32, #tpu.memory_space<hbm>>) dst(%arg8 : memref<128x128xf32, #tpu.memory_space<vmem>>)
      %run_scoped3A = arith.constant 0 : i32
      %run_scoped3A_274 = arith.constant 0 : i32
      "tpu.region"() ({
        %run_scoped3A_275 = tpu.sem_alloc : memref<!tpu.dma_semaphore, #tpu.memory_space<semaphore_mem>>
        %dma_start3A_276 = arith.constant 0 : i32
        %dma_start3A_277 = tpu.memref_slice %arg7[%run_scoped3A, %run_scoped3A_274, %dma_start3A_276] : memref<1x1x128xi32, #tpu.memory_space<vmem>> -> memref<1x1x128xi32, #tpu.memory_space<vmem>>
        %dma_start3A_278 = tpu.memref_squeeze %dma_start3A_277 : memref<1x1x128xi32, #tpu.memory_space<vmem>> -> memref<128xi32, #tpu.memory_space<vmem>>
        %dma_start3A_279 = arith.constant 0 : i32
        %dma_start3A_280 = arith.constant 0 : i32
        %dma_start3A_281 = tpu.memref_slice %arg9[%dma_start3A_279, %dma_start3A_280] : memref<12560x128xf32, #tpu.memory_space<vmem_shared>> -> memref<12560x128xf32, #tpu.memory_space<vmem_shared>>
        tpu.enqueue_indirect_dma source(%arg8 : memref<128x128xf32, #tpu.memory_space<vmem>>) target(%dma_start3A_281 : memref<12560x128xf32, #tpu.memory_space<vmem_shared>>) offsets(%dma_start3A_278 : memref<128xi32, #tpu.memory_space<vmem>>) semaphore(%run_scoped3A_275 : memref<!tpu.dma_semaphore, #tpu.memory_space<semaphore_mem>>) {add = true}
        %dma_wait3A_282 = arith.constant 0 : i32
        %dma_wait3A_283 = tpu.memref_slice %arg7[%run_scoped3A, %run_scoped3A_274, %dma_wait3A_282] : memref<1x1x128xi32, #tpu.memory_space<vmem>> -> memref<1x1x128xi32, #tpu.memory_space<vmem>>
        %dma_wait3A_284 = tpu.memref_squeeze %dma_wait3A_283 : memref<1x1x128xi32, #tpu.memory_space<vmem>> -> memref<128xi32, #tpu.memory_space<vmem>>
        %dma_wait3A_285 = arith.constant 0 : i32
        %dma_wait3A_286 = arith.constant 0 : i32
        %dma_wait3A_287 = tpu.memref_slice %arg9[%dma_wait3A_285, %dma_wait3A_286] : memref<12560x128xf32, #tpu.memory_space<vmem_shared>> -> memref<12560x128xf32, #tpu.memory_space<vmem_shared>>
        tpu.wait_indirect_dma semaphore(%run_scoped3A_275 : memref<!tpu.dma_semaphore, #tpu.memory_space<semaphore_mem>>) src(%arg8 : memref<128x128xf32, #tpu.memory_space<vmem>>) dst(%dma_wait3A_287 : memref<12560x128xf32, #tpu.memory_space<vmem_shared>>)
        tpu.yield
      }) : () -> ()
    }
    %scan3A_10 = arith.constant 392 : i32
    %barrier3A_11 = arith.constant 0 : index
    tpu.barrier barrier_id(%barrier3A_11)
    %mul3A_12 = arith.constant 784 : i32
    %mul3A_13 = arith.muli %arg1, %mul3A_12 : i32
    %mul3A_14 = arith.constant 784 : i32
    %mul3A_15 = arith.muli %arg1, %mul3A_14 : i32
    %add3A_16 = arith.addi %mul3A_3, %mul3A_15 : i32
    "tpu.region"() ({
      %run_scoped3A = tpu.sem_alloc : memref<!tpu.dma_semaphore, #tpu.memory_space<semaphore_mem>>
      %dma_start3A = arith.constant 0 : i32
      %dma_start3A_40 = tpu.memref_slice %arg5[%add3A_16, %dma_start3A] : memref<50176x128xf32, #tpu.memory_space<hbm>> -> memref<784x128xf32, #tpu.memory_space<hbm>>
      %dma_start3A_41 = arith.constant 0 : i32
      %dma_start3A_42 = tpu.memref_slice %arg9[%mul3A_13, %dma_start3A_41] : memref<12560x128xf32, #tpu.memory_space<vmem_shared>> -> memref<784x128xf32, #tpu.memory_space<vmem_shared>>
      tpu.enqueue_dma source(%dma_start3A_42 : memref<784x128xf32, #tpu.memory_space<vmem_shared>>) target(%dma_start3A_40 : memref<784x128xf32, #tpu.memory_space<hbm>>) target_semaphore(%run_scoped3A : memref<!tpu.dma_semaphore, #tpu.memory_space<semaphore_mem>>)
      %dma_wait3A = arith.constant 0 : i32
      %dma_wait3A_43 = tpu.memref_slice %arg5[%add3A_16, %dma_wait3A] : memref<50176x128xf32, #tpu.memory_space<hbm>> -> memref<784x128xf32, #tpu.memory_space<hbm>>
      %dma_wait3A_44 = arith.constant 0 : i32
      %dma_wait3A_45 = tpu.memref_slice %arg9[%mul3A_13, %dma_wait3A_44] : memref<12560x128xf32, #tpu.memory_space<vmem_shared>> -> memref<784x128xf32, #tpu.memory_space<vmem_shared>>
      tpu.wait_dma2 semaphore(%run_scoped3A : memref<!tpu.dma_semaphore, #tpu.memory_space<semaphore_mem>>) src(%dma_wait3A_45 : memref<784x128xf32, #tpu.memory_space<vmem_shared>>) dst(%dma_wait3A_43 : memref<784x128xf32, #tpu.memory_space<hbm>>)
      tpu.yield
    }) : () -> ()
    %barrier3A_17 = arith.constant 0 : index
    tpu.barrier barrier_id(%barrier3A_17)
    %mul3A_18 = arith.constant 2 : i32
    %mul3A_19 = arith.muli %mul3A_18, %arg0 : i32
    %add3A_20 = arith.constant 1 : i32
    %add3A_21 = arith.addi %mul3A_19, %add3A_20 : i32
    %mul3A_22 = arith.constant 12544 : i32
    %mul3A_23 = arith.muli %add3A_21, %mul3A_22 : i32
    %mul3A_24 = arith.constant 785 : i32
    %mul3A_25 = arith.muli %arg1, %mul3A_24 : i32
    "tpu.region"() ({
      %run_scoped3A = tpu.sem_alloc : memref<!tpu.dma_semaphore, #tpu.memory_space<semaphore_mem>>
      %dma_start3A = arith.constant 0 : i32
      %dma_start3A_40 = tpu.memref_slice %arg9[%mul3A_25, %dma_start3A] : memref<12560x128xf32, #tpu.memory_space<vmem_shared>> -> memref<785x128xf32, #tpu.memory_space<vmem_shared>>
      %dma_start3A_41 = arith.constant 0 : i32
      %dma_start3A_42 = arith.constant 0 : i32
      %dma_start3A_43 = tpu.memref_slice %arg4[%dma_start3A_41, %dma_start3A_42] : memref<785x128xf32, #tpu.memory_space<hbm>> -> memref<785x128xf32, #tpu.memory_space<hbm>>
      tpu.enqueue_dma source(%dma_start3A_43 : memref<785x128xf32, #tpu.memory_space<hbm>>) target(%dma_start3A_40 : memref<785x128xf32, #tpu.memory_space<vmem_shared>>) target_semaphore(%run_scoped3A : memref<!tpu.dma_semaphore, #tpu.memory_space<semaphore_mem>>)
      %dma_wait3A = arith.constant 0 : i32
      %dma_wait3A_44 = tpu.memref_slice %arg9[%mul3A_25, %dma_wait3A] : memref<12560x128xf32, #tpu.memory_space<vmem_shared>> -> memref<785x128xf32, #tpu.memory_space<vmem_shared>>
      %dma_wait3A_45 = arith.constant 0 : i32
      %dma_wait3A_46 = arith.constant 0 : i32
      %dma_wait3A_47 = tpu.memref_slice %arg4[%dma_wait3A_45, %dma_wait3A_46] : memref<785x128xf32, #tpu.memory_space<hbm>> -> memref<785x128xf32, #tpu.memory_space<hbm>>
      tpu.wait_dma2 semaphore(%run_scoped3A : memref<!tpu.dma_semaphore, #tpu.memory_space<semaphore_mem>>) src(%dma_wait3A_47 : memref<785x128xf32, #tpu.memory_space<hbm>>) dst(%dma_wait3A_44 : memref<785x128xf32, #tpu.memory_space<vmem_shared>>)
      tpu.yield
    }) : () -> ()
    %barrier3A_26 = arith.constant 0 : index
    tpu.barrier barrier_id(%barrier3A_26)
    %scan3A_27 = arith.constant 0 : i32
    %scan3A_28 = arith.constant 0 : i32
    %scan3A_29 = arith.constant 392 : i32
    %scan3A_30 = arith.addi %scan3A_28, %scan3A_29 : i32
    %scan3A_31 = arith.constant 1 : i32
    scf.for %scan3A_40 = %scan3A_28 to %scan3A_30 step %scan3A_31  : i32 {
      %mul3A_41 = arith.constant 392 : i32
      %mul3A_42 = arith.muli %arg1, %mul3A_41 : i32
      %add3A_43 = arith.addi %mul3A_42, %scan3A_40 : i32
      %mul3A_44 = arith.constant 128 : i32
      %mul3A_45 = arith.muli %add3A_43, %mul3A_44 : i32
      %dma_start3A = arith.constant 0 : i32
      %dma_start3A_46 = tpu.memref_slice %arg2[%mul3A_45, %dma_start3A] : memref<802816x128xf32, #tpu.memory_space<hbm>> -> memref<128x128xf32, #tpu.memory_space<hbm>>
      %dma_start3A_47 = arith.constant 0 : i32
      %dma_start3A_48 = tpu.memref_slice %arg2[%mul3A_45, %dma_start3A_47] : memref<802816x128xf32, #tpu.memory_space<hbm>> -> memref<128x128xf32, #tpu.memory_space<hbm>>
      tpu.enqueue_dma source(%dma_start3A_48 : memref<128x128xf32, #tpu.memory_space<hbm>>) target(%arg8 : memref<128x128xf32, #tpu.memory_space<vmem>>) target_semaphore(%arg10 : memref<!tpu.dma_semaphore, #tpu.memory_space<semaphore_mem>>)
      %mul3A_49 = arith.constant 392 : i32
      %mul3A_50 = arith.muli %arg1, %mul3A_49 : i32
      %add3A_51 = arith.addi %mul3A_50, %scan3A_40 : i32
      %dma_start3A_52 = arith.constant 0 : i32
      %dma_start3A_53 = arith.constant 0 : i32
      %dma_start3A_54 = tpu.memref_slice %arg3[%add3A_51, %dma_start3A_52, %dma_start3A_53] : memref<6272x1x128xi32, #tpu.memory_space<hbm>> -> memref<1x1x128xi32, #tpu.memory_space<hbm>>
      %dma_start3A_55 = arith.constant 0 : i32
      %dma_start3A_56 = arith.constant 0 : i32
      %dma_start3A_57 = tpu.memref_slice %arg3[%add3A_51, %dma_start3A_55, %dma_start3A_56] : memref<6272x1x128xi32, #tpu.memory_space<hbm>> -> memref<1x1x128xi32, #tpu.memory_space<hbm>>
      tpu.enqueue_dma source(%dma_start3A_57 : memref<1x1x128xi32, #tpu.memory_space<hbm>>) target(%arg6 : memref<1x1x128xi32, #tpu.memory_space<vmem>>) target_semaphore(%arg11 : memref<!tpu.dma_semaphore, #tpu.memory_space<semaphore_mem>>)
      %dma_wait3A = arith.constant 0 : i32
      %dma_wait3A_58 = arith.constant 0 : i32
      %dma_wait3A_59 = tpu.memref_slice %arg3[%add3A_51, %dma_wait3A, %dma_wait3A_58] : memref<6272x1x128xi32, #tpu.memory_space<hbm>> -> memref<1x1x128xi32, #tpu.memory_space<hbm>>
      %dma_wait3A_60 = arith.constant 0 : i32
      %dma_wait3A_61 = arith.constant 0 : i32
      %dma_wait3A_62 = tpu.memref_slice %arg3[%add3A_51, %dma_wait3A_60, %dma_wait3A_61] : memref<6272x1x128xi32, #tpu.memory_space<hbm>> -> memref<1x1x128xi32, #tpu.memory_space<hbm>>
      tpu.wait_dma2 semaphore(%arg11 : memref<!tpu.dma_semaphore, #tpu.memory_space<semaphore_mem>>) src(%dma_wait3A_62 : memref<1x1x128xi32, #tpu.memory_space<hbm>>) dst(%arg6 : memref<1x1x128xi32, #tpu.memory_space<vmem>>)
      %get3A = arith.constant 0 : i32
      %get3A_63 = arith.constant 0 : i32
      %get3A_64 = arith.index_cast %get3A : i32 to index
      %get3A_65 = arith.index_cast %get3A_63 : i32 to index
      %get3A_66 = arith.constant 0 : index
      %get3A_67 = tpu.vector_load %arg6[%get3A_64, %get3A_65, %get3A_66] {strides = array<i32>} : memref<1x1x128xi32, #tpu.memory_space<vmem>>, vector<1x1x16xi32>,
      %get3A_68 = vector.shape_cast %get3A_67 : vector<1x1x16xi32> to vector<16xi32>
      %sub3A = vector.broadcast %mul3A_23 : i32 to vector<16xi32>
      %sub3A_69 = arith.subi %get3A_68, %sub3A : vector<16xi32>
      %ge3A = arith.constant 0 : i32
      %ge3A_70 = vector.broadcast %ge3A : i32 to vector<16xi32>
      %ge3A_71 = arith.cmpi sge, %sub3A_69, %ge3A_70 : vector<16xi32>
      %lt3A = arith.constant 12544 : i32
      %lt3A_72 = vector.broadcast %lt3A : i32 to vector<16xi32>
      %lt3A_73 = arith.cmpi slt, %sub3A_69, %lt3A_72 : vector<16xi32>
      %and3A = arith.andi %ge3A_71, %lt3A_73 : vector<16xi1>
      %jit3A = arith.constant 12544 : i32
      %broadcast_in_dim3A = vector.broadcast %jit3A : i32 to vector<16xi32>
      %select_n3A = arith.select %and3A, %sub3A_69, %broadcast_in_dim3A : vector<16xi1>, vector<16xi32>
      %swap3A = arith.constant 0 : i32
      %swap3A_74 = arith.constant 0 : i32
      %swap3A_75 = arith.index_cast %swap3A : i32 to index
      %swap3A_76 = arith.index_cast %swap3A_74 : i32 to index
      %swap3A_77 = arith.constant 0 : index
      %swap3A_78 = tpu.vector_load %arg7[%swap3A_75, %swap3A_76, %swap3A_77] {strides = array<i32>} : memref<1x1x128xi32, #tpu.memory_space<vmem>>, vector<1x1x16xi32>,
      %swap3A_79 = vector.shape_cast %swap3A_78 : vector<1x1x16xi32> to vector<16xi32>
      %swap3A_80 = vector.shape_cast %select_n3A : vector<16xi32> to vector<1x1x16xi32>
      tpu.vector_store %arg7[%swap3A_75, %swap3A_76, %swap3A_77], %swap3A_80 {strides = array<i32>} : memref<1x1x128xi32, #tpu.memory_space<vmem>>, vector<1x1x16xi32>,
      %get3A_81 = arith.constant 0 : i32
      %get3A_82 = arith.constant 0 : i32
      %get3A_83 = arith.index_cast %get3A_81 : i32 to index
      %get3A_84 = arith.index_cast %get3A_82 : i32 to index
      %get3A_85 = arith.constant 16 : index
      %get3A_86 = tpu.vector_load %arg6[%get3A_83, %get3A_84, %get3A_85] {strides = array<i32>} : memref<1x1x128xi32, #tpu.memory_space<vmem>>, vector<1x1x16xi32>,
      %get3A_87 = vector.shape_cast %get3A_86 : vector<1x1x16xi32> to vector<16xi32>
      %sub3A_88 = vector.broadcast %mul3A_23 : i32 to vector<16xi32>
      %sub3A_89 = arith.subi %get3A_87, %sub3A_88 : vector<16xi32>
      %ge3A_90 = arith.constant 0 : i32
      %ge3A_91 = vector.broadcast %ge3A_90 : i32 to vector<16xi32>
      %ge3A_92 = arith.cmpi sge, %sub3A_89, %ge3A_91 : vector<16xi32>
      %lt3A_93 = arith.constant 12544 : i32
      %lt3A_94 = vector.broadcast %lt3A_93 : i32 to vector<16xi32>
      %lt3A_95 = arith.cmpi slt, %sub3A_89, %lt3A_94 : vector<16xi32>
      %and3A_96 = arith.andi %ge3A_92, %lt3A_95 : vector<16xi1>
      %jit3A_97 = arith.constant 12544 : i32
      %broadcast_in_dim3A_98 = vector.broadcast %jit3A_97 : i32 to vector<16xi32>
      %select_n3A_99 = arith.select %and3A_96, %sub3A_89, %broadcast_in_dim3A_98 : vector<16xi1>, vector<16xi32>
      %swap3A_100 = arith.constant 0 : i32
      %swap3A_101 = arith.constant 0 : i32
      %swap3A_102 = arith.index_cast %swap3A_100 : i32 to index
      %swap3A_103 = arith.index_cast %swap3A_101 : i32 to index
      %swap3A_104 = arith.constant 16 : index
      %swap3A_105 = tpu.vector_load %arg7[%swap3A_102, %swap3A_103, %swap3A_104] {strides = array<i32>} : memref<1x1x128xi32, #tpu.memory_space<vmem>>, vector<1x1x16xi32>,
      %swap3A_106 = vector.shape_cast %swap3A_105 : vector<1x1x16xi32> to vector<16xi32>
      %swap3A_107 = vector.shape_cast %select_n3A_99 : vector<16xi32> to vector<1x1x16xi32>
      tpu.vector_store %arg7[%swap3A_102, %swap3A_103, %swap3A_104], %swap3A_107 {strides = array<i32>} : memref<1x1x128xi32, #tpu.memory_space<vmem>>, vector<1x1x16xi32>,
      %get3A_108 = arith.constant 0 : i32
      %get3A_109 = arith.constant 0 : i32
      %get3A_110 = arith.index_cast %get3A_108 : i32 to index
      %get3A_111 = arith.index_cast %get3A_109 : i32 to index
      %get3A_112 = arith.constant 32 : index
      %get3A_113 = tpu.vector_load %arg6[%get3A_110, %get3A_111, %get3A_112] {strides = array<i32>} : memref<1x1x128xi32, #tpu.memory_space<vmem>>, vector<1x1x16xi32>,
      %get3A_114 = vector.shape_cast %get3A_113 : vector<1x1x16xi32> to vector<16xi32>
      %sub3A_115 = vector.broadcast %mul3A_23 : i32 to vector<16xi32>
      %sub3A_116 = arith.subi %get3A_114, %sub3A_115 : vector<16xi32>
      %ge3A_117 = arith.constant 0 : i32
      %ge3A_118 = vector.broadcast %ge3A_117 : i32 to vector<16xi32>
      %ge3A_119 = arith.cmpi sge, %sub3A_116, %ge3A_118 : vector<16xi32>
      %lt3A_120 = arith.constant 12544 : i32
      %lt3A_121 = vector.broadcast %lt3A_120 : i32 to vector<16xi32>
      %lt3A_122 = arith.cmpi slt, %sub3A_116, %lt3A_121 : vector<16xi32>
      %and3A_123 = arith.andi %ge3A_119, %lt3A_122 : vector<16xi1>
      %jit3A_124 = arith.constant 12544 : i32
      %broadcast_in_dim3A_125 = vector.broadcast %jit3A_124 : i32 to vector<16xi32>
      %select_n3A_126 = arith.select %and3A_123, %sub3A_116, %broadcast_in_dim3A_125 : vector<16xi1>, vector<16xi32>
      %swap3A_127 = arith.constant 0 : i32
      %swap3A_128 = arith.constant 0 : i32
      %swap3A_129 = arith.index_cast %swap3A_127 : i32 to index
      %swap3A_130 = arith.index_cast %swap3A_128 : i32 to index
      %swap3A_131 = arith.constant 32 : index
      %swap3A_132 = tpu.vector_load %arg7[%swap3A_129, %swap3A_130, %swap3A_131] {strides = array<i32>} : memref<1x1x128xi32, #tpu.memory_space<vmem>>, vector<1x1x16xi32>,
      %swap3A_133 = vector.shape_cast %swap3A_132 : vector<1x1x16xi32> to vector<16xi32>
      %swap3A_134 = vector.shape_cast %select_n3A_126 : vector<16xi32> to vector<1x1x16xi32>
      tpu.vector_store %arg7[%swap3A_129, %swap3A_130, %swap3A_131], %swap3A_134 {strides = array<i32>} : memref<1x1x128xi32, #tpu.memory_space<vmem>>, vector<1x1x16xi32>,
      %get3A_135 = arith.constant 0 : i32
      %get3A_136 = arith.constant 0 : i32
      %get3A_137 = arith.index_cast %get3A_135 : i32 to index
      %get3A_138 = arith.index_cast %get3A_136 : i32 to index
      %get3A_139 = arith.constant 48 : index
      %get3A_140 = tpu.vector_load %arg6[%get3A_137, %get3A_138, %get3A_139] {strides = array<i32>} : memref<1x1x128xi32, #tpu.memory_space<vmem>>, vector<1x1x16xi32>,
      %get3A_141 = vector.shape_cast %get3A_140 : vector<1x1x16xi32> to vector<16xi32>
      %sub3A_142 = vector.broadcast %mul3A_23 : i32 to vector<16xi32>
      %sub3A_143 = arith.subi %get3A_141, %sub3A_142 : vector<16xi32>
      %ge3A_144 = arith.constant 0 : i32
      %ge3A_145 = vector.broadcast %ge3A_144 : i32 to vector<16xi32>
      %ge3A_146 = arith.cmpi sge, %sub3A_143, %ge3A_145 : vector<16xi32>
      %lt3A_147 = arith.constant 12544 : i32
      %lt3A_148 = vector.broadcast %lt3A_147 : i32 to vector<16xi32>
      %lt3A_149 = arith.cmpi slt, %sub3A_143, %lt3A_148 : vector<16xi32>
      %and3A_150 = arith.andi %ge3A_146, %lt3A_149 : vector<16xi1>
      %jit3A_151 = arith.constant 12544 : i32
      %broadcast_in_dim3A_152 = vector.broadcast %jit3A_151 : i32 to vector<16xi32>
      %select_n3A_153 = arith.select %and3A_150, %sub3A_143, %broadcast_in_dim3A_152 : vector<16xi1>, vector<16xi32>
      %swap3A_154 = arith.constant 0 : i32
      %swap3A_155 = arith.constant 0 : i32
      %swap3A_156 = arith.index_cast %swap3A_154 : i32 to index
      %swap3A_157 = arith.index_cast %swap3A_155 : i32 to index
      %swap3A_158 = arith.constant 48 : index
      %swap3A_159 = tpu.vector_load %arg7[%swap3A_156, %swap3A_157, %swap3A_158] {strides = array<i32>} : memref<1x1x128xi32, #tpu.memory_space<vmem>>, vector<1x1x16xi32>,
      %swap3A_160 = vector.shape_cast %swap3A_159 : vector<1x1x16xi32> to vector<16xi32>
      %swap3A_161 = vector.shape_cast %select_n3A_153 : vector<16xi32> to vector<1x1x16xi32>
      tpu.vector_store %arg7[%swap3A_156, %swap3A_157, %swap3A_158], %swap3A_161 {strides = array<i32>} : memref<1x1x128xi32, #tpu.memory_space<vmem>>, vector<1x1x16xi32>,
      %get3A_162 = arith.constant 0 : i32
      %get3A_163 = arith.constant 0 : i32
      %get3A_164 = arith.index_cast %get3A_162 : i32 to index
      %get3A_165 = arith.index_cast %get3A_163 : i32 to index
      %get3A_166 = arith.constant 64 : index
      %get3A_167 = tpu.vector_load %arg6[%get3A_164, %get3A_165, %get3A_166] {strides = array<i32>} : memref<1x1x128xi32, #tpu.memory_space<vmem>>, vector<1x1x16xi32>,
      %get3A_168 = vector.shape_cast %get3A_167 : vector<1x1x16xi32> to vector<16xi32>
      %sub3A_169 = vector.broadcast %mul3A_23 : i32 to vector<16xi32>
      %sub3A_170 = arith.subi %get3A_168, %sub3A_169 : vector<16xi32>
      %ge3A_171 = arith.constant 0 : i32
      %ge3A_172 = vector.broadcast %ge3A_171 : i32 to vector<16xi32>
      %ge3A_173 = arith.cmpi sge, %sub3A_170, %ge3A_172 : vector<16xi32>
      %lt3A_174 = arith.constant 12544 : i32
      %lt3A_175 = vector.broadcast %lt3A_174 : i32 to vector<16xi32>
      %lt3A_176 = arith.cmpi slt, %sub3A_170, %lt3A_175 : vector<16xi32>
      %and3A_177 = arith.andi %ge3A_173, %lt3A_176 : vector<16xi1>
      %jit3A_178 = arith.constant 12544 : i32
      %broadcast_in_dim3A_179 = vector.broadcast %jit3A_178 : i32 to vector<16xi32>
      %select_n3A_180 = arith.select %and3A_177, %sub3A_170, %broadcast_in_dim3A_179 : vector<16xi1>, vector<16xi32>
      %swap3A_181 = arith.constant 0 : i32
      %swap3A_182 = arith.constant 0 : i32
      %swap3A_183 = arith.index_cast %swap3A_181 : i32 to index
      %swap3A_184 = arith.index_cast %swap3A_182 : i32 to index
      %swap3A_185 = arith.constant 64 : index
      %swap3A_186 = tpu.vector_load %arg7[%swap3A_183, %swap3A_184, %swap3A_185] {strides = array<i32>} : memref<1x1x128xi32, #tpu.memory_space<vmem>>, vector<1x1x16xi32>,
      %swap3A_187 = vector.shape_cast %swap3A_186 : vector<1x1x16xi32> to vector<16xi32>
      %swap3A_188 = vector.shape_cast %select_n3A_180 : vector<16xi32> to vector<1x1x16xi32>
      tpu.vector_store %arg7[%swap3A_183, %swap3A_184, %swap3A_185], %swap3A_188 {strides = array<i32>} : memref<1x1x128xi32, #tpu.memory_space<vmem>>, vector<1x1x16xi32>,
      %get3A_189 = arith.constant 0 : i32
      %get3A_190 = arith.constant 0 : i32
      %get3A_191 = arith.index_cast %get3A_189 : i32 to index
      %get3A_192 = arith.index_cast %get3A_190 : i32 to index
      %get3A_193 = arith.constant 80 : index
      %get3A_194 = tpu.vector_load %arg6[%get3A_191, %get3A_192, %get3A_193] {strides = array<i32>} : memref<1x1x128xi32, #tpu.memory_space<vmem>>, vector<1x1x16xi32>,
      %get3A_195 = vector.shape_cast %get3A_194 : vector<1x1x16xi32> to vector<16xi32>
      %sub3A_196 = vector.broadcast %mul3A_23 : i32 to vector<16xi32>
      %sub3A_197 = arith.subi %get3A_195, %sub3A_196 : vector<16xi32>
      %ge3A_198 = arith.constant 0 : i32
      %ge3A_199 = vector.broadcast %ge3A_198 : i32 to vector<16xi32>
      %ge3A_200 = arith.cmpi sge, %sub3A_197, %ge3A_199 : vector<16xi32>
      %lt3A_201 = arith.constant 12544 : i32
      %lt3A_202 = vector.broadcast %lt3A_201 : i32 to vector<16xi32>
      %lt3A_203 = arith.cmpi slt, %sub3A_197, %lt3A_202 : vector<16xi32>
      %and3A_204 = arith.andi %ge3A_200, %lt3A_203 : vector<16xi1>
      %jit3A_205 = arith.constant 12544 : i32
      %broadcast_in_dim3A_206 = vector.broadcast %jit3A_205 : i32 to vector<16xi32>
      %select_n3A_207 = arith.select %and3A_204, %sub3A_197, %broadcast_in_dim3A_206 : vector<16xi1>, vector<16xi32>
      %swap3A_208 = arith.constant 0 : i32
      %swap3A_209 = arith.constant 0 : i32
      %swap3A_210 = arith.index_cast %swap3A_208 : i32 to index
      %swap3A_211 = arith.index_cast %swap3A_209 : i32 to index
      %swap3A_212 = arith.constant 80 : index
      %swap3A_213 = tpu.vector_load %arg7[%swap3A_210, %swap3A_211, %swap3A_212] {strides = array<i32>} : memref<1x1x128xi32, #tpu.memory_space<vmem>>, vector<1x1x16xi32>,
      %swap3A_214 = vector.shape_cast %swap3A_213 : vector<1x1x16xi32> to vector<16xi32>
      %swap3A_215 = vector.shape_cast %select_n3A_207 : vector<16xi32> to vector<1x1x16xi32>
      tpu.vector_store %arg7[%swap3A_210, %swap3A_211, %swap3A_212], %swap3A_215 {strides = array<i32>} : memref<1x1x128xi32, #tpu.memory_space<vmem>>, vector<1x1x16xi32>,
      %get3A_216 = arith.constant 0 : i32
      %get3A_217 = arith.constant 0 : i32
      %get3A_218 = arith.index_cast %get3A_216 : i32 to index
      %get3A_219 = arith.index_cast %get3A_217 : i32 to index
      %get3A_220 = arith.constant 96 : index
      %get3A_221 = tpu.vector_load %arg6[%get3A_218, %get3A_219, %get3A_220] {strides = array<i32>} : memref<1x1x128xi32, #tpu.memory_space<vmem>>, vector<1x1x16xi32>,
      %get3A_222 = vector.shape_cast %get3A_221 : vector<1x1x16xi32> to vector<16xi32>
      %sub3A_223 = vector.broadcast %mul3A_23 : i32 to vector<16xi32>
      %sub3A_224 = arith.subi %get3A_222, %sub3A_223 : vector<16xi32>
      %ge3A_225 = arith.constant 0 : i32
      %ge3A_226 = vector.broadcast %ge3A_225 : i32 to vector<16xi32>
      %ge3A_227 = arith.cmpi sge, %sub3A_224, %ge3A_226 : vector<16xi32>
      %lt3A_228 = arith.constant 12544 : i32
      %lt3A_229 = vector.broadcast %lt3A_228 : i32 to vector<16xi32>
      %lt3A_230 = arith.cmpi slt, %sub3A_224, %lt3A_229 : vector<16xi32>
      %and3A_231 = arith.andi %ge3A_227, %lt3A_230 : vector<16xi1>
      %jit3A_232 = arith.constant 12544 : i32
      %broadcast_in_dim3A_233 = vector.broadcast %jit3A_232 : i32 to vector<16xi32>
      %select_n3A_234 = arith.select %and3A_231, %sub3A_224, %broadcast_in_dim3A_233 : vector<16xi1>, vector<16xi32>
      %swap3A_235 = arith.constant 0 : i32
      %swap3A_236 = arith.constant 0 : i32
      %swap3A_237 = arith.index_cast %swap3A_235 : i32 to index
      %swap3A_238 = arith.index_cast %swap3A_236 : i32 to index
      %swap3A_239 = arith.constant 96 : index
      %swap3A_240 = tpu.vector_load %arg7[%swap3A_237, %swap3A_238, %swap3A_239] {strides = array<i32>} : memref<1x1x128xi32, #tpu.memory_space<vmem>>, vector<1x1x16xi32>,
      %swap3A_241 = vector.shape_cast %swap3A_240 : vector<1x1x16xi32> to vector<16xi32>
      %swap3A_242 = vector.shape_cast %select_n3A_234 : vector<16xi32> to vector<1x1x16xi32>
      tpu.vector_store %arg7[%swap3A_237, %swap3A_238, %swap3A_239], %swap3A_242 {strides = array<i32>} : memref<1x1x128xi32, #tpu.memory_space<vmem>>, vector<1x1x16xi32>,
      %get3A_243 = arith.constant 0 : i32
      %get3A_244 = arith.constant 0 : i32
      %get3A_245 = arith.index_cast %get3A_243 : i32 to index
      %get3A_246 = arith.index_cast %get3A_244 : i32 to index
      %get3A_247 = arith.constant 112 : index
      %get3A_248 = tpu.vector_load %arg6[%get3A_245, %get3A_246, %get3A_247] {strides = array<i32>} : memref<1x1x128xi32, #tpu.memory_space<vmem>>, vector<1x1x16xi32>,
      %get3A_249 = vector.shape_cast %get3A_248 : vector<1x1x16xi32> to vector<16xi32>
      %sub3A_250 = vector.broadcast %mul3A_23 : i32 to vector<16xi32>
      %sub3A_251 = arith.subi %get3A_249, %sub3A_250 : vector<16xi32>
      %ge3A_252 = arith.constant 0 : i32
      %ge3A_253 = vector.broadcast %ge3A_252 : i32 to vector<16xi32>
      %ge3A_254 = arith.cmpi sge, %sub3A_251, %ge3A_253 : vector<16xi32>
      %lt3A_255 = arith.constant 12544 : i32
      %lt3A_256 = vector.broadcast %lt3A_255 : i32 to vector<16xi32>
      %lt3A_257 = arith.cmpi slt, %sub3A_251, %lt3A_256 : vector<16xi32>
      %and3A_258 = arith.andi %ge3A_254, %lt3A_257 : vector<16xi1>
      %jit3A_259 = arith.constant 12544 : i32
      %broadcast_in_dim3A_260 = vector.broadcast %jit3A_259 : i32 to vector<16xi32>
      %select_n3A_261 = arith.select %and3A_258, %sub3A_251, %broadcast_in_dim3A_260 : vector<16xi1>, vector<16xi32>
      %swap3A_262 = arith.constant 0 : i32
      %swap3A_263 = arith.constant 0 : i32
      %swap3A_264 = arith.index_cast %swap3A_262 : i32 to index
      %swap3A_265 = arith.index_cast %swap3A_263 : i32 to index
      %swap3A_266 = arith.constant 112 : index
      %swap3A_267 = tpu.vector_load %arg7[%swap3A_264, %swap3A_265, %swap3A_266] {strides = array<i32>} : memref<1x1x128xi32, #tpu.memory_space<vmem>>, vector<1x1x16xi32>,
      %swap3A_268 = vector.shape_cast %swap3A_267 : vector<1x1x16xi32> to vector<16xi32>
      %swap3A_269 = vector.shape_cast %select_n3A_261 : vector<16xi32> to vector<1x1x16xi32>
      tpu.vector_store %arg7[%swap3A_264, %swap3A_265, %swap3A_266], %swap3A_269 {strides = array<i32>} : memref<1x1x128xi32, #tpu.memory_space<vmem>>, vector<1x1x16xi32>,
      %dma_wait3A_270 = arith.constant 0 : i32
      %dma_wait3A_271 = tpu.memref_slice %arg2[%mul3A_45, %dma_wait3A_270] : memref<802816x128xf32, #tpu.memory_space<hbm>> -> memref<128x128xf32, #tpu.memory_space<hbm>>
      %dma_wait3A_272 = arith.constant 0 : i32
      %dma_wait3A_273 = tpu.memref_slice %arg2[%mul3A_45, %dma_wait3A_272] : memref<802816x128xf32, #tpu.memory_space<hbm>> -> memref<128x128xf32, #tpu.memory_space<hbm>>
      tpu.wait_dma2 semaphore(%arg10 : memref<!tpu.dma_semaphore, #tpu.memory_space<semaphore_mem>>) src(%dma_wait3A_273 : memref<128x128xf32, #tpu.memory_space<hbm>>) dst(%arg8 : memref<128x128xf32, #tpu.memory_space<vmem>>)
      %run_scoped3A = arith.constant 0 : i32
      %run_scoped3A_274 = arith.constant 0 : i32
      "tpu.region"() ({
        %run_scoped3A_275 = tpu.sem_alloc : memref<!tpu.dma_semaphore, #tpu.memory_space<semaphore_mem>>
        %dma_start3A_276 = arith.constant 0 : i32
        %dma_start3A_277 = tpu.memref_slice %arg7[%run_scoped3A, %run_scoped3A_274, %dma_start3A_276] : memref<1x1x128xi32, #tpu.memory_space<vmem>> -> memref<1x1x128xi32, #tpu.memory_space<vmem>>
        %dma_start3A_278 = tpu.memref_squeeze %dma_start3A_277 : memref<1x1x128xi32, #tpu.memory_space<vmem>> -> memref<128xi32, #tpu.memory_space<vmem>>
        %dma_start3A_279 = arith.constant 0 : i32
        %dma_start3A_280 = arith.constant 0 : i32
        %dma_start3A_281 = tpu.memref_slice %arg9[%dma_start3A_279, %dma_start3A_280] : memref<12560x128xf32, #tpu.memory_space<vmem_shared>> -> memref<12560x128xf32, #tpu.memory_space<vmem_shared>>
        tpu.enqueue_indirect_dma source(%arg8 : memref<128x128xf32, #tpu.memory_space<vmem>>) target(%dma_start3A_281 : memref<12560x128xf32, #tpu.memory_space<vmem_shared>>) offsets(%dma_start3A_278 : memref<128xi32, #tpu.memory_space<vmem>>) semaphore(%run_scoped3A_275 : memref<!tpu.dma_semaphore, #tpu.memory_space<semaphore_mem>>) {add = true}
        %dma_wait3A_282 = arith.constant 0 : i32
        %dma_wait3A_283 = tpu.memref_slice %arg7[%run_scoped3A, %run_scoped3A_274, %dma_wait3A_282] : memref<1x1x128xi32, #tpu.memory_space<vmem>> -> memref<1x1x128xi32, #tpu.memory_space<vmem>>
        %dma_wait3A_284 = tpu.memref_squeeze %dma_wait3A_283 : memref<1x1x128xi32, #tpu.memory_space<vmem>> -> memref<128xi32, #tpu.memory_space<vmem>>
        %dma_wait3A_285 = arith.constant 0 : i32
        %dma_wait3A_286 = arith.constant 0 : i32
        %dma_wait3A_287 = tpu.memref_slice %arg9[%dma_wait3A_285, %dma_wait3A_286] : memref<12560x128xf32, #tpu.memory_space<vmem_shared>> -> memref<12560x128xf32, #tpu.memory_space<vmem_shared>>
        tpu.wait_indirect_dma semaphore(%run_scoped3A_275 : memref<!tpu.dma_semaphore, #tpu.memory_space<semaphore_mem>>) src(%arg8 : memref<128x128xf32, #tpu.memory_space<vmem>>) dst(%dma_wait3A_287 : memref<12560x128xf32, #tpu.memory_space<vmem_shared>>)
        tpu.yield
      }) : () -> ()
    }
    %scan3A_32 = arith.constant 392 : i32
    %barrier3A_33 = arith.constant 0 : index
    tpu.barrier barrier_id(%barrier3A_33)
    %mul3A_34 = arith.constant 784 : i32
    %mul3A_35 = arith.muli %arg1, %mul3A_34 : i32
    %mul3A_36 = arith.constant 784 : i32
    %mul3A_37 = arith.muli %arg1, %mul3A_36 : i32
    %add3A_38 = arith.addi %mul3A_23, %mul3A_37 : i32
    "tpu.region"() ({
      %run_scoped3A = tpu.sem_alloc : memref<!tpu.dma_semaphore, #tpu.memory_space<semaphore_mem>>
      %dma_start3A = arith.constant 0 : i32
      %dma_start3A_40 = tpu.memref_slice %arg5[%add3A_38, %dma_start3A] : memref<50176x128xf32, #tpu.memory_space<hbm>> -> memref<784x128xf32, #tpu.memory_space<hbm>>
      %dma_start3A_41 = arith.constant 0 : i32
      %dma_start3A_42 = tpu.memref_slice %arg9[%mul3A_35, %dma_start3A_41] : memref<12560x128xf32, #tpu.memory_space<vmem_shared>> -> memref<784x128xf32, #tpu.memory_space<vmem_shared>>
      tpu.enqueue_dma source(%dma_start3A_42 : memref<784x128xf32, #tpu.memory_space<vmem_shared>>) target(%dma_start3A_40 : memref<784x128xf32, #tpu.memory_space<hbm>>) target_semaphore(%run_scoped3A : memref<!tpu.dma_semaphore, #tpu.memory_space<semaphore_mem>>)
      %dma_wait3A = arith.constant 0 : i32
      %dma_wait3A_43 = tpu.memref_slice %arg5[%add3A_38, %dma_wait3A] : memref<50176x128xf32, #tpu.memory_space<hbm>> -> memref<784x128xf32, #tpu.memory_space<hbm>>
      %dma_wait3A_44 = arith.constant 0 : i32
      %dma_wait3A_45 = tpu.memref_slice %arg9[%mul3A_35, %dma_wait3A_44] : memref<12560x128xf32, #tpu.memory_space<vmem_shared>> -> memref<784x128xf32, #tpu.memory_space<vmem_shared>>
      tpu.wait_dma2 semaphore(%run_scoped3A : memref<!tpu.dma_semaphore, #tpu.memory_space<semaphore_mem>>) src(%dma_wait3A_45 : memref<784x128xf32, #tpu.memory_space<vmem_shared>>) dst(%dma_wait3A_43 : memref<784x128xf32, #tpu.memory_space<hbm>>)
      tpu.yield
    }) : () -> ()
    %barrier3A_39 = arith.constant 0 : index
    tpu.barrier barrier_id(%barrier3A_39)
    return
  }
}

module attributes {stable_mosaic.version = 14 : i64} {
  func.func @body(%arg0: i32, %arg1: memref<256x16xf32, #tpu.memory_space<vmem>>, %arg2: memref<9x24xf32, #tpu.memory_space<vmem>>, %arg3: memref<14x64xf32, #tpu.memory_space<vmem>>, %arg4: memref<1x64xf32, #tpu.memory_space<vmem>>, %arg5: memref<24x24xf32, #tpu.memory_space<vmem>>, %arg6: memref<1x64xf32, #tpu.memory_space<vmem>>, %arg7: memref<1x64xf32, #tpu.memory_space<vmem>>, %arg8: memref<20x16xf32, #tpu.memory_space<vmem>>, %arg9: memref<1x80xf32, #tpu.memory_space<vmem>>, %arg10: memref<1x80xf32, #tpu.memory_space<vmem>>, %arg11: memref<24x24xf32, #tpu.memory_space<vmem>>, %arg12: memref<88x64xf32, #tpu.memory_space<vmem>>, %arg13: memref<1x64xf32, #tpu.memory_space<vmem>>, %arg14: memref<24x24xf32, #tpu.memory_space<vmem>>, %arg15: memref<256x128xf32, #tpu.memory_space<vmem>>) attributes {dimension_semantics = [#tpu.dimension_semantics<arbitrary>], iteration_bounds = array<i64: 196>, scalar_prefetch = 0 : i64, scratch_operands = 0 : i64, tpu.core_type = #tpu.core_type<tc>, window_params = [{transform_indices = @transform_0, window_bounds = array<i64: 256, 16>}, {pipeline_mode = #tpu.pipeline_mode<synchronous>, transform_indices = @transform_1, window_bounds = array<i64: 9, 24>}, {pipeline_mode = #tpu.pipeline_mode<synchronous>, transform_indices = @transform_2, window_bounds = array<i64: 14, 64>}, {pipeline_mode = #tpu.pipeline_mode<synchronous>, transform_indices = @transform_3, window_bounds = array<i64: 1, 64>}, {pipeline_mode = #tpu.pipeline_mode<synchronous>, transform_indices = @transform_4, window_bounds = array<i64: 24, 24>}, {pipeline_mode = #tpu.pipeline_mode<synchronous>, transform_indices = @transform_5, window_bounds = array<i64: 1, 64>}, {pipeline_mode = #tpu.pipeline_mode<synchronous>, transform_indices = @transform_6, window_bounds = array<i64: 1, 64>}, {pipeline_mode = #tpu.pipeline_mode<synchronous>, transform_indices = @transform_7, window_bounds = array<i64: 20, 16>}, {pipeline_mode = #tpu.pipeline_mode<synchronous>, transform_indices = @transform_8, window_bounds = array<i64: 1, 80>}, {pipeline_mode = #tpu.pipeline_mode<synchronous>, transform_indices = @transform_9, window_bounds = array<i64: 1, 80>}, {pipeline_mode = #tpu.pipeline_mode<synchronous>, transform_indices = @transform_10, window_bounds = array<i64: 24, 24>}, {pipeline_mode = #tpu.pipeline_mode<synchronous>, transform_indices = @transform_11, window_bounds = array<i64: 88, 64>}, {pipeline_mode = #tpu.pipeline_mode<synchronous>, transform_indices = @transform_12, window_bounds = array<i64: 1, 64>}, {pipeline_mode = #tpu.pipeline_mode<synchronous>, transform_indices = @transform_13, window_bounds = array<i64: 24, 24>}, {transform_indices = @transform_14, window_bounds = array<i64: 256, 128>}]} {
    %get3A = arith.constant 0 : index
    %get3A_0 = arith.constant 0 : index
    %get3A_1 = vector.load %arg2[%get3A, %get3A_0] : memref<9x24xf32, #tpu.memory_space<vmem>>, vector<9x24xf32>
    %get3A_2 = arith.constant 0 : index
    %get3A_3 = arith.constant 0 : index
    %get3A_4 = vector.load %arg3[%get3A_2, %get3A_3] : memref<14x64xf32, #tpu.memory_space<vmem>>, vector<14x64xf32>
    %get3A_5 = arith.constant 0 : index
    %get3A_6 = arith.constant 0 : index
    %get3A_7 = vector.load %arg4[%get3A_5, %get3A_6] : memref<1x64xf32, #tpu.memory_space<vmem>>, vector<1x64xf32>
    %get3A_8 = arith.constant 0 : index
    %get3A_9 = arith.constant 0 : index
    %get3A_10 = vector.load %arg5[%get3A_8, %get3A_9] : memref<24x24xf32, #tpu.memory_space<vmem>>, vector<24x24xf32>
    %get3A_11 = arith.constant 0 : index
    %get3A_12 = arith.constant 0 : index
    %get3A_13 = vector.load %arg6[%get3A_11, %get3A_12] : memref<1x64xf32, #tpu.memory_space<vmem>>, vector<1x64xf32>
    %get3A_14 = arith.constant 0 : index
    %get3A_15 = arith.constant 0 : index
    %get3A_16 = vector.load %arg7[%get3A_14, %get3A_15] : memref<1x64xf32, #tpu.memory_space<vmem>>, vector<1x64xf32>
    %get3A_17 = arith.constant 0 : index
    %get3A_18 = arith.constant 0 : index
    %get3A_19 = vector.load %arg8[%get3A_17, %get3A_18] : memref<20x16xf32, #tpu.memory_space<vmem>>, vector<20x16xf32>
    %get3A_20 = arith.constant 0 : index
    %get3A_21 = arith.constant 0 : index
    %get3A_22 = vector.load %arg9[%get3A_20, %get3A_21] : memref<1x80xf32, #tpu.memory_space<vmem>>, vector<1x80xf32>
    %get3A_23 = arith.constant 0 : index
    %get3A_24 = arith.constant 0 : index
    %get3A_25 = vector.load %arg10[%get3A_23, %get3A_24] : memref<1x80xf32, #tpu.memory_space<vmem>>, vector<1x80xf32>
    %get3A_26 = arith.constant 0 : index
    %get3A_27 = arith.constant 0 : index
    %get3A_28 = vector.load %arg11[%get3A_26, %get3A_27] : memref<24x24xf32, #tpu.memory_space<vmem>>, vector<24x24xf32>
    %get3A_29 = arith.constant 0 : index
    %get3A_30 = arith.constant 0 : index
    %get3A_31 = vector.load %arg12[%get3A_29, %get3A_30] : memref<88x64xf32, #tpu.memory_space<vmem>>, vector<88x64xf32>
    %get3A_32 = arith.constant 0 : index
    %get3A_33 = arith.constant 0 : index
    %get3A_34 = vector.load %arg13[%get3A_32, %get3A_33] : memref<1x64xf32, #tpu.memory_space<vmem>>, vector<1x64xf32>
    %get3A_35 = arith.constant 0 : index
    %get3A_36 = arith.constant 0 : index
    %get3A_37 = vector.load %arg14[%get3A_35, %get3A_36] : memref<24x24xf32, #tpu.memory_space<vmem>>, vector<24x24xf32>
    %get3A_38 = arith.constant 0 : index
    %get3A_39 = arith.constant 0 : index
    %get3A_40 = vector.load %arg1[%get3A_38, %get3A_39] : memref<256x16xf32, #tpu.memory_space<vmem>>, vector<256x16xf32>
    %slice3A = vector.extract_strided_slice %get3A_40 {offsets = [0, 0], sizes = [256, 6], strides = [1, 1]} : vector<256x16xf32> to vector<256x6xf32>
    %slice3A_41 = vector.extract_strided_slice %get3A_40 {offsets = [0, 6], sizes = [256, 9], strides = [1, 1]} : vector<256x16xf32> to vector<256x9xf32>
    %slice3A_42 = vector.extract_strided_slice %get3A_40 {offsets = [0, 15], sizes = [256, 1], strides = [1, 1]} : vector<256x16xf32> to vector<256x1xf32>
    %squeeze3A = vector.shape_cast %slice3A_42 : vector<256x1xf32> to vector<256xf32>
    %dot_general3A = arith.constant dense<0.000000e+00> : vector<256x24xf32>
    %dot_general3A_43 = tpu.matmul %slice3A_41, %get3A_1, %dot_general3A {dimension_numbers = #tpu.dot_dimension_numbers<[1], [0], [0], [1], [0, 0, 1, 1], [], []>, transpose_lhs_hint = false} : vector<256x9xf32>, vector<9x24xf32>, vector<256x24xf32> -> vector<256x24xf32>
    %slice3A_44 = vector.extract_strided_slice %dot_general3A_43 {offsets = [0, 0], sizes = [256, 8], strides = [1, 1]} : vector<256x24xf32> to vector<256x8xf32>
    %integer_pow3A = arith.mulf %slice3A_44, %slice3A_44 : vector<256x8xf32>
    %slice3A_45 = vector.extract_strided_slice %dot_general3A_43 {offsets = [0, 8], sizes = [256, 8], strides = [1, 1]} : vector<256x24xf32> to vector<256x8xf32>
    %integer_pow3A_46 = arith.mulf %slice3A_45, %slice3A_45 : vector<256x8xf32>
    %add3A = arith.addf %integer_pow3A, %integer_pow3A_46 : vector<256x8xf32>
    %slice3A_47 = vector.extract_strided_slice %dot_general3A_43 {offsets = [0, 16], sizes = [256, 8], strides = [1, 1]} : vector<256x24xf32> to vector<256x8xf32>
    %integer_pow3A_48 = arith.mulf %slice3A_47, %slice3A_47 : vector<256x8xf32>
    %add3A_49 = arith.addf %add3A, %integer_pow3A_48 : vector<256x8xf32>
    %max3A = arith.constant 9.99999993E-9 : f32
    %max3A_50 = vector.broadcast %max3A : f32 to vector<256x8xf32>
    %max3A_51 = arith.maximumf %add3A_49, %max3A_50 : vector<256x8xf32>
    %sqrt3A = math.sqrt %max3A_51 : vector<256x8xf32>
    %concatenate3A = tpu.concatenate %slice3A, %sqrt3A in 1 : vector<256x6xf32>, vector<256x8xf32> -> vector<256x14xf32>
    %dot_general3A_52 = arith.constant dense<0.000000e+00> : vector<256x64xf32>
    %dot_general3A_53 = tpu.matmul %concatenate3A, %get3A_4, %dot_general3A_52 {dimension_numbers = #tpu.dot_dimension_numbers<[1], [0], [0], [1], [0, 0, 1, 1], [], []>, transpose_lhs_hint = false} : vector<256x14xf32>, vector<14x64xf32>, vector<256x64xf32> -> vector<256x64xf32>
    %add3A_54 = vector.broadcast %get3A_7 : vector<1x64xf32> to vector<256x64xf32>
    %add3A_55 = arith.addf %dot_general3A_53, %add3A_54 : vector<256x64xf32>
    %dot_general3A_56 = arith.constant dense<0.000000e+00> : vector<256x24xf32>
    %dot_general3A_57 = tpu.matmul %dot_general3A_43, %get3A_10, %dot_general3A_56 {dimension_numbers = #tpu.dot_dimension_numbers<[1], [0], [0], [1], [0, 0, 1, 1], [], []>, transpose_lhs_hint = false} : vector<256x24xf32>, vector<24x24xf32>, vector<256x24xf32> -> vector<256x24xf32>
    %reduce_sum3A = arith.constant dense<0.000000e+00> : vector<256xf32>
    %reduce_sum3A_58 = vector.multi_reduction <add>, %add3A_55, %reduce_sum3A [1] : vector<256x64xf32> to vector<256xf32>
    %broadcast_in_dim3A = vector.shape_cast %reduce_sum3A_58 : vector<256xf32> to vector<256x1xf32>
    %div3A = arith.constant 6.400000e+01 : f32
    %div3A_59 = vector.broadcast %div3A : f32 to vector<256x1xf32>
    %div3A_60 = arith.divf %broadcast_in_dim3A, %div3A_59 : vector<256x1xf32>
    %sub3A = vector.broadcast %div3A_60 : vector<256x1xf32> to vector<256x64xf32>
    %sub3A_61 = arith.subf %add3A_55, %sub3A : vector<256x64xf32>
    %integer_pow3A_62 = arith.mulf %sub3A_61, %sub3A_61 : vector<256x64xf32>
    %reduce_sum3A_63 = arith.constant dense<0.000000e+00> : vector<256xf32>
    %reduce_sum3A_64 = vector.multi_reduction <add>, %integer_pow3A_62, %reduce_sum3A_63 [1] : vector<256x64xf32> to vector<256xf32>
    %broadcast_in_dim3A_65 = vector.shape_cast %reduce_sum3A_64 : vector<256xf32> to vector<256x1xf32>
    %div3A_66 = arith.constant 6.400000e+01 : f32
    %div3A_67 = vector.broadcast %div3A_66 : f32 to vector<256x1xf32>
    %div3A_68 = arith.divf %broadcast_in_dim3A_65, %div3A_67 : vector<256x1xf32>
    %sub3A_69 = vector.broadcast %div3A_60 : vector<256x1xf32> to vector<256x64xf32>
    %sub3A_70 = arith.subf %add3A_55, %sub3A_69 : vector<256x64xf32>
    %add3A_71 = arith.constant 9.99999974E-6 : f32
    %add3A_72 = vector.broadcast %add3A_71 : f32 to vector<256x1xf32>
    %add3A_73 = arith.addf %div3A_68, %add3A_72 : vector<256x1xf32>
    %sqrt3A_74 = math.sqrt %add3A_73 : vector<256x1xf32>
    %div3A_75 = vector.broadcast %sqrt3A_74 : vector<256x1xf32> to vector<256x64xf32>
    %div3A_76 = arith.divf %sub3A_70, %div3A_75 : vector<256x64xf32>
    %mul3A = vector.broadcast %get3A_13 : vector<1x64xf32> to vector<256x64xf32>
    %mul3A_77 = arith.mulf %div3A_76, %mul3A : vector<256x64xf32>
    %add3A_78 = vector.broadcast %get3A_16 : vector<1x64xf32> to vector<256x64xf32>
    %add3A_79 = arith.addf %mul3A_77, %add3A_78 : vector<256x64xf32>
    %slice3A_80 = vector.extract_strided_slice %dot_general3A_57 {offsets = [0, 0], sizes = [256, 8], strides = [1, 1]} : vector<256x24xf32> to vector<256x8xf32>
    %integer_pow3A_81 = arith.mulf %slice3A_80, %slice3A_80 : vector<256x8xf32>
    %slice3A_82 = vector.extract_strided_slice %dot_general3A_57 {offsets = [0, 8], sizes = [256, 8], strides = [1, 1]} : vector<256x24xf32> to vector<256x8xf32>
    %integer_pow3A_83 = arith.mulf %slice3A_82, %slice3A_82 : vector<256x8xf32>
    %add3A_84 = arith.addf %integer_pow3A_81, %integer_pow3A_83 : vector<256x8xf32>
    %slice3A_85 = vector.extract_strided_slice %dot_general3A_57 {offsets = [0, 16], sizes = [256, 8], strides = [1, 1]} : vector<256x24xf32> to vector<256x8xf32>
    %integer_pow3A_86 = arith.mulf %slice3A_85, %slice3A_85 : vector<256x8xf32>
    %add3A_87 = arith.addf %add3A_84, %integer_pow3A_86 : vector<256x8xf32>
    %max3A_88 = arith.constant 9.99999993E-9 : f32
    %max3A_89 = vector.broadcast %max3A_88 : f32 to vector<256x8xf32>
    %max3A_90 = arith.maximumf %add3A_87, %max3A_89 : vector<256x8xf32>
    %reduce_sum3A_91 = arith.constant dense<0.000000e+00> : vector<256xf32>
    %reduce_sum3A_92 = vector.multi_reduction <add>, %max3A_90, %reduce_sum3A_91 [1] : vector<256x8xf32> to vector<256xf32>
    %broadcast_in_dim3A_93 = vector.shape_cast %reduce_sum3A_92 : vector<256xf32> to vector<256x1xf32>
    %div3A_94 = arith.constant 8.000000e+00 : f32
    %div3A_95 = vector.broadcast %div3A_94 : f32 to vector<256x1xf32>
    %div3A_96 = arith.divf %broadcast_in_dim3A_93, %div3A_95 : vector<256x1xf32>
    %sqrt3A_97 = math.sqrt %div3A_96 : vector<256x1xf32>
    %div3A_98 = vector.broadcast %sqrt3A_97 : vector<256x1xf32> to vector<256x24xf32>
    %div3A_99 = arith.divf %dot_general3A_57, %div3A_98 : vector<256x24xf32>
    %iota3A = tpu.iota {dimensions = array<i32: 1>} : vector<256x20xi32>
    %convert_element_type3A = arith.sitofp %iota3A : vector<256x20xi32> to vector<256x20xf32>
    %broadcast_in_dim3A_100 = vector.shape_cast %squeeze3A : vector<256xf32> to vector<256x1xf32>
    %eq3A = vector.broadcast %broadcast_in_dim3A_100 : vector<256x1xf32> to vector<256x20xf32>
    %eq3A_101 = arith.cmpf oeq, %eq3A, %convert_element_type3A : vector<256x20xf32>
    %convert_element_type3A_102 = arith.extui %eq3A_101 : vector<256x20xi1> to vector<256x20xi32>
    %convert_element_type3A_103 = arith.sitofp %convert_element_type3A_102 : vector<256x20xi32> to vector<256x20xf32>
    %dot_general3A_104 = arith.constant dense<0.000000e+00> : vector<256x16xf32>
    %dot_general3A_105 = tpu.matmul %convert_element_type3A_103, %get3A_19, %dot_general3A_104 {dimension_numbers = #tpu.dot_dimension_numbers<[1], [0], [0], [1], [0, 0, 1, 1], [], []>, transpose_lhs_hint = false} : vector<256x20xf32>, vector<20x16xf32>, vector<256x16xf32> -> vector<256x16xf32>
    %concatenate3A_106 = tpu.concatenate %dot_general3A_105, %add3A_79 in 1 : vector<256x16xf32>, vector<256x64xf32> -> vector<256x80xf32>
    %reduce_sum3A_107 = arith.constant dense<0.000000e+00> : vector<256xf32>
    %reduce_sum3A_108 = vector.multi_reduction <add>, %concatenate3A_106, %reduce_sum3A_107 [1] : vector<256x80xf32> to vector<256xf32>
    %broadcast_in_dim3A_109 = vector.shape_cast %reduce_sum3A_108 : vector<256xf32> to vector<256x1xf32>
    %div3A_110 = arith.constant 8.000000e+01 : f32
    %div3A_111 = vector.broadcast %div3A_110 : f32 to vector<256x1xf32>
    %div3A_112 = arith.divf %broadcast_in_dim3A_109, %div3A_111 : vector<256x1xf32>
    %sub3A_113 = vector.broadcast %div3A_112 : vector<256x1xf32> to vector<256x80xf32>
    %sub3A_114 = arith.subf %concatenate3A_106, %sub3A_113 : vector<256x80xf32>
    %integer_pow3A_115 = arith.mulf %sub3A_114, %sub3A_114 : vector<256x80xf32>
    %reduce_sum3A_116 = arith.constant dense<0.000000e+00> : vector<256xf32>
    %reduce_sum3A_117 = vector.multi_reduction <add>, %integer_pow3A_115, %reduce_sum3A_116 [1] : vector<256x80xf32> to vector<256xf32>
    %broadcast_in_dim3A_118 = vector.shape_cast %reduce_sum3A_117 : vector<256xf32> to vector<256x1xf32>
    %div3A_119 = arith.constant 8.000000e+01 : f32
    %div3A_120 = vector.broadcast %div3A_119 : f32 to vector<256x1xf32>
    %div3A_121 = arith.divf %broadcast_in_dim3A_118, %div3A_120 : vector<256x1xf32>
    %sub3A_122 = vector.broadcast %div3A_112 : vector<256x1xf32> to vector<256x80xf32>
    %sub3A_123 = arith.subf %concatenate3A_106, %sub3A_122 : vector<256x80xf32>
    %add3A_124 = arith.constant 9.99999974E-6 : f32
    %add3A_125 = vector.broadcast %add3A_124 : f32 to vector<256x1xf32>
    %add3A_126 = arith.addf %div3A_121, %add3A_125 : vector<256x1xf32>
    %sqrt3A_127 = math.sqrt %add3A_126 : vector<256x1xf32>
    %div3A_128 = vector.broadcast %sqrt3A_127 : vector<256x1xf32> to vector<256x80xf32>
    %div3A_129 = arith.divf %sub3A_123, %div3A_128 : vector<256x80xf32>
    %mul3A_130 = vector.broadcast %get3A_22 : vector<1x80xf32> to vector<256x80xf32>
    %mul3A_131 = arith.mulf %div3A_129, %mul3A_130 : vector<256x80xf32>
    %add3A_132 = vector.broadcast %get3A_25 : vector<1x80xf32> to vector<256x80xf32>
    %add3A_133 = arith.addf %mul3A_131, %add3A_132 : vector<256x80xf32>
    %slice3A_134 = vector.extract_strided_slice %div3A_99 {offsets = [0, 0], sizes = [256, 8], strides = [1, 1]} : vector<256x24xf32> to vector<256x8xf32>
    %integer_pow3A_135 = arith.mulf %slice3A_134, %slice3A_134 : vector<256x8xf32>
    %slice3A_136 = vector.extract_strided_slice %div3A_99 {offsets = [0, 8], sizes = [256, 8], strides = [1, 1]} : vector<256x24xf32> to vector<256x8xf32>
    %integer_pow3A_137 = arith.mulf %slice3A_136, %slice3A_136 : vector<256x8xf32>
    %add3A_138 = arith.addf %integer_pow3A_135, %integer_pow3A_137 : vector<256x8xf32>
    %slice3A_139 = vector.extract_strided_slice %div3A_99 {offsets = [0, 16], sizes = [256, 8], strides = [1, 1]} : vector<256x24xf32> to vector<256x8xf32>
    %integer_pow3A_140 = arith.mulf %slice3A_139, %slice3A_139 : vector<256x8xf32>
    %add3A_141 = arith.addf %add3A_138, %integer_pow3A_140 : vector<256x8xf32>
    %max3A_142 = arith.constant 9.99999993E-9 : f32
    %max3A_143 = vector.broadcast %max3A_142 : f32 to vector<256x8xf32>
    %max3A_144 = arith.maximumf %add3A_141, %max3A_143 : vector<256x8xf32>
    %reduce_sum3A_145 = arith.constant dense<0.000000e+00> : vector<256xf32>
    %reduce_sum3A_146 = vector.multi_reduction <add>, %max3A_144, %reduce_sum3A_145 [1] : vector<256x8xf32> to vector<256xf32>
    %broadcast_in_dim3A_147 = vector.shape_cast %reduce_sum3A_146 : vector<256xf32> to vector<256x1xf32>
    %div3A_148 = arith.constant 8.000000e+00 : f32
    %div3A_149 = vector.broadcast %div3A_148 : f32 to vector<256x1xf32>
    %div3A_150 = arith.divf %broadcast_in_dim3A_147, %div3A_149 : vector<256x1xf32>
    %sqrt3A_151 = math.sqrt %div3A_150 : vector<256x1xf32>
    %div3A_152 = vector.broadcast %sqrt3A_151 : vector<256x1xf32> to vector<256x24xf32>
    %div3A_153 = arith.divf %div3A_99, %div3A_152 : vector<256x24xf32>
    %dot_general3A_154 = arith.constant dense<0.000000e+00> : vector<256x24xf32>
    %dot_general3A_155 = tpu.matmul %div3A_153, %get3A_28, %dot_general3A_154 {dimension_numbers = #tpu.dot_dimension_numbers<[1], [0], [0], [1], [0, 0, 1, 1], [], []>, transpose_lhs_hint = false} : vector<256x24xf32>, vector<24x24xf32>, vector<256x24xf32> -> vector<256x24xf32>
    %slice3A_156 = vector.extract_strided_slice %dot_general3A_155 {offsets = [0, 0], sizes = [256, 8], strides = [1, 1]} : vector<256x24xf32> to vector<256x8xf32>
    %integer_pow3A_157 = arith.mulf %slice3A_156, %slice3A_156 : vector<256x8xf32>
    %slice3A_158 = vector.extract_strided_slice %dot_general3A_155 {offsets = [0, 8], sizes = [256, 8], strides = [1, 1]} : vector<256x24xf32> to vector<256x8xf32>
    %integer_pow3A_159 = arith.mulf %slice3A_158, %slice3A_158 : vector<256x8xf32>
    %add3A_160 = arith.addf %integer_pow3A_157, %integer_pow3A_159 : vector<256x8xf32>
    %slice3A_161 = vector.extract_strided_slice %dot_general3A_155 {offsets = [0, 16], sizes = [256, 8], strides = [1, 1]} : vector<256x24xf32> to vector<256x8xf32>
    %integer_pow3A_162 = arith.mulf %slice3A_161, %slice3A_161 : vector<256x8xf32>
    %add3A_163 = arith.addf %add3A_160, %integer_pow3A_162 : vector<256x8xf32>
    %max3A_164 = arith.constant 9.99999993E-9 : f32
    %max3A_165 = vector.broadcast %max3A_164 : f32 to vector<256x8xf32>
    %max3A_166 = arith.maximumf %add3A_163, %max3A_165 : vector<256x8xf32>
    %sqrt3A_167 = math.sqrt %max3A_166 : vector<256x8xf32>
    %concatenate3A_168 = tpu.concatenate %add3A_133, %sqrt3A_167 in 1 : vector<256x80xf32>, vector<256x8xf32> -> vector<256x88xf32>
    %dot_general3A_169 = arith.constant dense<0.000000e+00> : vector<256x64xf32>
    %dot_general3A_170 = tpu.matmul %concatenate3A_168, %get3A_31, %dot_general3A_169 {dimension_numbers = #tpu.dot_dimension_numbers<[1], [0], [0], [1], [0, 0, 1, 1], [], []>, transpose_lhs_hint = false} : vector<256x88xf32>, vector<88x64xf32>, vector<256x64xf32> -> vector<256x64xf32>
    %add3A_171 = vector.broadcast %get3A_34 : vector<1x64xf32> to vector<256x64xf32>
    %add3A_172 = arith.addf %dot_general3A_170, %add3A_171 : vector<256x64xf32>
    %dot_general3A_173 = arith.constant dense<0.000000e+00> : vector<256x24xf32>
    %dot_general3A_174 = tpu.matmul %dot_general3A_155, %get3A_37, %dot_general3A_173 {dimension_numbers = #tpu.dot_dimension_numbers<[1], [0], [0], [1], [0, 0, 1, 1], [], []>, transpose_lhs_hint = false} : vector<256x24xf32>, vector<24x24xf32>, vector<256x24xf32> -> vector<256x24xf32>
    %broadcast_in_dim3A_175 = arith.constant 0.000000e+00 : f32
    %broadcast_in_dim3A_176 = vector.broadcast %broadcast_in_dim3A_175 : f32 to vector<256x40xf32>
    %concatenate3A_177 = tpu.concatenate %add3A_172, %dot_general3A_174, %broadcast_in_dim3A_176 in 1 : vector<256x64xf32>, vector<256x24xf32>, vector<256x40xf32> -> vector<256x128xf32>
    %swap3A = arith.constant 0 : index
    %swap3A_178 = arith.constant 0 : index
    %swap3A_179 = vector.load %arg15[%swap3A, %swap3A_178] : memref<256x128xf32, #tpu.memory_space<vmem>>, vector<256x128xf32>
    tpu.vector_store %arg15[%swap3A, %swap3A_178], %concatenate3A_177 {strides = array<i32>} : memref<256x128xf32, #tpu.memory_space<vmem>>, vector<256x128xf32>,
    return
  }
  func.func @transform_0(%arg0: i32) -> (i32, i32) {
    %c0_i32 = arith.constant 0 : i32
    %c0_i32_0 = arith.constant 0 : i32
    return %arg0, %c0_i32 : i32, i32
  }
  func.func @transform_1(%arg0: i32) -> (i32, i32) {
    %c0_i32 = arith.constant 0 : i32
    %c0_i32_0 = arith.constant 0 : i32
    %c0_i32_1 = arith.constant 0 : i32
    return %c0_i32, %c0_i32_0 : i32, i32
  }
  func.func @transform_2(%arg0: i32) -> (i32, i32) {
    %c0_i32 = arith.constant 0 : i32
    %c0_i32_0 = arith.constant 0 : i32
    %c0_i32_1 = arith.constant 0 : i32
    return %c0_i32, %c0_i32_0 : i32, i32
  }
  func.func @transform_3(%arg0: i32) -> (i32, i32) {
    %c0_i32 = arith.constant 0 : i32
    %c0_i32_0 = arith.constant 0 : i32
    %c0_i32_1 = arith.constant 0 : i32
    return %c0_i32, %c0_i32_0 : i32, i32
  }
  func.func @transform_4(%arg0: i32) -> (i32, i32) {
    %c0_i32 = arith.constant 0 : i32
    %c0_i32_0 = arith.constant 0 : i32
    %c0_i32_1 = arith.constant 0 : i32
    return %c0_i32, %c0_i32_0 : i32, i32
  }
  func.func @transform_5(%arg0: i32) -> (i32, i32) {
    %c0_i32 = arith.constant 0 : i32
    %c0_i32_0 = arith.constant 0 : i32
    %c0_i32_1 = arith.constant 0 : i32
    return %c0_i32, %c0_i32_0 : i32, i32
  }
  func.func @transform_6(%arg0: i32) -> (i32, i32) {
    %c0_i32 = arith.constant 0 : i32
    %c0_i32_0 = arith.constant 0 : i32
    %c0_i32_1 = arith.constant 0 : i32
    return %c0_i32, %c0_i32_0 : i32, i32
  }
  func.func @transform_7(%arg0: i32) -> (i32, i32) {
    %c0_i32 = arith.constant 0 : i32
    %c0_i32_0 = arith.constant 0 : i32
    %c0_i32_1 = arith.constant 0 : i32
    return %c0_i32, %c0_i32_0 : i32, i32
  }
  func.func @transform_8(%arg0: i32) -> (i32, i32) {
    %c0_i32 = arith.constant 0 : i32
    %c0_i32_0 = arith.constant 0 : i32
    %c0_i32_1 = arith.constant 0 : i32
    return %c0_i32, %c0_i32_0 : i32, i32
  }
  func.func @transform_9(%arg0: i32) -> (i32, i32) {
    %c0_i32 = arith.constant 0 : i32
    %c0_i32_0 = arith.constant 0 : i32
    %c0_i32_1 = arith.constant 0 : i32
    return %c0_i32, %c0_i32_0 : i32, i32
  }
  func.func @transform_10(%arg0: i32) -> (i32, i32) {
    %c0_i32 = arith.constant 0 : i32
    %c0_i32_0 = arith.constant 0 : i32
    %c0_i32_1 = arith.constant 0 : i32
    return %c0_i32, %c0_i32_0 : i32, i32
  }
  func.func @transform_11(%arg0: i32) -> (i32, i32) {
    %c0_i32 = arith.constant 0 : i32
    %c0_i32_0 = arith.constant 0 : i32
    %c0_i32_1 = arith.constant 0 : i32
    return %c0_i32, %c0_i32_0 : i32, i32
  }
  func.func @transform_12(%arg0: i32) -> (i32, i32) {
    %c0_i32 = arith.constant 0 : i32
    %c0_i32_0 = arith.constant 0 : i32
    %c0_i32_1 = arith.constant 0 : i32
    return %c0_i32, %c0_i32_0 : i32, i32
  }
  func.func @transform_13(%arg0: i32) -> (i32, i32) {
    %c0_i32 = arith.constant 0 : i32
    %c0_i32_0 = arith.constant 0 : i32
    %c0_i32_1 = arith.constant 0 : i32
    return %c0_i32, %c0_i32_0 : i32, i32
  }
  func.func @transform_14(%arg0: i32) -> (i32, i32) {
    %c0_i32 = arith.constant 0 : i32
    %c0_i32_0 = arith.constant 0 : i32
    return %arg0, %c0_i32 : i32, i32
  }
}

module attributes {stable_mosaic.version = 14 : i64} {
  func.func @body(%arg0: i32, %arg1: memref<512x128xf32, #tpu.memory_space<vmem>>, %arg2: memref<512x128xf32, #tpu.memory_space<vmem>>, %arg3: memref<512x36xf32, #tpu.memory_space<vmem>>, %arg4: memref<1x1xf32, #tpu.memory_space<vmem>>, %arg5: memref<33x32xf32, #tpu.memory_space<vmem>>, %arg6: memref<1x32xf32, #tpu.memory_space<vmem>>, %arg7: memref<1x1xf32, #tpu.memory_space<vmem>>, %arg8: memref<1x32xf32, #tpu.memory_space<vmem>>, %arg9: memref<1x32xf32, #tpu.memory_space<vmem>>, %arg10: memref<4x8xf32, #tpu.memory_space<vmem>>, %arg11: memref<1x40xf32, #tpu.memory_space<vmem>>, %arg12: memref<1x40xf32, #tpu.memory_space<vmem>>, %arg13: memref<1x1xf32, #tpu.memory_space<vmem>>, %arg14: memref<41x32xf32, #tpu.memory_space<vmem>>, %arg15: memref<1x32xf32, #tpu.memory_space<vmem>>, %arg16: memref<1x1xf32, #tpu.memory_space<vmem>>, %arg17: memref<51x51xf32, #tpu.memory_space<vmem>>, %arg18: memref<177x64xf32, #tpu.memory_space<vmem>>, %arg19: memref<1x64xf32, #tpu.memory_space<vmem>>, %arg20: memref<51x24xf32, #tpu.memory_space<vmem>>, %arg21: memref<24x24xf32, #tpu.memory_space<vmem>>, %arg22: memref<72x64xf32, #tpu.memory_space<vmem>>, %arg23: memref<1x64xf32, #tpu.memory_space<vmem>>, %arg24: memref<24x24xf32, #tpu.memory_space<vmem>>, %arg25: memref<24x24xf32, #tpu.memory_space<vmem>>, %arg26: memref<72x64xf32, #tpu.memory_space<vmem>>, %arg27: memref<1x64xf32, #tpu.memory_space<vmem>>, %arg28: memref<24x24xf32, #tpu.memory_space<vmem>>, %arg29: memref<512x128xf32, #tpu.memory_space<vmem>>) attributes {dimension_semantics = [#tpu.dimension_semantics<arbitrary>], iteration_bounds = array<i64: 1568>, scalar_prefetch = 0 : i64, scratch_operands = 0 : i64, tpu.core_type = #tpu.core_type<tc>, window_params = [{transform_indices = @transform_0, window_bounds = array<i64: 512, 128>}, {transform_indices = @transform_1, window_bounds = array<i64: 512, 128>}, {transform_indices = @transform_2, window_bounds = array<i64: 512, 36>}, {pipeline_mode = #tpu.pipeline_mode<synchronous>, transform_indices = @transform_3, window_bounds = array<i64: 1, 1>}, {pipeline_mode = #tpu.pipeline_mode<synchronous>, transform_indices = @transform_4, window_bounds = array<i64: 33, 32>}, {pipeline_mode = #tpu.pipeline_mode<synchronous>, transform_indices = @transform_5, window_bounds = array<i64: 1, 32>}, {pipeline_mode = #tpu.pipeline_mode<synchronous>, transform_indices = @transform_6, window_bounds = array<i64: 1, 1>}, {pipeline_mode = #tpu.pipeline_mode<synchronous>, transform_indices = @transform_7, window_bounds = array<i64: 1, 32>}, {pipeline_mode = #tpu.pipeline_mode<synchronous>, transform_indices = @transform_8, window_bounds = array<i64: 1, 32>}, {pipeline_mode = #tpu.pipeline_mode<synchronous>, transform_indices = @transform_9, window_bounds = array<i64: 4, 8>}, {pipeline_mode = #tpu.pipeline_mode<synchronous>, transform_indices = @transform_10, window_bounds = array<i64: 1, 40>}, {pipeline_mode = #tpu.pipeline_mode<synchronous>, transform_indices = @transform_11, window_bounds = array<i64: 1, 40>}, {pipeline_mode = #tpu.pipeline_mode<synchronous>, transform_indices = @transform_12, window_bounds = array<i64: 1, 1>}, {pipeline_mode = #tpu.pipeline_mode<synchronous>, transform_indices = @transform_13, window_bounds = array<i64: 41, 32>}, {pipeline_mode = #tpu.pipeline_mode<synchronous>, transform_indices = @transform_14, window_bounds = array<i64: 1, 32>}, {pipeline_mode = #tpu.pipeline_mode<synchronous>, transform_indices = @transform_15, window_bounds = array<i64: 1, 1>}, {pipeline_mode = #tpu.pipeline_mode<synchronous>, transform_indices = @transform_16, window_bounds = array<i64: 51, 51>}, {pipeline_mode = #tpu.pipeline_mode<synchronous>, transform_indices = @transform_17, window_bounds = array<i64: 177, 64>}, {pipeline_mode = #tpu.pipeline_mode<synchronous>, transform_indices = @transform_18, window_bounds = array<i64: 1, 64>}, {pipeline_mode = #tpu.pipeline_mode<synchronous>, transform_indices = @transform_19, window_bounds = array<i64: 51, 24>}, {pipeline_mode = #tpu.pipeline_mode<synchronous>, transform_indices = @transform_20, window_bounds = array<i64: 24, 24>}, {pipeline_mode = #tpu.pipeline_mode<synchronous>, transform_indices = @transform_21, window_bounds = array<i64: 72, 64>}, {pipeline_mode = #tpu.pipeline_mode<synchronous>, transform_indices = @transform_22, window_bounds = array<i64: 1, 64>}, {pipeline_mode = #tpu.pipeline_mode<synchronous>, transform_indices = @transform_23, window_bounds = array<i64: 24, 24>}, {pipeline_mode = #tpu.pipeline_mode<synchronous>, transform_indices = @transform_24, window_bounds = array<i64: 24, 24>}, {pipeline_mode = #tpu.pipeline_mode<synchronous>, transform_indices = @transform_25, window_bounds = array<i64: 72, 64>}, {pipeline_mode = #tpu.pipeline_mode<synchronous>, transform_indices = @transform_26, window_bounds = array<i64: 1, 64>}, {pipeline_mode = #tpu.pipeline_mode<synchronous>, transform_indices = @transform_27, window_bounds = array<i64: 24, 24>}, {transform_indices = @transform_28, window_bounds = array<i64: 512, 128>}]} {
    %get3A = arith.constant 0 : index
    %get3A_0 = arith.constant 0 : index
    %get3A_1 = vector.load %arg4[%get3A, %get3A_0] : memref<1x1xf32, #tpu.memory_space<vmem>>, vector<1x1xf32>
    %get3A_2 = arith.constant 0 : index
    %get3A_3 = arith.constant 0 : index
    %get3A_4 = vector.load %arg5[%get3A_2, %get3A_3] : memref<33x32xf32, #tpu.memory_space<vmem>>, vector<33x32xf32>
    %get3A_5 = arith.constant 0 : index
    %get3A_6 = arith.constant 0 : index
    %get3A_7 = vector.load %arg6[%get3A_5, %get3A_6] : memref<1x32xf32, #tpu.memory_space<vmem>>, vector<1x32xf32>
    %get3A_8 = arith.constant 0 : index
    %get3A_9 = arith.constant 0 : index
    %get3A_10 = vector.load %arg7[%get3A_8, %get3A_9] : memref<1x1xf32, #tpu.memory_space<vmem>>, vector<1x1xf32>
    %get3A_11 = arith.constant 0 : index
    %get3A_12 = arith.constant 0 : index
    %get3A_13 = vector.load %arg8[%get3A_11, %get3A_12] : memref<1x32xf32, #tpu.memory_space<vmem>>, vector<1x32xf32>
    %get3A_14 = arith.constant 0 : index
    %get3A_15 = arith.constant 0 : index
    %get3A_16 = vector.load %arg9[%get3A_14, %get3A_15] : memref<1x32xf32, #tpu.memory_space<vmem>>, vector<1x32xf32>
    %get3A_17 = arith.constant 0 : index
    %get3A_18 = arith.constant 0 : index
    %get3A_19 = vector.load %arg10[%get3A_17, %get3A_18] : memref<4x8xf32, #tpu.memory_space<vmem>>, vector<4x8xf32>
    %get3A_20 = arith.constant 0 : index
    %get3A_21 = arith.constant 0 : index
    %get3A_22 = vector.load %arg11[%get3A_20, %get3A_21] : memref<1x40xf32, #tpu.memory_space<vmem>>, vector<1x40xf32>
    %get3A_23 = arith.constant 0 : index
    %get3A_24 = arith.constant 0 : index
    %get3A_25 = vector.load %arg12[%get3A_23, %get3A_24] : memref<1x40xf32, #tpu.memory_space<vmem>>, vector<1x40xf32>
    %get3A_26 = arith.constant 0 : index
    %get3A_27 = arith.constant 0 : index
    %get3A_28 = vector.load %arg13[%get3A_26, %get3A_27] : memref<1x1xf32, #tpu.memory_space<vmem>>, vector<1x1xf32>
    %get3A_29 = arith.constant 0 : index
    %get3A_30 = arith.constant 0 : index
    %get3A_31 = vector.load %arg14[%get3A_29, %get3A_30] : memref<41x32xf32, #tpu.memory_space<vmem>>, vector<41x32xf32>
    %get3A_32 = arith.constant 0 : index
    %get3A_33 = arith.constant 0 : index
    %get3A_34 = vector.load %arg15[%get3A_32, %get3A_33] : memref<1x32xf32, #tpu.memory_space<vmem>>, vector<1x32xf32>
    %get3A_35 = arith.constant 0 : index
    %get3A_36 = arith.constant 0 : index
    %get3A_37 = vector.load %arg16[%get3A_35, %get3A_36] : memref<1x1xf32, #tpu.memory_space<vmem>>, vector<1x1xf32>
    %get3A_38 = arith.constant 0 : index
    %get3A_39 = arith.constant 0 : index
    %get3A_40 = vector.load %arg17[%get3A_38, %get3A_39] : memref<51x51xf32, #tpu.memory_space<vmem>>, vector<51x51xf32>
    %get3A_41 = arith.constant 0 : index
    %get3A_42 = arith.constant 0 : index
    %get3A_43 = vector.load %arg18[%get3A_41, %get3A_42] : memref<177x64xf32, #tpu.memory_space<vmem>>, vector<177x64xf32>
    %get3A_44 = arith.constant 0 : index
    %get3A_45 = arith.constant 0 : index
    %get3A_46 = vector.load %arg19[%get3A_44, %get3A_45] : memref<1x64xf32, #tpu.memory_space<vmem>>, vector<1x64xf32>
    %get3A_47 = arith.constant 0 : index
    %get3A_48 = arith.constant 0 : index
    %get3A_49 = vector.load %arg20[%get3A_47, %get3A_48] : memref<51x24xf32, #tpu.memory_space<vmem>>, vector<51x24xf32>
    %get3A_50 = arith.constant 0 : index
    %get3A_51 = arith.constant 0 : index
    %get3A_52 = vector.load %arg21[%get3A_50, %get3A_51] : memref<24x24xf32, #tpu.memory_space<vmem>>, vector<24x24xf32>
    %get3A_53 = arith.constant 0 : index
    %get3A_54 = arith.constant 0 : index
    %get3A_55 = vector.load %arg22[%get3A_53, %get3A_54] : memref<72x64xf32, #tpu.memory_space<vmem>>, vector<72x64xf32>
    %get3A_56 = arith.constant 0 : index
    %get3A_57 = arith.constant 0 : index
    %get3A_58 = vector.load %arg23[%get3A_56, %get3A_57] : memref<1x64xf32, #tpu.memory_space<vmem>>, vector<1x64xf32>
    %get3A_59 = arith.constant 0 : index
    %get3A_60 = arith.constant 0 : index
    %get3A_61 = vector.load %arg24[%get3A_59, %get3A_60] : memref<24x24xf32, #tpu.memory_space<vmem>>, vector<24x24xf32>
    %get3A_62 = arith.constant 0 : index
    %get3A_63 = arith.constant 0 : index
    %get3A_64 = vector.load %arg25[%get3A_62, %get3A_63] : memref<24x24xf32, #tpu.memory_space<vmem>>, vector<24x24xf32>
    %get3A_65 = arith.constant 0 : index
    %get3A_66 = arith.constant 0 : index
    %get3A_67 = vector.load %arg26[%get3A_65, %get3A_66] : memref<72x64xf32, #tpu.memory_space<vmem>>, vector<72x64xf32>
    %get3A_68 = arith.constant 0 : index
    %get3A_69 = arith.constant 0 : index
    %get3A_70 = vector.load %arg27[%get3A_68, %get3A_69] : memref<1x64xf32, #tpu.memory_space<vmem>>, vector<1x64xf32>
    %get3A_71 = arith.constant 0 : index
    %get3A_72 = arith.constant 0 : index
    %get3A_73 = vector.load %arg28[%get3A_71, %get3A_72] : memref<24x24xf32, #tpu.memory_space<vmem>>, vector<24x24xf32>
    %get3A_74 = arith.constant 0 : index
    %get3A_75 = arith.constant 0 : index
    %get3A_76 = vector.load %arg1[%get3A_74, %get3A_75] : memref<512x128xf32, #tpu.memory_space<vmem>>, vector<512x128xf32>
    %get3A_77 = arith.constant 0 : index
    %get3A_78 = arith.constant 0 : index
    %get3A_79 = vector.load %arg2[%get3A_77, %get3A_78] : memref<512x128xf32, #tpu.memory_space<vmem>>, vector<512x128xf32>
    %get3A_80 = arith.constant 0 : index
    %get3A_81 = arith.constant 0 : index
    %get3A_82 = vector.load %arg3[%get3A_80, %get3A_81] : memref<512x36xf32, #tpu.memory_space<vmem>>, vector<512x36xf32>
    %slice3A = vector.extract_strided_slice %get3A_76 {offsets = [0, 0], sizes = [512, 64], strides = [1, 1]} : vector<512x128xf32> to vector<512x64xf32>
    %slice3A_83 = vector.extract_strided_slice %get3A_76 {offsets = [0, 64], sizes = [512, 24], strides = [1, 1]} : vector<512x128xf32> to vector<512x24xf32>
    %slice3A_84 = vector.extract_strided_slice %get3A_79 {offsets = [0, 0], sizes = [512, 64], strides = [1, 1]} : vector<512x128xf32> to vector<512x64xf32>
    %slice3A_85 = vector.extract_strided_slice %get3A_79 {offsets = [0, 64], sizes = [512, 24], strides = [1, 1]} : vector<512x128xf32> to vector<512x24xf32>
    %slice3A_86 = vector.extract_strided_slice %get3A_82 {offsets = [0, 0], sizes = [512, 32], strides = [1, 1]} : vector<512x36xf32> to vector<512x32xf32>
    %slice3A_87 = vector.extract_strided_slice %get3A_82 {offsets = [0, 32], sizes = [512, 3], strides = [1, 1]} : vector<512x36xf32> to vector<512x3xf32>
    %slice3A_88 = vector.extract_strided_slice %get3A_82 {offsets = [0, 35], sizes = [512, 1], strides = [1, 1]} : vector<512x36xf32> to vector<512x1xf32>
    %squeeze3A = vector.shape_cast %slice3A_88 : vector<512x1xf32> to vector<512xf32>
    %mul3A = vector.broadcast %get3A_1 : vector<1x1xf32> to vector<512x3xf32>
    %mul3A_89 = arith.mulf %slice3A_87, %mul3A : vector<512x3xf32>
    %slice3A_90 = vector.extract_strided_slice %mul3A_89 {offsets = [0, 0], sizes = [512, 1], strides = [1, 1]} : vector<512x3xf32> to vector<512x1xf32>
    %integer_pow3A = arith.mulf %slice3A_90, %slice3A_90 : vector<512x1xf32>
    %slice3A_91 = vector.extract_strided_slice %mul3A_89 {offsets = [0, 1], sizes = [512, 1], strides = [1, 1]} : vector<512x3xf32> to vector<512x1xf32>
    %integer_pow3A_92 = arith.mulf %slice3A_91, %slice3A_91 : vector<512x1xf32>
    %add3A = arith.addf %integer_pow3A, %integer_pow3A_92 : vector<512x1xf32>
    %slice3A_93 = vector.extract_strided_slice %mul3A_89 {offsets = [0, 2], sizes = [512, 1], strides = [1, 1]} : vector<512x3xf32> to vector<512x1xf32>
    %integer_pow3A_94 = arith.mulf %slice3A_93, %slice3A_93 : vector<512x1xf32>
    %add3A_95 = arith.addf %add3A, %integer_pow3A_94 : vector<512x1xf32>
    %max3A = arith.constant 9.99999993E-9 : f32
    %max3A_96 = vector.broadcast %max3A : f32 to vector<512x1xf32>
    %max3A_97 = arith.maximumf %add3A_95, %max3A_96 : vector<512x1xf32>
    %sqrt3A = math.sqrt %max3A_97 : vector<512x1xf32>
    %concatenate3A = tpu.concatenate %slice3A_86, %sqrt3A in 1 : vector<512x32xf32>, vector<512x1xf32> -> vector<512x33xf32>
    %dot_general3A = arith.constant dense<0.000000e+00> : vector<512x32xf32>
    %dot_general3A_98 = tpu.matmul %concatenate3A, %get3A_4, %dot_general3A {dimension_numbers = #tpu.dot_dimension_numbers<[1], [0], [0], [1], [0, 0, 1, 1], [], []>, transpose_lhs_hint = false} : vector<512x33xf32>, vector<33x32xf32>, vector<512x32xf32> -> vector<512x32xf32>
    %add3A_99 = vector.broadcast %get3A_7 : vector<1x32xf32> to vector<512x32xf32>
    %add3A_100 = arith.addf %dot_general3A_98, %add3A_99 : vector<512x32xf32>
    %mul3A_101 = vector.broadcast %get3A_10 : vector<1x1xf32> to vector<512x3xf32>
    %mul3A_102 = arith.mulf %mul3A_89, %mul3A_101 : vector<512x3xf32>
    %reduce_sum3A = arith.constant dense<0.000000e+00> : vector<512xf32>
    %reduce_sum3A_103 = vector.multi_reduction <add>, %add3A_100, %reduce_sum3A [1] : vector<512x32xf32> to vector<512xf32>
    %broadcast_in_dim3A = vector.shape_cast %reduce_sum3A_103 : vector<512xf32> to vector<512x1xf32>
    %div3A = arith.constant 3.200000e+01 : f32
    %div3A_104 = vector.broadcast %div3A : f32 to vector<512x1xf32>
    %div3A_105 = arith.divf %broadcast_in_dim3A, %div3A_104 : vector<512x1xf32>
    %sub3A = vector.broadcast %div3A_105 : vector<512x1xf32> to vector<512x32xf32>
    %sub3A_106 = arith.subf %add3A_100, %sub3A : vector<512x32xf32>
    %integer_pow3A_107 = arith.mulf %sub3A_106, %sub3A_106 : vector<512x32xf32>
    %reduce_sum3A_108 = arith.constant dense<0.000000e+00> : vector<512xf32>
    %reduce_sum3A_109 = vector.multi_reduction <add>, %integer_pow3A_107, %reduce_sum3A_108 [1] : vector<512x32xf32> to vector<512xf32>
    %broadcast_in_dim3A_110 = vector.shape_cast %reduce_sum3A_109 : vector<512xf32> to vector<512x1xf32>
    %div3A_111 = arith.constant 3.200000e+01 : f32
    %div3A_112 = vector.broadcast %div3A_111 : f32 to vector<512x1xf32>
    %div3A_113 = arith.divf %broadcast_in_dim3A_110, %div3A_112 : vector<512x1xf32>
    %sub3A_114 = vector.broadcast %div3A_105 : vector<512x1xf32> to vector<512x32xf32>
    %sub3A_115 = arith.subf %add3A_100, %sub3A_114 : vector<512x32xf32>
    %add3A_116 = arith.constant 9.99999974E-6 : f32
    %add3A_117 = vector.broadcast %add3A_116 : f32 to vector<512x1xf32>
    %add3A_118 = arith.addf %div3A_113, %add3A_117 : vector<512x1xf32>
    %sqrt3A_119 = math.sqrt %add3A_118 : vector<512x1xf32>
    %div3A_120 = vector.broadcast %sqrt3A_119 : vector<512x1xf32> to vector<512x32xf32>
    %div3A_121 = arith.divf %sub3A_115, %div3A_120 : vector<512x32xf32>
    %mul3A_122 = vector.broadcast %get3A_13 : vector<1x32xf32> to vector<512x32xf32>
    %mul3A_123 = arith.mulf %div3A_121, %mul3A_122 : vector<512x32xf32>
    %add3A_124 = vector.broadcast %get3A_16 : vector<1x32xf32> to vector<512x32xf32>
    %add3A_125 = arith.addf %mul3A_123, %add3A_124 : vector<512x32xf32>
    %slice3A_126 = vector.extract_strided_slice %mul3A_102 {offsets = [0, 0], sizes = [512, 1], strides = [1, 1]} : vector<512x3xf32> to vector<512x1xf32>
    %integer_pow3A_127 = arith.mulf %slice3A_126, %slice3A_126 : vector<512x1xf32>
    %slice3A_128 = vector.extract_strided_slice %mul3A_102 {offsets = [0, 1], sizes = [512, 1], strides = [1, 1]} : vector<512x3xf32> to vector<512x1xf32>
    %integer_pow3A_129 = arith.mulf %slice3A_128, %slice3A_128 : vector<512x1xf32>
    %add3A_130 = arith.addf %integer_pow3A_127, %integer_pow3A_129 : vector<512x1xf32>
    %slice3A_131 = vector.extract_strided_slice %mul3A_102 {offsets = [0, 2], sizes = [512, 1], strides = [1, 1]} : vector<512x3xf32> to vector<512x1xf32>
    %integer_pow3A_132 = arith.mulf %slice3A_131, %slice3A_131 : vector<512x1xf32>
    %add3A_133 = arith.addf %add3A_130, %integer_pow3A_132 : vector<512x1xf32>
    %max3A_134 = arith.constant 9.99999993E-9 : f32
    %max3A_135 = vector.broadcast %max3A_134 : f32 to vector<512x1xf32>
    %max3A_136 = arith.maximumf %add3A_133, %max3A_135 : vector<512x1xf32>
    %reduce_sum3A_137 = arith.constant dense<0.000000e+00> : vector<512xf32>
    %reduce_sum3A_138 = vector.multi_reduction <add>, %max3A_136, %reduce_sum3A_137 [1] : vector<512x1xf32> to vector<512xf32>
    %broadcast_in_dim3A_139 = vector.shape_cast %reduce_sum3A_138 : vector<512xf32> to vector<512x1xf32>
    %div3A_140 = arith.constant 1.000000e+00 : f32
    %div3A_141 = vector.broadcast %div3A_140 : f32 to vector<512x1xf32>
    %div3A_142 = arith.divf %broadcast_in_dim3A_139, %div3A_141 : vector<512x1xf32>
    %sqrt3A_143 = math.sqrt %div3A_142 : vector<512x1xf32>
    %div3A_144 = vector.broadcast %sqrt3A_143 : vector<512x1xf32> to vector<512x3xf32>
    %div3A_145 = arith.divf %mul3A_102, %div3A_144 : vector<512x3xf32>
    %iota3A = tpu.iota {dimensions = array<i32: 1>} : vector<512x4xi32>
    %convert_element_type3A = arith.sitofp %iota3A : vector<512x4xi32> to vector<512x4xf32>
    %broadcast_in_dim3A_146 = vector.shape_cast %squeeze3A : vector<512xf32> to vector<512x1xf32>
    %eq3A = vector.broadcast %broadcast_in_dim3A_146 : vector<512x1xf32> to vector<512x4xf32>
    %eq3A_147 = arith.cmpf oeq, %eq3A, %convert_element_type3A : vector<512x4xf32>
    %convert_element_type3A_148 = arith.extui %eq3A_147 : vector<512x4xi1> to vector<512x4xi32>
    %convert_element_type3A_149 = arith.sitofp %convert_element_type3A_148 : vector<512x4xi32> to vector<512x4xf32>
    %dot_general3A_150 = arith.constant dense<0.000000e+00> : vector<512x8xf32>
    %dot_general3A_151 = tpu.matmul %convert_element_type3A_149, %get3A_19, %dot_general3A_150 {dimension_numbers = #tpu.dot_dimension_numbers<[1], [0], [0], [1], [0, 0, 1, 1], [], []>, transpose_lhs_hint = false} : vector<512x4xf32>, vector<4x8xf32>, vector<512x8xf32> -> vector<512x8xf32>
    %concatenate3A_152 = tpu.concatenate %dot_general3A_151, %add3A_125 in 1 : vector<512x8xf32>, vector<512x32xf32> -> vector<512x40xf32>
    %reduce_sum3A_153 = arith.constant dense<0.000000e+00> : vector<512xf32>
    %reduce_sum3A_154 = vector.multi_reduction <add>, %concatenate3A_152, %reduce_sum3A_153 [1] : vector<512x40xf32> to vector<512xf32>
    %broadcast_in_dim3A_155 = vector.shape_cast %reduce_sum3A_154 : vector<512xf32> to vector<512x1xf32>
    %div3A_156 = arith.constant 4.000000e+01 : f32
    %div3A_157 = vector.broadcast %div3A_156 : f32 to vector<512x1xf32>
    %div3A_158 = arith.divf %broadcast_in_dim3A_155, %div3A_157 : vector<512x1xf32>
    %sub3A_159 = vector.broadcast %div3A_158 : vector<512x1xf32> to vector<512x40xf32>
    %sub3A_160 = arith.subf %concatenate3A_152, %sub3A_159 : vector<512x40xf32>
    %integer_pow3A_161 = arith.mulf %sub3A_160, %sub3A_160 : vector<512x40xf32>
    %reduce_sum3A_162 = arith.constant dense<0.000000e+00> : vector<512xf32>
    %reduce_sum3A_163 = vector.multi_reduction <add>, %integer_pow3A_161, %reduce_sum3A_162 [1] : vector<512x40xf32> to vector<512xf32>
    %broadcast_in_dim3A_164 = vector.shape_cast %reduce_sum3A_163 : vector<512xf32> to vector<512x1xf32>
    %div3A_165 = arith.constant 4.000000e+01 : f32
    %div3A_166 = vector.broadcast %div3A_165 : f32 to vector<512x1xf32>
    %div3A_167 = arith.divf %broadcast_in_dim3A_164, %div3A_166 : vector<512x1xf32>
    %sub3A_168 = vector.broadcast %div3A_158 : vector<512x1xf32> to vector<512x40xf32>
    %sub3A_169 = arith.subf %concatenate3A_152, %sub3A_168 : vector<512x40xf32>
    %add3A_170 = arith.constant 9.99999974E-6 : f32
    %add3A_171 = vector.broadcast %add3A_170 : f32 to vector<512x1xf32>
    %add3A_172 = arith.addf %div3A_167, %add3A_171 : vector<512x1xf32>
    %sqrt3A_173 = math.sqrt %add3A_172 : vector<512x1xf32>
    %div3A_174 = vector.broadcast %sqrt3A_173 : vector<512x1xf32> to vector<512x40xf32>
    %div3A_175 = arith.divf %sub3A_169, %div3A_174 : vector<512x40xf32>
    %mul3A_176 = vector.broadcast %get3A_22 : vector<1x40xf32> to vector<512x40xf32>
    %mul3A_177 = arith.mulf %div3A_175, %mul3A_176 : vector<512x40xf32>
    %add3A_178 = vector.broadcast %get3A_25 : vector<1x40xf32> to vector<512x40xf32>
    %add3A_179 = arith.addf %mul3A_177, %add3A_178 : vector<512x40xf32>
    %slice3A_180 = vector.extract_strided_slice %div3A_145 {offsets = [0, 0], sizes = [512, 1], strides = [1, 1]} : vector<512x3xf32> to vector<512x1xf32>
    %integer_pow3A_181 = arith.mulf %slice3A_180, %slice3A_180 : vector<512x1xf32>
    %slice3A_182 = vector.extract_strided_slice %div3A_145 {offsets = [0, 1], sizes = [512, 1], strides = [1, 1]} : vector<512x3xf32> to vector<512x1xf32>
    %integer_pow3A_183 = arith.mulf %slice3A_182, %slice3A_182 : vector<512x1xf32>
    %add3A_184 = arith.addf %integer_pow3A_181, %integer_pow3A_183 : vector<512x1xf32>
    %slice3A_185 = vector.extract_strided_slice %div3A_145 {offsets = [0, 2], sizes = [512, 1], strides = [1, 1]} : vector<512x3xf32> to vector<512x1xf32>
    %integer_pow3A_186 = arith.mulf %slice3A_185, %slice3A_185 : vector<512x1xf32>
    %add3A_187 = arith.addf %add3A_184, %integer_pow3A_186 : vector<512x1xf32>
    %max3A_188 = arith.constant 9.99999993E-9 : f32
    %max3A_189 = vector.broadcast %max3A_188 : f32 to vector<512x1xf32>
    %max3A_190 = arith.maximumf %add3A_187, %max3A_189 : vector<512x1xf32>
    %reduce_sum3A_191 = arith.constant dense<0.000000e+00> : vector<512xf32>
    %reduce_sum3A_192 = vector.multi_reduction <add>, %max3A_190, %reduce_sum3A_191 [1] : vector<512x1xf32> to vector<512xf32>
    %broadcast_in_dim3A_193 = vector.shape_cast %reduce_sum3A_192 : vector<512xf32> to vector<512x1xf32>
    %div3A_194 = arith.constant 1.000000e+00 : f32
    %div3A_195 = vector.broadcast %div3A_194 : f32 to vector<512x1xf32>
    %div3A_196 = arith.divf %broadcast_in_dim3A_193, %div3A_195 : vector<512x1xf32>
    %sqrt3A_197 = math.sqrt %div3A_196 : vector<512x1xf32>
    %div3A_198 = vector.broadcast %sqrt3A_197 : vector<512x1xf32> to vector<512x3xf32>
    %div3A_199 = arith.divf %div3A_145, %div3A_198 : vector<512x3xf32>
    %mul3A_200 = vector.broadcast %get3A_28 : vector<1x1xf32> to vector<512x3xf32>
    %mul3A_201 = arith.mulf %div3A_199, %mul3A_200 : vector<512x3xf32>
    %slice3A_202 = vector.extract_strided_slice %mul3A_201 {offsets = [0, 0], sizes = [512, 1], strides = [1, 1]} : vector<512x3xf32> to vector<512x1xf32>
    %integer_pow3A_203 = arith.mulf %slice3A_202, %slice3A_202 : vector<512x1xf32>
    %slice3A_204 = vector.extract_strided_slice %mul3A_201 {offsets = [0, 1], sizes = [512, 1], strides = [1, 1]} : vector<512x3xf32> to vector<512x1xf32>
    %integer_pow3A_205 = arith.mulf %slice3A_204, %slice3A_204 : vector<512x1xf32>
    %add3A_206 = arith.addf %integer_pow3A_203, %integer_pow3A_205 : vector<512x1xf32>
    %slice3A_207 = vector.extract_strided_slice %mul3A_201 {offsets = [0, 2], sizes = [512, 1], strides = [1, 1]} : vector<512x3xf32> to vector<512x1xf32>
    %integer_pow3A_208 = arith.mulf %slice3A_207, %slice3A_207 : vector<512x1xf32>
    %add3A_209 = arith.addf %add3A_206, %integer_pow3A_208 : vector<512x1xf32>
    %max3A_210 = arith.constant 9.99999993E-9 : f32
    %max3A_211 = vector.broadcast %max3A_210 : f32 to vector<512x1xf32>
    %max3A_212 = arith.maximumf %add3A_209, %max3A_211 : vector<512x1xf32>
    %sqrt3A_213 = math.sqrt %max3A_212 : vector<512x1xf32>
    %concatenate3A_214 = tpu.concatenate %add3A_179, %sqrt3A_213 in 1 : vector<512x40xf32>, vector<512x1xf32> -> vector<512x41xf32>
    %dot_general3A_215 = arith.constant dense<0.000000e+00> : vector<512x32xf32>
    %dot_general3A_216 = tpu.matmul %concatenate3A_214, %get3A_31, %dot_general3A_215 {dimension_numbers = #tpu.dot_dimension_numbers<[1], [0], [0], [1], [0, 0, 1, 1], [], []>, transpose_lhs_hint = false} : vector<512x41xf32>, vector<41x32xf32>, vector<512x32xf32> -> vector<512x32xf32>
    %add3A_217 = vector.broadcast %get3A_34 : vector<1x32xf32> to vector<512x32xf32>
    %add3A_218 = arith.addf %dot_general3A_216, %add3A_217 : vector<512x32xf32>
    %mul3A_219 = vector.broadcast %get3A_37 : vector<1x1xf32> to vector<512x3xf32>
    %mul3A_220 = arith.mulf %mul3A_201, %mul3A_219 : vector<512x3xf32>
    %concatenate3A_221 = tpu.concatenate %slice3A, %add3A_218, %slice3A_84 in 1 : vector<512x64xf32>, vector<512x32xf32>, vector<512x64xf32> -> vector<512x160xf32>
    %slice3A_222 = vector.extract_strided_slice %slice3A_83 {offsets = [0, 0], sizes = [512, 8], strides = [1, 1]} : vector<512x24xf32> to vector<512x8xf32>
    %slice3A_223 = vector.extract_strided_slice %mul3A_220 {offsets = [0, 0], sizes = [512, 1], strides = [1, 1]} : vector<512x3xf32> to vector<512x1xf32>
    %slice3A_224 = vector.extract_strided_slice %slice3A_85 {offsets = [0, 0], sizes = [512, 8], strides = [1, 1]} : vector<512x24xf32> to vector<512x8xf32>
    %slice3A_225 = vector.extract_strided_slice %slice3A_83 {offsets = [0, 8], sizes = [512, 8], strides = [1, 1]} : vector<512x24xf32> to vector<512x8xf32>
    %slice3A_226 = vector.extract_strided_slice %mul3A_220 {offsets = [0, 1], sizes = [512, 1], strides = [1, 1]} : vector<512x3xf32> to vector<512x1xf32>
    %slice3A_227 = vector.extract_strided_slice %slice3A_85 {offsets = [0, 8], sizes = [512, 8], strides = [1, 1]} : vector<512x24xf32> to vector<512x8xf32>
    %slice3A_228 = vector.extract_strided_slice %slice3A_83 {offsets = [0, 16], sizes = [512, 8], strides = [1, 1]} : vector<512x24xf32> to vector<512x8xf32>
    %slice3A_229 = vector.extract_strided_slice %mul3A_220 {offsets = [0, 2], sizes = [512, 1], strides = [1, 1]} : vector<512x3xf32> to vector<512x1xf32>
    %slice3A_230 = vector.extract_strided_slice %slice3A_85 {offsets = [0, 16], sizes = [512, 8], strides = [1, 1]} : vector<512x24xf32> to vector<512x8xf32>
    %concatenate3A_231 = tpu.concatenate %slice3A_222, %slice3A_223, %slice3A_224, %slice3A_225, %slice3A_226, %slice3A_227, %slice3A_228, %slice3A_229, %slice3A_230 in 1 : vector<512x8xf32>, vector<512x1xf32>, vector<512x8xf32>, vector<512x8xf32>, vector<512x1xf32>, vector<512x8xf32>, vector<512x8xf32>, vector<512x1xf32>, vector<512x8xf32> -> vector<512x51xf32>
    %dot_general3A_232 = arith.constant dense<0.000000e+00> : vector<512x51xf32>
    %dot_general3A_233 = tpu.matmul %concatenate3A_231, %get3A_40, %dot_general3A_232 {dimension_numbers = #tpu.dot_dimension_numbers<[1], [0], [0], [1], [0, 0, 1, 1], [], []>, transpose_lhs_hint = false} : vector<512x51xf32>, vector<51x51xf32>, vector<512x51xf32> -> vector<512x51xf32>
    %slice3A_234 = vector.extract_strided_slice %dot_general3A_233 {offsets = [0, 0], sizes = [512, 17], strides = [1, 1]} : vector<512x51xf32> to vector<512x17xf32>
    %integer_pow3A_235 = arith.mulf %slice3A_234, %slice3A_234 : vector<512x17xf32>
    %slice3A_236 = vector.extract_strided_slice %dot_general3A_233 {offsets = [0, 17], sizes = [512, 17], strides = [1, 1]} : vector<512x51xf32> to vector<512x17xf32>
    %integer_pow3A_237 = arith.mulf %slice3A_236, %slice3A_236 : vector<512x17xf32>
    %add3A_238 = arith.addf %integer_pow3A_235, %integer_pow3A_237 : vector<512x17xf32>
    %slice3A_239 = vector.extract_strided_slice %dot_general3A_233 {offsets = [0, 34], sizes = [512, 17], strides = [1, 1]} : vector<512x51xf32> to vector<512x17xf32>
    %integer_pow3A_240 = arith.mulf %slice3A_239, %slice3A_239 : vector<512x17xf32>
    %add3A_241 = arith.addf %add3A_238, %integer_pow3A_240 : vector<512x17xf32>
    %max3A_242 = arith.constant 9.99999993E-9 : f32
    %max3A_243 = vector.broadcast %max3A_242 : f32 to vector<512x17xf32>
    %max3A_244 = arith.maximumf %add3A_241, %max3A_243 : vector<512x17xf32>
    %sqrt3A_245 = math.sqrt %max3A_244 : vector<512x17xf32>
    %concatenate3A_246 = tpu.concatenate %concatenate3A_221, %sqrt3A_245 in 1 : vector<512x160xf32>, vector<512x17xf32> -> vector<512x177xf32>
    %dot_general3A_247 = arith.constant dense<0.000000e+00> : vector<512x64xf32>
    %dot_general3A_248 = tpu.matmul %concatenate3A_246, %get3A_43, %dot_general3A_247 {dimension_numbers = #tpu.dot_dimension_numbers<[1], [0], [0], [1], [0, 0, 1, 1], [], []>, transpose_lhs_hint = false} : vector<512x177xf32>, vector<177x64xf32>, vector<512x64xf32> -> vector<512x64xf32>
    %add3A_249 = vector.broadcast %get3A_46 : vector<1x64xf32> to vector<512x64xf32>
    %add3A_250 = arith.addf %dot_general3A_248, %add3A_249 : vector<512x64xf32>
    %dot_general3A_251 = arith.constant dense<0.000000e+00> : vector<512x24xf32>
    %dot_general3A_252 = tpu.matmul %dot_general3A_233, %get3A_49, %dot_general3A_251 {dimension_numbers = #tpu.dot_dimension_numbers<[1], [0], [0], [1], [0, 0, 1, 1], [], []>, transpose_lhs_hint = false} : vector<512x51xf32>, vector<51x24xf32>, vector<512x24xf32> -> vector<512x24xf32>
    %dot_general3A_253 = arith.constant dense<0.000000e+00> : vector<512x24xf32>
    %dot_general3A_254 = tpu.matmul %dot_general3A_252, %get3A_52, %dot_general3A_253 {dimension_numbers = #tpu.dot_dimension_numbers<[1], [0], [0], [1], [0, 0, 1, 1], [], []>, transpose_lhs_hint = false} : vector<512x24xf32>, vector<24x24xf32>, vector<512x24xf32> -> vector<512x24xf32>
    %slice3A_255 = vector.extract_strided_slice %dot_general3A_254 {offsets = [0, 0], sizes = [512, 8], strides = [1, 1]} : vector<512x24xf32> to vector<512x8xf32>
    %integer_pow3A_256 = arith.mulf %slice3A_255, %slice3A_255 : vector<512x8xf32>
    %slice3A_257 = vector.extract_strided_slice %dot_general3A_254 {offsets = [0, 8], sizes = [512, 8], strides = [1, 1]} : vector<512x24xf32> to vector<512x8xf32>
    %integer_pow3A_258 = arith.mulf %slice3A_257, %slice3A_257 : vector<512x8xf32>
    %add3A_259 = arith.addf %integer_pow3A_256, %integer_pow3A_258 : vector<512x8xf32>
    %slice3A_260 = vector.extract_strided_slice %dot_general3A_254 {offsets = [0, 16], sizes = [512, 8], strides = [1, 1]} : vector<512x24xf32> to vector<512x8xf32>
    %integer_pow3A_261 = arith.mulf %slice3A_260, %slice3A_260 : vector<512x8xf32>
    %add3A_262 = arith.addf %add3A_259, %integer_pow3A_261 : vector<512x8xf32>
    %max3A_263 = arith.constant 9.99999993E-9 : f32
    %max3A_264 = vector.broadcast %max3A_263 : f32 to vector<512x8xf32>
    %max3A_265 = arith.maximumf %add3A_262, %max3A_264 : vector<512x8xf32>
    %sqrt3A_266 = math.sqrt %max3A_265 : vector<512x8xf32>
    %concatenate3A_267 = tpu.concatenate %add3A_250, %sqrt3A_266 in 1 : vector<512x64xf32>, vector<512x8xf32> -> vector<512x72xf32>
    %dot_general3A_268 = arith.constant dense<0.000000e+00> : vector<512x64xf32>
    %dot_general3A_269 = tpu.matmul %concatenate3A_267, %get3A_55, %dot_general3A_268 {dimension_numbers = #tpu.dot_dimension_numbers<[1], [0], [0], [1], [0, 0, 1, 1], [], []>, transpose_lhs_hint = false} : vector<512x72xf32>, vector<72x64xf32>, vector<512x64xf32> -> vector<512x64xf32>
    %add3A_270 = vector.broadcast %get3A_58 : vector<1x64xf32> to vector<512x64xf32>
    %add3A_271 = arith.addf %dot_general3A_269, %add3A_270 : vector<512x64xf32>
    %dot_general3A_272 = arith.constant dense<0.000000e+00> : vector<512x24xf32>
    %dot_general3A_273 = tpu.matmul %dot_general3A_254, %get3A_61, %dot_general3A_272 {dimension_numbers = #tpu.dot_dimension_numbers<[1], [0], [0], [1], [0, 0, 1, 1], [], []>, transpose_lhs_hint = false} : vector<512x24xf32>, vector<24x24xf32>, vector<512x24xf32> -> vector<512x24xf32>
    %dot_general3A_274 = arith.constant dense<0.000000e+00> : vector<512x24xf32>
    %dot_general3A_275 = tpu.matmul %dot_general3A_273, %get3A_64, %dot_general3A_274 {dimension_numbers = #tpu.dot_dimension_numbers<[1], [0], [0], [1], [0, 0, 1, 1], [], []>, transpose_lhs_hint = false} : vector<512x24xf32>, vector<24x24xf32>, vector<512x24xf32> -> vector<512x24xf32>
    %slice3A_276 = vector.extract_strided_slice %dot_general3A_275 {offsets = [0, 0], sizes = [512, 8], strides = [1, 1]} : vector<512x24xf32> to vector<512x8xf32>
    %integer_pow3A_277 = arith.mulf %slice3A_276, %slice3A_276 : vector<512x8xf32>
    %slice3A_278 = vector.extract_strided_slice %dot_general3A_275 {offsets = [0, 8], sizes = [512, 8], strides = [1, 1]} : vector<512x24xf32> to vector<512x8xf32>
    %integer_pow3A_279 = arith.mulf %slice3A_278, %slice3A_278 : vector<512x8xf32>
    %add3A_280 = arith.addf %integer_pow3A_277, %integer_pow3A_279 : vector<512x8xf32>
    %slice3A_281 = vector.extract_strided_slice %dot_general3A_275 {offsets = [0, 16], sizes = [512, 8], strides = [1, 1]} : vector<512x24xf32> to vector<512x8xf32>
    %integer_pow3A_282 = arith.mulf %slice3A_281, %slice3A_281 : vector<512x8xf32>
    %add3A_283 = arith.addf %add3A_280, %integer_pow3A_282 : vector<512x8xf32>
    %max3A_284 = arith.constant 9.99999993E-9 : f32
    %max3A_285 = vector.broadcast %max3A_284 : f32 to vector<512x8xf32>
    %max3A_286 = arith.maximumf %add3A_283, %max3A_285 : vector<512x8xf32>
    %sqrt3A_287 = math.sqrt %max3A_286 : vector<512x8xf32>
    %concatenate3A_288 = tpu.concatenate %add3A_271, %sqrt3A_287 in 1 : vector<512x64xf32>, vector<512x8xf32> -> vector<512x72xf32>
    %dot_general3A_289 = arith.constant dense<0.000000e+00> : vector<512x64xf32>
    %dot_general3A_290 = tpu.matmul %concatenate3A_288, %get3A_67, %dot_general3A_289 {dimension_numbers = #tpu.dot_dimension_numbers<[1], [0], [0], [1], [0, 0, 1, 1], [], []>, transpose_lhs_hint = false} : vector<512x72xf32>, vector<72x64xf32>, vector<512x64xf32> -> vector<512x64xf32>
    %add3A_291 = vector.broadcast %get3A_70 : vector<1x64xf32> to vector<512x64xf32>
    %add3A_292 = arith.addf %dot_general3A_290, %add3A_291 : vector<512x64xf32>
    %dot_general3A_293 = arith.constant dense<0.000000e+00> : vector<512x24xf32>
    %dot_general3A_294 = tpu.matmul %dot_general3A_275, %get3A_73, %dot_general3A_293 {dimension_numbers = #tpu.dot_dimension_numbers<[1], [0], [0], [1], [0, 0, 1, 1], [], []>, transpose_lhs_hint = false} : vector<512x24xf32>, vector<24x24xf32>, vector<512x24xf32> -> vector<512x24xf32>
    %broadcast_in_dim3A_295 = arith.constant 1.000000e+00 : f32
    %broadcast_in_dim3A_296 = vector.broadcast %broadcast_in_dim3A_295 : f32 to vector<512x1xf32>
    %broadcast_in_dim3A_297 = arith.constant 0.000000e+00 : f32
    %broadcast_in_dim3A_298 = vector.broadcast %broadcast_in_dim3A_297 : f32 to vector<512x39xf32>
    %concatenate3A_299 = tpu.concatenate %add3A_292, %dot_general3A_294, %broadcast_in_dim3A_296, %broadcast_in_dim3A_298 in 1 : vector<512x64xf32>, vector<512x24xf32>, vector<512x1xf32>, vector<512x39xf32> -> vector<512x128xf32>
    %mul3A_300 = arith.constant 512 : i32
    %mul3A_301 = arith.muli %arg0, %mul3A_300 : i32
    %iota3A_302 = tpu.iota {dimensions = array<i32: 0>} : vector<512x1xi32>
    %add3A_303 = vector.broadcast %mul3A_301 : i32 to vector<512x1xi32>
    %add3A_304 = arith.addi %add3A_303, %iota3A_302 : vector<512x1xi32>
    %lt3A = arith.constant 800000 : i32
    %lt3A_305 = vector.broadcast %lt3A : i32 to vector<512x1xi32>
    %lt3A_306 = arith.cmpi slt, %add3A_304, %lt3A_305 : vector<512x1xi32>
    %convert_element_type3A_307 = arith.extui %lt3A_306 : vector<512x1xi1> to vector<512x1xi32>
    %convert_element_type3A_308 = arith.sitofp %convert_element_type3A_307 : vector<512x1xi32> to vector<512x1xf32>
    %mul3A_309 = vector.broadcast %convert_element_type3A_308 : vector<512x1xf32> to vector<512x128xf32>
    %mul3A_310 = arith.mulf %concatenate3A_299, %mul3A_309 : vector<512x128xf32>
    %swap3A = arith.constant 0 : index
    %swap3A_311 = arith.constant 0 : index
    %swap3A_312 = vector.load %arg29[%swap3A, %swap3A_311] : memref<512x128xf32, #tpu.memory_space<vmem>>, vector<512x128xf32>
    tpu.vector_store %arg29[%swap3A, %swap3A_311], %mul3A_310 {strides = array<i32>} : memref<512x128xf32, #tpu.memory_space<vmem>>, vector<512x128xf32>,
    return
  }
  func.func @transform_0(%arg0: i32) -> (i32, i32) {
    %c0_i32 = arith.constant 0 : i32
    %c0_i32_0 = arith.constant 0 : i32
    return %arg0, %c0_i32 : i32, i32
  }
  func.func @transform_1(%arg0: i32) -> (i32, i32) {
    %c0_i32 = arith.constant 0 : i32
    %c0_i32_0 = arith.constant 0 : i32
    return %arg0, %c0_i32 : i32, i32
  }
  func.func @transform_2(%arg0: i32) -> (i32, i32) {
    %c0_i32 = arith.constant 0 : i32
    %c0_i32_0 = arith.constant 0 : i32
    return %arg0, %c0_i32 : i32, i32
  }
  func.func @transform_3(%arg0: i32) -> (i32, i32) {
    %c0_i32 = arith.constant 0 : i32
    %c0_i32_0 = arith.constant 0 : i32
    %c0_i32_1 = arith.constant 0 : i32
    return %c0_i32, %c0_i32_0 : i32, i32
  }
  func.func @transform_4(%arg0: i32) -> (i32, i32) {
    %c0_i32 = arith.constant 0 : i32
    %c0_i32_0 = arith.constant 0 : i32
    %c0_i32_1 = arith.constant 0 : i32
    return %c0_i32, %c0_i32_0 : i32, i32
  }
  func.func @transform_5(%arg0: i32) -> (i32, i32) {
    %c0_i32 = arith.constant 0 : i32
    %c0_i32_0 = arith.constant 0 : i32
    %c0_i32_1 = arith.constant 0 : i32
    return %c0_i32, %c0_i32_0 : i32, i32
  }
  func.func @transform_6(%arg0: i32) -> (i32, i32) {
    %c0_i32 = arith.constant 0 : i32
    %c0_i32_0 = arith.constant 0 : i32
    %c0_i32_1 = arith.constant 0 : i32
    return %c0_i32, %c0_i32_0 : i32, i32
  }
  func.func @transform_7(%arg0: i32) -> (i32, i32) {
    %c0_i32 = arith.constant 0 : i32
    %c0_i32_0 = arith.constant 0 : i32
    %c0_i32_1 = arith.constant 0 : i32
    return %c0_i32, %c0_i32_0 : i32, i32
  }
  func.func @transform_8(%arg0: i32) -> (i32, i32) {
    %c0_i32 = arith.constant 0 : i32
    %c0_i32_0 = arith.constant 0 : i32
    %c0_i32_1 = arith.constant 0 : i32
    return %c0_i32, %c0_i32_0 : i32, i32
  }
  func.func @transform_9(%arg0: i32) -> (i32, i32) {
    %c0_i32 = arith.constant 0 : i32
    %c0_i32_0 = arith.constant 0 : i32
    %c0_i32_1 = arith.constant 0 : i32
    return %c0_i32, %c0_i32_0 : i32, i32
  }
  func.func @transform_10(%arg0: i32) -> (i32, i32) {
    %c0_i32 = arith.constant 0 : i32
    %c0_i32_0 = arith.constant 0 : i32
    %c0_i32_1 = arith.constant 0 : i32
    return %c0_i32, %c0_i32_0 : i32, i32
  }
  func.func @transform_11(%arg0: i32) -> (i32, i32) {
    %c0_i32 = arith.constant 0 : i32
    %c0_i32_0 = arith.constant 0 : i32
    %c0_i32_1 = arith.constant 0 : i32
    return %c0_i32, %c0_i32_0 : i32, i32
  }
  func.func @transform_12(%arg0: i32) -> (i32, i32) {
    %c0_i32 = arith.constant 0 : i32
    %c0_i32_0 = arith.constant 0 : i32
    %c0_i32_1 = arith.constant 0 : i32
    return %c0_i32, %c0_i32_0 : i32, i32
  }
  func.func @transform_13(%arg0: i32) -> (i32, i32) {
    %c0_i32 = arith.constant 0 : i32
    %c0_i32_0 = arith.constant 0 : i32
    %c0_i32_1 = arith.constant 0 : i32
    return %c0_i32, %c0_i32_0 : i32, i32
  }
  func.func @transform_14(%arg0: i32) -> (i32, i32) {
    %c0_i32 = arith.constant 0 : i32
    %c0_i32_0 = arith.constant 0 : i32
    %c0_i32_1 = arith.constant 0 : i32
    return %c0_i32, %c0_i32_0 : i32, i32
  }
  func.func @transform_15(%arg0: i32) -> (i32, i32) {
    %c0_i32 = arith.constant 0 : i32
    %c0_i32_0 = arith.constant 0 : i32
    %c0_i32_1 = arith.constant 0 : i32
    return %c0_i32, %c0_i32_0 : i32, i32
  }
  func.func @transform_16(%arg0: i32) -> (i32, i32) {
    %c0_i32 = arith.constant 0 : i32
    %c0_i32_0 = arith.constant 0 : i32
    %c0_i32_1 = arith.constant 0 : i32
    return %c0_i32, %c0_i32_0 : i32, i32
  }
  func.func @transform_17(%arg0: i32) -> (i32, i32) {
    %c0_i32 = arith.constant 0 : i32
    %c0_i32_0 = arith.constant 0 : i32
    %c0_i32_1 = arith.constant 0 : i32
    return %c0_i32, %c0_i32_0 : i32, i32
  }
  func.func @transform_18(%arg0: i32) -> (i32, i32) {
    %c0_i32 = arith.constant 0 : i32
    %c0_i32_0 = arith.constant 0 : i32
    %c0_i32_1 = arith.constant 0 : i32
    return %c0_i32, %c0_i32_0 : i32, i32
  }
  func.func @transform_19(%arg0: i32) -> (i32, i32) {
    %c0_i32 = arith.constant 0 : i32
    %c0_i32_0 = arith.constant 0 : i32
    %c0_i32_1 = arith.constant 0 : i32
    return %c0_i32, %c0_i32_0 : i32, i32
  }
  func.func @transform_20(%arg0: i32) -> (i32, i32) {
    %c0_i32 = arith.constant 0 : i32
    %c0_i32_0 = arith.constant 0 : i32
    %c0_i32_1 = arith.constant 0 : i32
    return %c0_i32, %c0_i32_0 : i32, i32
  }
  func.func @transform_21(%arg0: i32) -> (i32, i32) {
    %c0_i32 = arith.constant 0 : i32
    %c0_i32_0 = arith.constant 0 : i32
    %c0_i32_1 = arith.constant 0 : i32
    return %c0_i32, %c0_i32_0 : i32, i32
  }
  func.func @transform_22(%arg0: i32) -> (i32, i32) {
    %c0_i32 = arith.constant 0 : i32
    %c0_i32_0 = arith.constant 0 : i32
    %c0_i32_1 = arith.constant 0 : i32
    return %c0_i32, %c0_i32_0 : i32, i32
  }
  func.func @transform_23(%arg0: i32) -> (i32, i32) {
    %c0_i32 = arith.constant 0 : i32
    %c0_i32_0 = arith.constant 0 : i32
    %c0_i32_1 = arith.constant 0 : i32
    return %c0_i32, %c0_i32_0 : i32, i32
  }
  func.func @transform_24(%arg0: i32) -> (i32, i32) {
    %c0_i32 = arith.constant 0 : i32
    %c0_i32_0 = arith.constant 0 : i32
    %c0_i32_1 = arith.constant 0 : i32
    return %c0_i32, %c0_i32_0 : i32, i32
  }
  func.func @transform_25(%arg0: i32) -> (i32, i32) {
    %c0_i32 = arith.constant 0 : i32
    %c0_i32_0 = arith.constant 0 : i32
    %c0_i32_1 = arith.constant 0 : i32
    return %c0_i32, %c0_i32_0 : i32, i32
  }
  func.func @transform_26(%arg0: i32) -> (i32, i32) {
    %c0_i32 = arith.constant 0 : i32
    %c0_i32_0 = arith.constant 0 : i32
    %c0_i32_1 = arith.constant 0 : i32
    return %c0_i32, %c0_i32_0 : i32, i32
  }
  func.func @transform_27(%arg0: i32) -> (i32, i32) {
    %c0_i32 = arith.constant 0 : i32
    %c0_i32_0 = arith.constant 0 : i32
    %c0_i32_1 = arith.constant 0 : i32
    return %c0_i32, %c0_i32_0 : i32, i32
  }
  func.func @transform_28(%arg0: i32) -> (i32, i32) {
    %c0_i32 = arith.constant 0 : i32
    %c0_i32_0 = arith.constant 0 : i32
    return %arg0, %c0_i32 : i32, i32
  }
}

module attributes {stable_mosaic.version = 14 : i64} {
  func.func @body(%arg0: i32, %arg1: memref<256x128xf32, #tpu.memory_space<vmem>>, %arg2: memref<256x128xf32, #tpu.memory_space<vmem>>, %arg3: memref<1x64xf32, #tpu.memory_space<vmem>>, %arg4: memref<1x64xf32, #tpu.memory_space<vmem>>, %arg5: memref<24x48xf32, #tpu.memory_space<vmem>>, %arg6: memref<80x256xf32, #tpu.memory_space<vmem>>, %arg7: memref<1x256xf32, #tpu.memory_space<vmem>>, %arg8: memref<48x48xf32, #tpu.memory_space<vmem>>, %arg9: memref<48x48xf32, #tpu.memory_space<vmem>>, %arg10: memref<272x64xf32, #tpu.memory_space<vmem>>, %arg11: memref<1x64xf32, #tpu.memory_space<vmem>>, %arg12: memref<48x24xf32, #tpu.memory_space<vmem>>, %arg13: memref<1x64xf32, #tpu.memory_space<vmem>>, %arg14: memref<1x64xf32, #tpu.memory_space<vmem>>, %arg15: memref<1x64xf32, #tpu.memory_space<vmem>>, %arg16: memref<1x64xf32, #tpu.memory_space<vmem>>, %arg17: memref<24x24xf32, #tpu.memory_space<vmem>>, %arg18: memref<72x8xf32, #tpu.memory_space<vmem>>, %arg19: memref<1x8xf32, #tpu.memory_space<vmem>>, %arg20: memref<256x8xf32, #tpu.memory_space<vmem>>) attributes {dimension_semantics = [#tpu.dimension_semantics<arbitrary>], iteration_bounds = array<i64: 196>, scalar_prefetch = 0 : i64, scratch_operands = 0 : i64, tpu.core_type = #tpu.core_type<tc>, window_params = [{transform_indices = @transform_0, window_bounds = array<i64: 256, 128>}, {transform_indices = @transform_1, window_bounds = array<i64: 256, 128>}, {pipeline_mode = #tpu.pipeline_mode<synchronous>, transform_indices = @transform_2, window_bounds = array<i64: 1, 64>}, {pipeline_mode = #tpu.pipeline_mode<synchronous>, transform_indices = @transform_3, window_bounds = array<i64: 1, 64>}, {pipeline_mode = #tpu.pipeline_mode<synchronous>, transform_indices = @transform_4, window_bounds = array<i64: 24, 48>}, {pipeline_mode = #tpu.pipeline_mode<synchronous>, transform_indices = @transform_5, window_bounds = array<i64: 80, 256>}, {pipeline_mode = #tpu.pipeline_mode<synchronous>, transform_indices = @transform_6, window_bounds = array<i64: 1, 256>}, {pipeline_mode = #tpu.pipeline_mode<synchronous>, transform_indices = @transform_7, window_bounds = array<i64: 48, 48>}, {pipeline_mode = #tpu.pipeline_mode<synchronous>, transform_indices = @transform_8, window_bounds = array<i64: 48, 48>}, {pipeline_mode = #tpu.pipeline_mode<synchronous>, transform_indices = @transform_9, window_bounds = array<i64: 272, 64>}, {pipeline_mode = #tpu.pipeline_mode<synchronous>, transform_indices = @transform_10, window_bounds = array<i64: 1, 64>}, {pipeline_mode = #tpu.pipeline_mode<synchronous>, transform_indices = @transform_11, window_bounds = array<i64: 48, 24>}, {pipeline_mode = #tpu.pipeline_mode<synchronous>, transform_indices = @transform_12, window_bounds = array<i64: 1, 64>}, {pipeline_mode = #tpu.pipeline_mode<synchronous>, transform_indices = @transform_13, window_bounds = array<i64: 1, 64>}, {pipeline_mode = #tpu.pipeline_mode<synchronous>, transform_indices = @transform_14, window_bounds = array<i64: 1, 64>}, {pipeline_mode = #tpu.pipeline_mode<synchronous>, transform_indices = @transform_15, window_bounds = array<i64: 1, 64>}, {pipeline_mode = #tpu.pipeline_mode<synchronous>, transform_indices = @transform_16, window_bounds = array<i64: 24, 24>}, {pipeline_mode = #tpu.pipeline_mode<synchronous>, transform_indices = @transform_17, window_bounds = array<i64: 72, 8>}, {pipeline_mode = #tpu.pipeline_mode<synchronous>, transform_indices = @transform_18, window_bounds = array<i64: 1, 8>}, {transform_indices = @transform_19, window_bounds = array<i64: 256, 8>}]} {
    %get3A = arith.constant 0 : index
    %get3A_0 = arith.constant 0 : index
    %get3A_1 = vector.load %arg3[%get3A, %get3A_0] : memref<1x64xf32, #tpu.memory_space<vmem>>, vector<1x64xf32>
    %get3A_2 = arith.constant 0 : index
    %get3A_3 = arith.constant 0 : index
    %get3A_4 = vector.load %arg4[%get3A_2, %get3A_3] : memref<1x64xf32, #tpu.memory_space<vmem>>, vector<1x64xf32>
    %get3A_5 = arith.constant 0 : index
    %get3A_6 = arith.constant 0 : index
    %get3A_7 = vector.load %arg5[%get3A_5, %get3A_6] : memref<24x48xf32, #tpu.memory_space<vmem>>, vector<24x48xf32>
    %get3A_8 = arith.constant 0 : index
    %get3A_9 = arith.constant 0 : index
    %get3A_10 = vector.load %arg6[%get3A_8, %get3A_9] : memref<80x256xf32, #tpu.memory_space<vmem>>, vector<80x256xf32>
    %get3A_11 = arith.constant 0 : index
    %get3A_12 = arith.constant 0 : index
    %get3A_13 = vector.load %arg7[%get3A_11, %get3A_12] : memref<1x256xf32, #tpu.memory_space<vmem>>, vector<1x256xf32>
    %get3A_14 = arith.constant 0 : index
    %get3A_15 = arith.constant 0 : index
    %get3A_16 = vector.load %arg8[%get3A_14, %get3A_15] : memref<48x48xf32, #tpu.memory_space<vmem>>, vector<48x48xf32>
    %get3A_17 = arith.constant 0 : index
    %get3A_18 = arith.constant 0 : index
    %get3A_19 = vector.load %arg9[%get3A_17, %get3A_18] : memref<48x48xf32, #tpu.memory_space<vmem>>, vector<48x48xf32>
    %get3A_20 = arith.constant 0 : index
    %get3A_21 = arith.constant 0 : index
    %get3A_22 = vector.load %arg10[%get3A_20, %get3A_21] : memref<272x64xf32, #tpu.memory_space<vmem>>, vector<272x64xf32>
    %get3A_23 = arith.constant 0 : index
    %get3A_24 = arith.constant 0 : index
    %get3A_25 = vector.load %arg11[%get3A_23, %get3A_24] : memref<1x64xf32, #tpu.memory_space<vmem>>, vector<1x64xf32>
    %get3A_26 = arith.constant 0 : index
    %get3A_27 = arith.constant 0 : index
    %get3A_28 = vector.load %arg12[%get3A_26, %get3A_27] : memref<48x24xf32, #tpu.memory_space<vmem>>, vector<48x24xf32>
    %get3A_29 = arith.constant 0 : index
    %get3A_30 = arith.constant 0 : index
    %get3A_31 = vector.load %arg13[%get3A_29, %get3A_30] : memref<1x64xf32, #tpu.memory_space<vmem>>, vector<1x64xf32>
    %get3A_32 = arith.constant 0 : index
    %get3A_33 = arith.constant 0 : index
    %get3A_34 = vector.load %arg14[%get3A_32, %get3A_33] : memref<1x64xf32, #tpu.memory_space<vmem>>, vector<1x64xf32>
    %get3A_35 = arith.constant 0 : index
    %get3A_36 = arith.constant 0 : index
    %get3A_37 = vector.load %arg15[%get3A_35, %get3A_36] : memref<1x64xf32, #tpu.memory_space<vmem>>, vector<1x64xf32>
    %get3A_38 = arith.constant 0 : index
    %get3A_39 = arith.constant 0 : index
    %get3A_40 = vector.load %arg16[%get3A_38, %get3A_39] : memref<1x64xf32, #tpu.memory_space<vmem>>, vector<1x64xf32>
    %get3A_41 = arith.constant 0 : index
    %get3A_42 = arith.constant 0 : index
    %get3A_43 = vector.load %arg17[%get3A_41, %get3A_42] : memref<24x24xf32, #tpu.memory_space<vmem>>, vector<24x24xf32>
    %get3A_44 = arith.constant 0 : index
    %get3A_45 = arith.constant 0 : index
    %get3A_46 = vector.load %arg18[%get3A_44, %get3A_45] : memref<72x8xf32, #tpu.memory_space<vmem>>, vector<72x8xf32>
    %get3A_47 = arith.constant 0 : index
    %get3A_48 = arith.constant 0 : index
    %get3A_49 = vector.load %arg19[%get3A_47, %get3A_48] : memref<1x8xf32, #tpu.memory_space<vmem>>, vector<1x8xf32>
    %get3A_50 = arith.constant 0 : index
    %get3A_51 = arith.constant 0 : index
    %get3A_52 = vector.load %arg1[%get3A_50, %get3A_51] : memref<256x128xf32, #tpu.memory_space<vmem>>, vector<256x128xf32>
    %get3A_53 = arith.constant 0 : index
    %get3A_54 = arith.constant 0 : index
    %get3A_55 = vector.load %arg2[%get3A_53, %get3A_54] : memref<256x128xf32, #tpu.memory_space<vmem>>, vector<256x128xf32>
    %slice3A = vector.extract_strided_slice %get3A_52 {offsets = [0, 0], sizes = [256, 64], strides = [1, 1]} : vector<256x128xf32> to vector<256x64xf32>
    %slice3A_56 = vector.extract_strided_slice %get3A_52 {offsets = [0, 64], sizes = [256, 24], strides = [1, 1]} : vector<256x128xf32> to vector<256x24xf32>
    %slice3A_57 = vector.extract_strided_slice %get3A_55 {offsets = [0, 88], sizes = [256, 1], strides = [1, 1]} : vector<256x128xf32> to vector<256x1xf32>
    %max3A = arith.constant 1.000000e+00 : f32
    %max3A_58 = vector.broadcast %max3A : f32 to vector<256x1xf32>
    %max3A_59 = arith.maximumf %slice3A_57, %max3A_58 : vector<256x1xf32>
    %slice3A_60 = vector.extract_strided_slice %get3A_55 {offsets = [0, 0], sizes = [256, 64], strides = [1, 1]} : vector<256x128xf32> to vector<256x64xf32>
    %div3A = vector.broadcast %max3A_59 : vector<256x1xf32> to vector<256x64xf32>
    %div3A_61 = arith.divf %slice3A_60, %div3A : vector<256x64xf32>
    %add3A = arith.addf %slice3A, %div3A_61 : vector<256x64xf32>
    %slice3A_62 = vector.extract_strided_slice %get3A_55 {offsets = [0, 64], sizes = [256, 24], strides = [1, 1]} : vector<256x128xf32> to vector<256x24xf32>
    %div3A_63 = vector.broadcast %max3A_59 : vector<256x1xf32> to vector<256x24xf32>
    %div3A_64 = arith.divf %slice3A_62, %div3A_63 : vector<256x24xf32>
    %add3A_65 = arith.addf %slice3A_56, %div3A_64 : vector<256x24xf32>
    %reduce_sum3A = arith.constant dense<0.000000e+00> : vector<256xf32>
    %reduce_sum3A_66 = vector.multi_reduction <add>, %add3A, %reduce_sum3A [1] : vector<256x64xf32> to vector<256xf32>
    %broadcast_in_dim3A = vector.shape_cast %reduce_sum3A_66 : vector<256xf32> to vector<256x1xf32>
    %div3A_67 = arith.constant 6.400000e+01 : f32
    %div3A_68 = vector.broadcast %div3A_67 : f32 to vector<256x1xf32>
    %div3A_69 = arith.divf %broadcast_in_dim3A, %div3A_68 : vector<256x1xf32>
    %sub3A = vector.broadcast %div3A_69 : vector<256x1xf32> to vector<256x64xf32>
    %sub3A_70 = arith.subf %add3A, %sub3A : vector<256x64xf32>
    %integer_pow3A = arith.mulf %sub3A_70, %sub3A_70 : vector<256x64xf32>
    %reduce_sum3A_71 = arith.constant dense<0.000000e+00> : vector<256xf32>
    %reduce_sum3A_72 = vector.multi_reduction <add>, %integer_pow3A, %reduce_sum3A_71 [1] : vector<256x64xf32> to vector<256xf32>
    %broadcast_in_dim3A_73 = vector.shape_cast %reduce_sum3A_72 : vector<256xf32> to vector<256x1xf32>
    %div3A_74 = arith.constant 6.400000e+01 : f32
    %div3A_75 = vector.broadcast %div3A_74 : f32 to vector<256x1xf32>
    %div3A_76 = arith.divf %broadcast_in_dim3A_73, %div3A_75 : vector<256x1xf32>
    %sub3A_77 = vector.broadcast %div3A_69 : vector<256x1xf32> to vector<256x64xf32>
    %sub3A_78 = arith.subf %add3A, %sub3A_77 : vector<256x64xf32>
    %add3A_79 = arith.constant 9.99999974E-6 : f32
    %add3A_80 = vector.broadcast %add3A_79 : f32 to vector<256x1xf32>
    %add3A_81 = arith.addf %div3A_76, %add3A_80 : vector<256x1xf32>
    %sqrt3A = math.sqrt %add3A_81 : vector<256x1xf32>
    %div3A_82 = vector.broadcast %sqrt3A : vector<256x1xf32> to vector<256x64xf32>
    %div3A_83 = arith.divf %sub3A_78, %div3A_82 : vector<256x64xf32>
    %mul3A = vector.broadcast %get3A_1 : vector<1x64xf32> to vector<256x64xf32>
    %mul3A_84 = arith.mulf %div3A_83, %mul3A : vector<256x64xf32>
    %add3A_85 = vector.broadcast %get3A_4 : vector<1x64xf32> to vector<256x64xf32>
    %add3A_86 = arith.addf %mul3A_84, %add3A_85 : vector<256x64xf32>
    %slice3A_87 = vector.extract_strided_slice %add3A_65 {offsets = [0, 0], sizes = [256, 8], strides = [1, 1]} : vector<256x24xf32> to vector<256x8xf32>
    %integer_pow3A_88 = arith.mulf %slice3A_87, %slice3A_87 : vector<256x8xf32>
    %slice3A_89 = vector.extract_strided_slice %add3A_65 {offsets = [0, 8], sizes = [256, 8], strides = [1, 1]} : vector<256x24xf32> to vector<256x8xf32>
    %integer_pow3A_90 = arith.mulf %slice3A_89, %slice3A_89 : vector<256x8xf32>
    %add3A_91 = arith.addf %integer_pow3A_88, %integer_pow3A_90 : vector<256x8xf32>
    %slice3A_92 = vector.extract_strided_slice %add3A_65 {offsets = [0, 16], sizes = [256, 8], strides = [1, 1]} : vector<256x24xf32> to vector<256x8xf32>
    %integer_pow3A_93 = arith.mulf %slice3A_92, %slice3A_92 : vector<256x8xf32>
    %add3A_94 = arith.addf %add3A_91, %integer_pow3A_93 : vector<256x8xf32>
    %max3A_95 = arith.constant 9.99999993E-9 : f32
    %max3A_96 = vector.broadcast %max3A_95 : f32 to vector<256x8xf32>
    %max3A_97 = arith.maximumf %add3A_94, %max3A_96 : vector<256x8xf32>
    %reduce_sum3A_98 = arith.constant dense<0.000000e+00> : vector<256xf32>
    %reduce_sum3A_99 = vector.multi_reduction <add>, %max3A_97, %reduce_sum3A_98 [1] : vector<256x8xf32> to vector<256xf32>
    %broadcast_in_dim3A_100 = vector.shape_cast %reduce_sum3A_99 : vector<256xf32> to vector<256x1xf32>
    %div3A_101 = arith.constant 8.000000e+00 : f32
    %div3A_102 = vector.broadcast %div3A_101 : f32 to vector<256x1xf32>
    %div3A_103 = arith.divf %broadcast_in_dim3A_100, %div3A_102 : vector<256x1xf32>
    %sqrt3A_104 = math.sqrt %div3A_103 : vector<256x1xf32>
    %div3A_105 = vector.broadcast %sqrt3A_104 : vector<256x1xf32> to vector<256x24xf32>
    %div3A_106 = arith.divf %add3A_65, %div3A_105 : vector<256x24xf32>
    %dot_general3A = arith.constant dense<0.000000e+00> : vector<256x48xf32>
    %dot_general3A_107 = tpu.matmul %div3A_106, %get3A_7, %dot_general3A {dimension_numbers = #tpu.dot_dimension_numbers<[1], [0], [0], [1], [0, 0, 1, 1], [], []>, transpose_lhs_hint = false} : vector<256x24xf32>, vector<24x48xf32>, vector<256x48xf32> -> vector<256x48xf32>
    %slice3A_108 = vector.extract_strided_slice %dot_general3A_107 {offsets = [0, 0], sizes = [256, 16], strides = [1, 1]} : vector<256x48xf32> to vector<256x16xf32>
    %integer_pow3A_109 = arith.mulf %slice3A_108, %slice3A_108 : vector<256x16xf32>
    %slice3A_110 = vector.extract_strided_slice %dot_general3A_107 {offsets = [0, 16], sizes = [256, 16], strides = [1, 1]} : vector<256x48xf32> to vector<256x16xf32>
    %integer_pow3A_111 = arith.mulf %slice3A_110, %slice3A_110 : vector<256x16xf32>
    %add3A_112 = arith.addf %integer_pow3A_109, %integer_pow3A_111 : vector<256x16xf32>
    %slice3A_113 = vector.extract_strided_slice %dot_general3A_107 {offsets = [0, 32], sizes = [256, 16], strides = [1, 1]} : vector<256x48xf32> to vector<256x16xf32>
    %integer_pow3A_114 = arith.mulf %slice3A_113, %slice3A_113 : vector<256x16xf32>
    %add3A_115 = arith.addf %add3A_112, %integer_pow3A_114 : vector<256x16xf32>
    %max3A_116 = arith.constant 9.99999993E-9 : f32
    %max3A_117 = vector.broadcast %max3A_116 : f32 to vector<256x16xf32>
    %max3A_118 = arith.maximumf %add3A_115, %max3A_117 : vector<256x16xf32>
    %sqrt3A_119 = math.sqrt %max3A_118 : vector<256x16xf32>
    %concatenate3A = tpu.concatenate %add3A_86, %sqrt3A_119 in 1 : vector<256x64xf32>, vector<256x16xf32> -> vector<256x80xf32>
    %dot_general3A_120 = arith.constant dense<0.000000e+00> : vector<256x256xf32>
    %dot_general3A_121 = tpu.matmul %concatenate3A, %get3A_10, %dot_general3A_120 {dimension_numbers = #tpu.dot_dimension_numbers<[1], [0], [0], [1], [0, 0, 1, 1], [], []>, transpose_lhs_hint = false} : vector<256x80xf32>, vector<80x256xf32>, vector<256x256xf32> -> vector<256x256xf32>
    %add3A_122 = vector.broadcast %get3A_13 : vector<1x256xf32> to vector<256x256xf32>
    %add3A_123 = arith.addf %dot_general3A_121, %add3A_122 : vector<256x256xf32>
    %dot_general3A_124 = arith.constant dense<0.000000e+00> : vector<256x48xf32>
    %dot_general3A_125 = tpu.matmul %dot_general3A_107, %get3A_16, %dot_general3A_124 {dimension_numbers = #tpu.dot_dimension_numbers<[1], [0], [0], [1], [0, 0, 1, 1], [], []>, transpose_lhs_hint = false} : vector<256x48xf32>, vector<48x48xf32>, vector<256x48xf32> -> vector<256x48xf32>
    %dot_general3A_126 = arith.constant dense<0.000000e+00> : vector<256x48xf32>
    %dot_general3A_127 = tpu.matmul %dot_general3A_125, %get3A_19, %dot_general3A_126 {dimension_numbers = #tpu.dot_dimension_numbers<[1], [0], [0], [1], [0, 0, 1, 1], [], []>, transpose_lhs_hint = false} : vector<256x48xf32>, vector<48x48xf32>, vector<256x48xf32> -> vector<256x48xf32>
    %slice3A_128 = vector.extract_strided_slice %dot_general3A_127 {offsets = [0, 0], sizes = [256, 16], strides = [1, 1]} : vector<256x48xf32> to vector<256x16xf32>
    %integer_pow3A_129 = arith.mulf %slice3A_128, %slice3A_128 : vector<256x16xf32>
    %slice3A_130 = vector.extract_strided_slice %dot_general3A_127 {offsets = [0, 16], sizes = [256, 16], strides = [1, 1]} : vector<256x48xf32> to vector<256x16xf32>
    %integer_pow3A_131 = arith.mulf %slice3A_130, %slice3A_130 : vector<256x16xf32>
    %add3A_132 = arith.addf %integer_pow3A_129, %integer_pow3A_131 : vector<256x16xf32>
    %slice3A_133 = vector.extract_strided_slice %dot_general3A_127 {offsets = [0, 32], sizes = [256, 16], strides = [1, 1]} : vector<256x48xf32> to vector<256x16xf32>
    %integer_pow3A_134 = arith.mulf %slice3A_133, %slice3A_133 : vector<256x16xf32>
    %add3A_135 = arith.addf %add3A_132, %integer_pow3A_134 : vector<256x16xf32>
    %max3A_136 = arith.constant 9.99999993E-9 : f32
    %max3A_137 = vector.broadcast %max3A_136 : f32 to vector<256x16xf32>
    %max3A_138 = arith.maximumf %add3A_135, %max3A_137 : vector<256x16xf32>
    %sqrt3A_139 = math.sqrt %max3A_138 : vector<256x16xf32>
    %concatenate3A_140 = tpu.concatenate %add3A_123, %sqrt3A_139 in 1 : vector<256x256xf32>, vector<256x16xf32> -> vector<256x272xf32>
    %dot_general3A_141 = arith.constant dense<0.000000e+00> : vector<256x64xf32>
    %dot_general3A_142 = tpu.matmul %concatenate3A_140, %get3A_22, %dot_general3A_141 {dimension_numbers = #tpu.dot_dimension_numbers<[1], [0], [0], [1], [0, 0, 1, 1], [], []>, transpose_lhs_hint = false} : vector<256x272xf32>, vector<272x64xf32>, vector<256x64xf32> -> vector<256x64xf32>
    %add3A_143 = vector.broadcast %get3A_25 : vector<1x64xf32> to vector<256x64xf32>
    %add3A_144 = arith.addf %dot_general3A_142, %add3A_143 : vector<256x64xf32>
    %dot_general3A_145 = arith.constant dense<0.000000e+00> : vector<256x24xf32>
    %dot_general3A_146 = tpu.matmul %dot_general3A_127, %get3A_28, %dot_general3A_145 {dimension_numbers = #tpu.dot_dimension_numbers<[1], [0], [0], [1], [0, 0, 1, 1], [], []>, transpose_lhs_hint = false} : vector<256x48xf32>, vector<48x24xf32>, vector<256x24xf32> -> vector<256x24xf32>
    %add3A_147 = arith.addf %add3A_86, %add3A_144 : vector<256x64xf32>
    %reduce_sum3A_148 = arith.constant dense<0.000000e+00> : vector<256xf32>
    %reduce_sum3A_149 = vector.multi_reduction <add>, %add3A_147, %reduce_sum3A_148 [1] : vector<256x64xf32> to vector<256xf32>
    %broadcast_in_dim3A_150 = vector.shape_cast %reduce_sum3A_149 : vector<256xf32> to vector<256x1xf32>
    %div3A_151 = arith.constant 6.400000e+01 : f32
    %div3A_152 = vector.broadcast %div3A_151 : f32 to vector<256x1xf32>
    %div3A_153 = arith.divf %broadcast_in_dim3A_150, %div3A_152 : vector<256x1xf32>
    %sub3A_154 = vector.broadcast %div3A_153 : vector<256x1xf32> to vector<256x64xf32>
    %sub3A_155 = arith.subf %add3A_147, %sub3A_154 : vector<256x64xf32>
    %integer_pow3A_156 = arith.mulf %sub3A_155, %sub3A_155 : vector<256x64xf32>
    %reduce_sum3A_157 = arith.constant dense<0.000000e+00> : vector<256xf32>
    %reduce_sum3A_158 = vector.multi_reduction <add>, %integer_pow3A_156, %reduce_sum3A_157 [1] : vector<256x64xf32> to vector<256xf32>
    %broadcast_in_dim3A_159 = vector.shape_cast %reduce_sum3A_158 : vector<256xf32> to vector<256x1xf32>
    %div3A_160 = arith.constant 6.400000e+01 : f32
    %div3A_161 = vector.broadcast %div3A_160 : f32 to vector<256x1xf32>
    %div3A_162 = arith.divf %broadcast_in_dim3A_159, %div3A_161 : vector<256x1xf32>
    %sub3A_163 = vector.broadcast %div3A_153 : vector<256x1xf32> to vector<256x64xf32>
    %sub3A_164 = arith.subf %add3A_147, %sub3A_163 : vector<256x64xf32>
    %add3A_165 = arith.constant 9.99999974E-6 : f32
    %add3A_166 = vector.broadcast %add3A_165 : f32 to vector<256x1xf32>
    %add3A_167 = arith.addf %div3A_162, %add3A_166 : vector<256x1xf32>
    %sqrt3A_168 = math.sqrt %add3A_167 : vector<256x1xf32>
    %div3A_169 = vector.broadcast %sqrt3A_168 : vector<256x1xf32> to vector<256x64xf32>
    %div3A_170 = arith.divf %sub3A_164, %div3A_169 : vector<256x64xf32>
    %mul3A_171 = vector.broadcast %get3A_31 : vector<1x64xf32> to vector<256x64xf32>
    %mul3A_172 = arith.mulf %div3A_170, %mul3A_171 : vector<256x64xf32>
    %add3A_173 = vector.broadcast %get3A_34 : vector<1x64xf32> to vector<256x64xf32>
    %add3A_174 = arith.addf %mul3A_172, %add3A_173 : vector<256x64xf32>
    %add3A_175 = arith.addf %div3A_106, %dot_general3A_146 : vector<256x24xf32>
    %slice3A_176 = vector.extract_strided_slice %add3A_175 {offsets = [0, 0], sizes = [256, 8], strides = [1, 1]} : vector<256x24xf32> to vector<256x8xf32>
    %integer_pow3A_177 = arith.mulf %slice3A_176, %slice3A_176 : vector<256x8xf32>
    %slice3A_178 = vector.extract_strided_slice %add3A_175 {offsets = [0, 8], sizes = [256, 8], strides = [1, 1]} : vector<256x24xf32> to vector<256x8xf32>
    %integer_pow3A_179 = arith.mulf %slice3A_178, %slice3A_178 : vector<256x8xf32>
    %add3A_180 = arith.addf %integer_pow3A_177, %integer_pow3A_179 : vector<256x8xf32>
    %slice3A_181 = vector.extract_strided_slice %add3A_175 {offsets = [0, 16], sizes = [256, 8], strides = [1, 1]} : vector<256x24xf32> to vector<256x8xf32>
    %integer_pow3A_182 = arith.mulf %slice3A_181, %slice3A_181 : vector<256x8xf32>
    %add3A_183 = arith.addf %add3A_180, %integer_pow3A_182 : vector<256x8xf32>
    %max3A_184 = arith.constant 9.99999993E-9 : f32
    %max3A_185 = vector.broadcast %max3A_184 : f32 to vector<256x8xf32>
    %max3A_186 = arith.maximumf %add3A_183, %max3A_185 : vector<256x8xf32>
    %reduce_sum3A_187 = arith.constant dense<0.000000e+00> : vector<256xf32>
    %reduce_sum3A_188 = vector.multi_reduction <add>, %max3A_186, %reduce_sum3A_187 [1] : vector<256x8xf32> to vector<256xf32>
    %broadcast_in_dim3A_189 = vector.shape_cast %reduce_sum3A_188 : vector<256xf32> to vector<256x1xf32>
    %div3A_190 = arith.constant 8.000000e+00 : f32
    %div3A_191 = vector.broadcast %div3A_190 : f32 to vector<256x1xf32>
    %div3A_192 = arith.divf %broadcast_in_dim3A_189, %div3A_191 : vector<256x1xf32>
    %sqrt3A_193 = math.sqrt %div3A_192 : vector<256x1xf32>
    %div3A_194 = vector.broadcast %sqrt3A_193 : vector<256x1xf32> to vector<256x24xf32>
    %div3A_195 = arith.divf %add3A_175, %div3A_194 : vector<256x24xf32>
    %reduce_sum3A_196 = arith.constant dense<0.000000e+00> : vector<256xf32>
    %reduce_sum3A_197 = vector.multi_reduction <add>, %add3A_174, %reduce_sum3A_196 [1] : vector<256x64xf32> to vector<256xf32>
    %broadcast_in_dim3A_198 = vector.shape_cast %reduce_sum3A_197 : vector<256xf32> to vector<256x1xf32>
    %div3A_199 = arith.constant 6.400000e+01 : f32
    %div3A_200 = vector.broadcast %div3A_199 : f32 to vector<256x1xf32>
    %div3A_201 = arith.divf %broadcast_in_dim3A_198, %div3A_200 : vector<256x1xf32>
    %sub3A_202 = vector.broadcast %div3A_201 : vector<256x1xf32> to vector<256x64xf32>
    %sub3A_203 = arith.subf %add3A_174, %sub3A_202 : vector<256x64xf32>
    %integer_pow3A_204 = arith.mulf %sub3A_203, %sub3A_203 : vector<256x64xf32>
    %reduce_sum3A_205 = arith.constant dense<0.000000e+00> : vector<256xf32>
    %reduce_sum3A_206 = vector.multi_reduction <add>, %integer_pow3A_204, %reduce_sum3A_205 [1] : vector<256x64xf32> to vector<256xf32>
    %broadcast_in_dim3A_207 = vector.shape_cast %reduce_sum3A_206 : vector<256xf32> to vector<256x1xf32>
    %div3A_208 = arith.constant 6.400000e+01 : f32
    %div3A_209 = vector.broadcast %div3A_208 : f32 to vector<256x1xf32>
    %div3A_210 = arith.divf %broadcast_in_dim3A_207, %div3A_209 : vector<256x1xf32>
    %sub3A_211 = vector.broadcast %div3A_201 : vector<256x1xf32> to vector<256x64xf32>
    %sub3A_212 = arith.subf %add3A_174, %sub3A_211 : vector<256x64xf32>
    %add3A_213 = arith.constant 9.99999974E-6 : f32
    %add3A_214 = vector.broadcast %add3A_213 : f32 to vector<256x1xf32>
    %add3A_215 = arith.addf %div3A_210, %add3A_214 : vector<256x1xf32>
    %sqrt3A_216 = math.sqrt %add3A_215 : vector<256x1xf32>
    %div3A_217 = vector.broadcast %sqrt3A_216 : vector<256x1xf32> to vector<256x64xf32>
    %div3A_218 = arith.divf %sub3A_212, %div3A_217 : vector<256x64xf32>
    %mul3A_219 = vector.broadcast %get3A_37 : vector<1x64xf32> to vector<256x64xf32>
    %mul3A_220 = arith.mulf %div3A_218, %mul3A_219 : vector<256x64xf32>
    %add3A_221 = vector.broadcast %get3A_40 : vector<1x64xf32> to vector<256x64xf32>
    %add3A_222 = arith.addf %mul3A_220, %add3A_221 : vector<256x64xf32>
    %slice3A_223 = vector.extract_strided_slice %div3A_195 {offsets = [0, 0], sizes = [256, 8], strides = [1, 1]} : vector<256x24xf32> to vector<256x8xf32>
    %integer_pow3A_224 = arith.mulf %slice3A_223, %slice3A_223 : vector<256x8xf32>
    %slice3A_225 = vector.extract_strided_slice %div3A_195 {offsets = [0, 8], sizes = [256, 8], strides = [1, 1]} : vector<256x24xf32> to vector<256x8xf32>
    %integer_pow3A_226 = arith.mulf %slice3A_225, %slice3A_225 : vector<256x8xf32>
    %add3A_227 = arith.addf %integer_pow3A_224, %integer_pow3A_226 : vector<256x8xf32>
    %slice3A_228 = vector.extract_strided_slice %div3A_195 {offsets = [0, 16], sizes = [256, 8], strides = [1, 1]} : vector<256x24xf32> to vector<256x8xf32>
    %integer_pow3A_229 = arith.mulf %slice3A_228, %slice3A_228 : vector<256x8xf32>
    %add3A_230 = arith.addf %add3A_227, %integer_pow3A_229 : vector<256x8xf32>
    %max3A_231 = arith.constant 9.99999993E-9 : f32
    %max3A_232 = vector.broadcast %max3A_231 : f32 to vector<256x8xf32>
    %max3A_233 = arith.maximumf %add3A_230, %max3A_232 : vector<256x8xf32>
    %reduce_sum3A_234 = arith.constant dense<0.000000e+00> : vector<256xf32>
    %reduce_sum3A_235 = vector.multi_reduction <add>, %max3A_233, %reduce_sum3A_234 [1] : vector<256x8xf32> to vector<256xf32>
    %broadcast_in_dim3A_236 = vector.shape_cast %reduce_sum3A_235 : vector<256xf32> to vector<256x1xf32>
    %div3A_237 = arith.constant 8.000000e+00 : f32
    %div3A_238 = vector.broadcast %div3A_237 : f32 to vector<256x1xf32>
    %div3A_239 = arith.divf %broadcast_in_dim3A_236, %div3A_238 : vector<256x1xf32>
    %sqrt3A_240 = math.sqrt %div3A_239 : vector<256x1xf32>
    %div3A_241 = vector.broadcast %sqrt3A_240 : vector<256x1xf32> to vector<256x24xf32>
    %div3A_242 = arith.divf %div3A_195, %div3A_241 : vector<256x24xf32>
    %dot_general3A_243 = arith.constant dense<0.000000e+00> : vector<256x24xf32>
    %dot_general3A_244 = tpu.matmul %div3A_242, %get3A_43, %dot_general3A_243 {dimension_numbers = #tpu.dot_dimension_numbers<[1], [0], [0], [1], [0, 0, 1, 1], [], []>, transpose_lhs_hint = false} : vector<256x24xf32>, vector<24x24xf32>, vector<256x24xf32> -> vector<256x24xf32>
    %slice3A_245 = vector.extract_strided_slice %dot_general3A_244 {offsets = [0, 0], sizes = [256, 8], strides = [1, 1]} : vector<256x24xf32> to vector<256x8xf32>
    %integer_pow3A_246 = arith.mulf %slice3A_245, %slice3A_245 : vector<256x8xf32>
    %slice3A_247 = vector.extract_strided_slice %dot_general3A_244 {offsets = [0, 8], sizes = [256, 8], strides = [1, 1]} : vector<256x24xf32> to vector<256x8xf32>
    %integer_pow3A_248 = arith.mulf %slice3A_247, %slice3A_247 : vector<256x8xf32>
    %add3A_249 = arith.addf %integer_pow3A_246, %integer_pow3A_248 : vector<256x8xf32>
    %slice3A_250 = vector.extract_strided_slice %dot_general3A_244 {offsets = [0, 16], sizes = [256, 8], strides = [1, 1]} : vector<256x24xf32> to vector<256x8xf32>
    %integer_pow3A_251 = arith.mulf %slice3A_250, %slice3A_250 : vector<256x8xf32>
    %add3A_252 = arith.addf %add3A_249, %integer_pow3A_251 : vector<256x8xf32>
    %max3A_253 = arith.constant 9.99999993E-9 : f32
    %max3A_254 = vector.broadcast %max3A_253 : f32 to vector<256x8xf32>
    %max3A_255 = arith.maximumf %add3A_252, %max3A_254 : vector<256x8xf32>
    %sqrt3A_256 = math.sqrt %max3A_255 : vector<256x8xf32>
    %concatenate3A_257 = tpu.concatenate %add3A_222, %sqrt3A_256 in 1 : vector<256x64xf32>, vector<256x8xf32> -> vector<256x72xf32>
    %dot_general3A_258 = arith.constant dense<0.000000e+00> : vector<256x8xf32>
    %dot_general3A_259 = tpu.matmul %concatenate3A_257, %get3A_46, %dot_general3A_258 {dimension_numbers = #tpu.dot_dimension_numbers<[1], [0], [0], [1], [0, 0, 1, 1], [], []>, transpose_lhs_hint = false} : vector<256x72xf32>, vector<72x8xf32>, vector<256x8xf32> -> vector<256x8xf32>
    %add3A_260 = vector.broadcast %get3A_49 : vector<1x8xf32> to vector<256x8xf32>
    %add3A_261 = arith.addf %dot_general3A_259, %add3A_260 : vector<256x8xf32>
    %swap3A = arith.constant 0 : index
    %swap3A_262 = arith.constant 0 : index
    %swap3A_263 = vector.load %arg20[%swap3A, %swap3A_262] : memref<256x8xf32, #tpu.memory_space<vmem>>, vector<256x8xf32>
    tpu.vector_store %arg20[%swap3A, %swap3A_262], %add3A_261 {strides = array<i32>} : memref<256x8xf32, #tpu.memory_space<vmem>>, vector<256x8xf32>,
    return
  }
  func.func @transform_0(%arg0: i32) -> (i32, i32) {
    %c0_i32 = arith.constant 0 : i32
    %c0_i32_0 = arith.constant 0 : i32
    return %arg0, %c0_i32 : i32, i32
  }
  func.func @transform_1(%arg0: i32) -> (i32, i32) {
    %c0_i32 = arith.constant 0 : i32
    %c0_i32_0 = arith.constant 0 : i32
    return %arg0, %c0_i32 : i32, i32
  }
  func.func @transform_2(%arg0: i32) -> (i32, i32) {
    %c0_i32 = arith.constant 0 : i32
    %c0_i32_0 = arith.constant 0 : i32
    %c0_i32_1 = arith.constant 0 : i32
    return %c0_i32, %c0_i32_0 : i32, i32
  }
  func.func @transform_3(%arg0: i32) -> (i32, i32) {
    %c0_i32 = arith.constant 0 : i32
    %c0_i32_0 = arith.constant 0 : i32
    %c0_i32_1 = arith.constant 0 : i32
    return %c0_i32, %c0_i32_0 : i32, i32
  }
  func.func @transform_4(%arg0: i32) -> (i32, i32) {
    %c0_i32 = arith.constant 0 : i32
    %c0_i32_0 = arith.constant 0 : i32
    %c0_i32_1 = arith.constant 0 : i32
    return %c0_i32, %c0_i32_0 : i32, i32
  }
  func.func @transform_5(%arg0: i32) -> (i32, i32) {
    %c0_i32 = arith.constant 0 : i32
    %c0_i32_0 = arith.constant 0 : i32
    %c0_i32_1 = arith.constant 0 : i32
    return %c0_i32, %c0_i32_0 : i32, i32
  }
  func.func @transform_6(%arg0: i32) -> (i32, i32) {
    %c0_i32 = arith.constant 0 : i32
    %c0_i32_0 = arith.constant 0 : i32
    %c0_i32_1 = arith.constant 0 : i32
    return %c0_i32, %c0_i32_0 : i32, i32
  }
  func.func @transform_7(%arg0: i32) -> (i32, i32) {
    %c0_i32 = arith.constant 0 : i32
    %c0_i32_0 = arith.constant 0 : i32
    %c0_i32_1 = arith.constant 0 : i32
    return %c0_i32, %c0_i32_0 : i32, i32
  }
  func.func @transform_8(%arg0: i32) -> (i32, i32) {
    %c0_i32 = arith.constant 0 : i32
    %c0_i32_0 = arith.constant 0 : i32
    %c0_i32_1 = arith.constant 0 : i32
    return %c0_i32, %c0_i32_0 : i32, i32
  }
  func.func @transform_9(%arg0: i32) -> (i32, i32) {
    %c0_i32 = arith.constant 0 : i32
    %c0_i32_0 = arith.constant 0 : i32
    %c0_i32_1 = arith.constant 0 : i32
    return %c0_i32, %c0_i32_0 : i32, i32
  }
  func.func @transform_10(%arg0: i32) -> (i32, i32) {
    %c0_i32 = arith.constant 0 : i32
    %c0_i32_0 = arith.constant 0 : i32
    %c0_i32_1 = arith.constant 0 : i32
    return %c0_i32, %c0_i32_0 : i32, i32
  }
  func.func @transform_11(%arg0: i32) -> (i32, i32) {
    %c0_i32 = arith.constant 0 : i32
    %c0_i32_0 = arith.constant 0 : i32
    %c0_i32_1 = arith.constant 0 : i32
    return %c0_i32, %c0_i32_0 : i32, i32
  }
  func.func @transform_12(%arg0: i32) -> (i32, i32) {
    %c0_i32 = arith.constant 0 : i32
    %c0_i32_0 = arith.constant 0 : i32
    %c0_i32_1 = arith.constant 0 : i32
    return %c0_i32, %c0_i32_0 : i32, i32
  }
  func.func @transform_13(%arg0: i32) -> (i32, i32) {
    %c0_i32 = arith.constant 0 : i32
    %c0_i32_0 = arith.constant 0 : i32
    %c0_i32_1 = arith.constant 0 : i32
    return %c0_i32, %c0_i32_0 : i32, i32
  }
  func.func @transform_14(%arg0: i32) -> (i32, i32) {
    %c0_i32 = arith.constant 0 : i32
    %c0_i32_0 = arith.constant 0 : i32
    %c0_i32_1 = arith.constant 0 : i32
    return %c0_i32, %c0_i32_0 : i32, i32
  }
  func.func @transform_15(%arg0: i32) -> (i32, i32) {
    %c0_i32 = arith.constant 0 : i32
    %c0_i32_0 = arith.constant 0 : i32
    %c0_i32_1 = arith.constant 0 : i32
    return %c0_i32, %c0_i32_0 : i32, i32
  }
  func.func @transform_16(%arg0: i32) -> (i32, i32) {
    %c0_i32 = arith.constant 0 : i32
    %c0_i32_0 = arith.constant 0 : i32
    %c0_i32_1 = arith.constant 0 : i32
    return %c0_i32, %c0_i32_0 : i32, i32
  }
  func.func @transform_17(%arg0: i32) -> (i32, i32) {
    %c0_i32 = arith.constant 0 : i32
    %c0_i32_0 = arith.constant 0 : i32
    %c0_i32_1 = arith.constant 0 : i32
    return %c0_i32, %c0_i32_0 : i32, i32
  }
  func.func @transform_18(%arg0: i32) -> (i32, i32) {
    %c0_i32 = arith.constant 0 : i32
    %c0_i32_0 = arith.constant 0 : i32
    %c0_i32_1 = arith.constant 0 : i32
    return %c0_i32, %c0_i32_0 : i32, i32
  }
  func.func @transform_19(%arg0: i32) -> (i32, i32) {
    %c0_i32 = arith.constant 0 : i32
    %c0_i32_0 = arith.constant 0 : i32
    return %arg0, %c0_i32 : i32, i32
  }
}

</mosaic_0001>

<sc_bundles>
// kernel: kernel.10.cloned.1.call-start
scs
__scs_entry_jumppad:
0x0: {  	(pc) =	sbr.rel $0x88, $3  }
0x1: {  	(tag) =	ssettag $0x0;
	lr =	simm.s32 $0x1  }
0x2: {  	[smem:$0x3F63] =	sst lr;
	_ =	strace $0xD0000000  }
0x3: {  	_ = 	snop  }
0x4: {  	_ = 	snop  }
0x5: {  	_ = 	snop  }
0x6: {  	_ = 	snop  }
0x7: {  	_ = 	snop  }
__scs_overlays_trampoline_lowered:
0x8: {  	[smem:$0x3F72] =	sst s0  }
0x9: {  	[smem:$0x3F73] =	sst s1  }
0xa: {  	[smem:$0x3F74] =	sst s2  }
0xb: {  	[smem:$0x3F75] =	sst s3  }
0xc: {  	[smem:$0x3F76] =	sst s4  }
0xd: {  	[smem:$0x3F77] =	sst s5  }
0xe: {  	[smem:$0x3F78] =	sst s6  }
0xf: {  	[smem:$0x3F79] =	sst s7  }
0x10: {  	[smem:$0x3F7A] =	sst s8  }
0x11: {  	[smem:$0x3F7B] =	sst s9;
	s0 =	simm.s32 @!p0 $0x0  }
0x12: {  	s1 =	sld [smem:$0x3F61];
	s0 =	simm.s32 @p0 $0x1  }
0x13: {  	[smem:$0x3F7C] =	sst s0;
	s0 =	simm.s32 @!p1 $0x0  }
0x14: {  	s2 =	sld [smem:$0x3F60];
	s0 =	simm.s32 @p1 $0x1  }
0x15: {  	[smem:$0x3F7D] =	sst s0;
	s0 =	simm.s32 @!p2 $0x0  }
0x16: {  	s3 =	sld [smem:$0x3FDB];
	s0 =	simm.s32 @p2 $0x1  }
0x17: {  	s4 =	simm.s32 $0x1BF5;
	[smem:$0x3F7F] =	sst s0  }
0x18: {  	s0 =	sld [smem:$0x3F62];
	_ =	swait.ge [sflag:s4], $0x0  }
0x19: {  	s7 =	sld [smem:$0x3F63]  }
0x1a: {  	s8 =	sadd.s32 $0xFFFFE003, lr  }
0x1b: {  	s9 =	sadd.s32 $0xFFFFFEF7, lr;
	s5 =	simm.s32 $0xFFFFFFFF;
	p2 =	slt.u32 s8, $0xFFFFF086  }
0x1c: {  	p1 =	slt.u32 s9, $0xF7A;
	s5 =	simm.s32 @!p2 $0x0  }
0x1d: {  	s5 =	simm.s32 @p1 $0x1;
	p0 =	seq.s32 s7, s2  }
0x1e: {  	s7 =	smul.u32 @!p0 $0xF7A, s2;
	p2 =	seq.s32 @!p0 s5, $0x0  }
0x1f: {  	s9 =	smul.u32 $0xF7A, s1;
	s8 =	simm.s32 @!p0 $0x1BF5;
	p2 =	por !p2, p0  }
0x20: {  	[sflag:s8] =	ssyncset.s32 @!p0 $0xFFFFF086;
	s6 =	sadd.s32 @!p0 s3, s7;
	s7 =	simm.s32 @!p0 $0x108  }
0x21: {  	s3 =	sadd.s32 s3, s9;
	s6 =	sadd.s32 @!p0 $0x88, s6;
	s7 =	simm.s32 @p2 $0x1082  }
0x22: {  	[simem:s7], [sflag:s8] =	dma.local @!p0 [hbm:s6], $0xF7A  }
0x23: {  	s9 =	sor.u32 $0xD0000000, s2;
	s6 =	simm.s32 $0x108;
	_ =	swait.ge @!p0 [sflag:s8], $0x0  }
0x24: {  	s3 =	sadd.s32 $0x88, s3;
	s6 =	simm.s32 @!p1 $0x1082;
	[sflag:s4] =	ssyncset.s32 $0xFFFFF086  }
0x25: {  	[simem:s6], [sflag:s4] =	dma.local [hbm:s3], $0xF7A  }
0x26: {  	[smem:$0x3F63] =	sst s1;
	(tag) =	ssettag s2;
	_ =	strace s9  }
0x27: {  	s1 =	sld [smem:$0x3F73]  }
0x28: {  	s2 =	sld [smem:$0x3F74]  }
0x29: {  	s4 =	sld [smem:$0x3F76]  }
0x2a: {  	p0 =	seq.s32 s5, $0x0;
	s5 =	sld [smem:$0x3F77]  }
0x2b: {  	s6 =	sld [smem:$0x3F78]  }
0x2c: {  	s7 =	sld [smem:$0x3F79]  }
0x2d: {  	s3 =	simm.s32 $0x108;
	s8 =	sld [smem:$0x3F7A]  }
0x2e: {  	s3 =	simm.s32 @!p0 $0x1082;
	s9 =	sld [smem:$0x3F7B]  }
0x2f: {  	lr =	sadd.s32 s0, s3;
	s0 =	sld [smem:$0x3F72]  }
0x30: {  	s3 =	sld [smem:$0x3F75]  }
0x31: {  	[smem:$0x3F7E] =	sst s10  }
0x32: {  	s10 =	sld [smem:$0x3F7C];
	_ =	sdelay $0x3  }
0x33: {  	p0 =	seq.s32 s10, $0x1;
	s10 =	sld [smem:$0x3F7E];
	_ =	sdelay $0x3  }
0x34: {  	[smem:$0x3F7E] =	sst s10  }
0x35: {  	s10 =	sld [smem:$0x3F7D];
	_ =	sdelay $0x3  }
0x36: {  	p1 =	seq.s32 s10, $0x1;
	s10 =	sld [smem:$0x3F7E];
	_ =	sdelay $0x3  }
0x37: {  	[smem:$0x3F7E] =	sst s10  }
0x38: {  	s10 =	sld [smem:$0x3F7F]  }
0x39: {  	_ = 	snop;
	(pc) =	sbr.ind lr, $3  }
0x3a: {  	_ = 	snop  }
0x3b: {  	_ = 	snop  }
0x3c: {  	p2 =	seq.s32 s10, $0x1;
	s10 =	sld [smem:$0x3F7E]  }
0x3d: {  	_ =	shalt  }
0x3e: {  	_ =	shalt  }
0x3f: {  	_ =	shalt  }
0x40: {  	_ =	shalt  }
0x41: {  	_ =	shalt  }
0x42: {  	_ =	shalt  }
0x43: {  	_ =	shalt  }
0x44: {  	_ =	shalt  }
0x45: {  	_ =	shalt  }
0x46: {  	_ =	shalt  }
0x47: {  	_ =	shalt  }
0x48: {  	_ =	shalt  }
0x49: {  	_ =	shalt  }
0x4a: {  	_ =	shalt  }
0x4b: {  	_ =	shalt  }
0x4c: {  	_ =	shalt  }
0x4d: {  	_ =	shalt  }
0x4e: {  	_ =	shalt  }
0x4f: {  	_ =	shalt  }
0x50: {  	_ =	shalt  }
0x51: {  	_ =	shalt  }
0x52: {  	_ =	shalt  }
0x53: {  	_ =	shalt  }
0x54: {  	_ =	shalt  }
0x55: {  	_ =	shalt  }
0x56: {  	_ =	shalt  }
0x57: {  	_ =	shalt  }
0x58: {  	_ =	shalt  }
0x59: {  	_ =	shalt  }
0x5a: {  	_ =	shalt  }
0x5b: {  	_ =	shalt  }
0x5c: {  	_ =	shalt  }
0x5d: {  	_ =	shalt  }
0x5e: {  	_ =	shalt  }
0x5f: {  	_ =	shalt  }
0x60: {  	_ =	shalt  }
0x61: {  	_ =	shalt  }
0x62: {  	_ =	shalt  }
0x63: {  	_ =	shalt  }
0x64: {  	_ =	shalt  }
0x65: {  	_ =	shalt  }
0x66: {  	_ =	shalt  }
0x67: {  	_ =	shalt  }
0x68: {  	_ =	shalt  }
0x69: {  	_ =	shalt  }
0x6a: {  	_ =	shalt  }
0x6b: {  	_ =	shalt  }
0x6c: {  	_ =	shalt  }
0x6d: {  	_ =	shalt  }
0x6e: {  	_ =	shalt  }
0x6f: {  	_ =	shalt  }
0x70: {  	_ =	shalt  }
0x71: {  	_ =	shalt  }
0x72: {  	_ =	shalt  }
0x73: {  	_ =	shalt  }
0x74: {  	_ =	shalt  }
0x75: {  	_ =	shalt  }
0x76: {  	_ =	shalt  }
0x77: {  	_ =	shalt  }
0x78: {  	_ =	shalt  }
0x79: {  	_ =	shalt  }
0x7a: {  	_ =	shalt  }
0x7b: {  	_ =	shalt  }
0x7c: {  	_ =	shalt  }
0x7d: {  	_ =	shalt  }
0x7e: {  	_ =	shalt  }
0x7f: {  	_ =	shalt  }
0x80: {  	_ =	shalt  }
0x81: {  	_ =	shalt  }
0x82: {  	_ =	shalt  }
0x83: {  	_ =	shalt  }
0x84: {  	_ =	shalt  }
0x85: {  	_ =	shalt  }
0x86: {  	_ =	shalt  }
0x87: {  	_ =	shalt  }
.Lfunc_end0:
.L_simem_size_0:
called_computation.2_lowered:
.L_overlay_start_0:
0x88: {  	s2 =	sld [smem:$0x3FD9]  }
0x89: {  	s3 =	sld [smem:$0x3FFE];
	_ =	sdelay $0x1  }
0x8a: {  	s1 =	srdreg.scid  }
0x8b: {  	s0 =	sand.u32 $0x1, s1  }
0x8c: {  	s17 =	sshll.u32 s0, $0xA;
	s2 =	sadd.s32 s3, s2  }
0x8d: {  	s2 =	sadd.s32 s2, s17  }
0x8e: {  	[smem:$0x3F8A] =	sst s2  }
0x8f: {  	_ = 	snop  }
0x90: {  	s2 =	sld [smem:$0x3FD0];
	(tm) =	ssettm $0x1  }
0x91: {  	s18 =	sld [smem:$0x3FFB];
	_ =	sdelay $0x3  }
0x92: {  	_ =	strace s18  }
0x93: {  	s3 =	sld [smem:$0x3FFC];
	_ =	sdelay $0x3  }
0x94: {  	_ =	strace s3  }
0x95: {  	s3 =	sld [smem:$0x3FFD];
	_ =	sdelay $0x3  }
0x96: {  	_ =	strace s3  }
0x97: {  	_ =	strace $0x8FFFFFFF  }
0x98: {  	s19 =	sld [smem:$0x3FDB];
	_ =	sdelay $0x1  }
0x99: {  	s4 =	simm.s32 $_scs_section_size  }
0x9a: {  	s5 =	simm.s32 $_size__tile_overlayer_lowered;
	s6 =	simm.s32 $_tile_overlayer_lowered  }
0x9b: {  	s22 =	simm.s32 $0x1BFF;
	s21 =	sshll.u32 s6, $0x1;
	s3 =	sadd.s32 s4, s19  }
0x9c: {  	s7 =	simm.s32 $0x0;
	s20 =	sshll.u32 s5, $0x1;
	s5 =	sadd.s32 s21, s3  }
0x9d: {  	[timem:s7], [sflag:s22] =	dma.local [hbm:s5], s20  }
0x9e: {  	_ =	swait.ge [sflag:s22], s20  }
0x9f: {  	s4 =	ssub.s32 $0x0, s20;
	[sflag:s22] =	ssyncset.done $0x0  }
0xa0: {  	[sflag:s22] =	ssyncadd.s32 s4;
	_ =	sdelay $0x1  }
0xa1: {  	s23 =	simm.s32 $0x1B8B  }
0xa2: {  	_ =	swait.ge [sflag:s23], $0x1  }
0xa3: {  	[sflag:s23] =	ssyncset.done $0x0  }
0xa4: {  	s25 =	simm.s32 $0x1B8E;
	s24 =	sld [smem:$0x3FFE];
	[sflag:s23] =	ssyncadd.s32 $0xFFFFFFFF  }
0xa5: {  	s26 =	simm.s32 $execute0_lowered;
	[smem:$0x3FD2] =	sst s25  }
0xa6: {  	s5 =	sshll.u32 s26, $0x1;
	_ =	strace $0x8000004C;
	[dreg:$0x1] =	wrdreg $0xFFFFFFFF  }
0xa7: {  	s28 =	simm.s32 $_size_execute0_lowered;
	s3 =	sadd.s32 s3, s5;
	[dreg:$0x0] =	wrdreg $0x0  }
0xa8: {  	s5 =	sshll.u32 s28, $0x1;
	[dreg:$0x2] =	wrdreg s3  }
0xa9: {  	[dreg:$0x3] =	wrdreg s5  }
0xaa: {  	[dreg:$0x4] =	wrdreg $0xC0  }
0xab: {  	_ =	task [dreg:s7], $0x5FFFF  }
0xac: {  	[dreg:$0x1] =	wrdreg $0xFFFFFFFF  }
0xad: {  	[dreg:$0x0] =	wrdreg $0x60  }
0xae: {  	[dreg:$0x2] =	wrdreg s24  }
0xaf: {  	[dreg:$0x3] =	wrdreg s2  }
0xb0: {  	[dreg:$0x4] =	wrdreg $0x41000  }
0xb1: {  	[dreg:$0x5] =	wrdreg $0x9  }
0xb2: {  	_ =	task.clear_ibuf [dreg:s7], $0x6FFFF;
	_ =	strace $0x9000004C  }
0xb3: {  	s29 =	simm.s32 $0x9;
	_ =	strace $0x8000004E  }
0xb4: {  	_ =	swait.ge [sflag:s29], $0x1  }
0xb5: {  	[sflag:s29] =	ssyncadd.s32 $0xFFFFFFFF  }
0xb6: {  	_ =	strace $0x9000004E  }
0xb7: {  	_ =	sfence  }
0xb8: {  	s30 =	sld [smem:$0x0];
	_ =	sdelay $0x2  }
0xb9: {  	s31 =	sshll.u32 s1, $0xD;
	s1 =	sshrl.u32 s1, $0x2  }
0xba: {  	s3 =	sand.u32 $0x4000, s31;
	s1 =	sadd.s32 s1, s30  }
0xbb: {  	s0 =	sor.u32 s3, s0;
	s1 =	sshll.u32 s1, $0x11  }
0xbc: {  	s0 =	sor.u32 s1, s0  }
0xbd: {  	s0 =	sadd.s32 $0x8F2B, s0  }
0xbe: {  	[sflag:s0] =	ssyncadd.remote.s32 $0x1  }
0xbf: {  	_ =	sfence.sel $0xFFFF  }
0xc0: {  	[dreg:$0x0] =	wrdreg $0xFFFFFFFF;
	(pc) =	sbr.abs _section_cstart, $3  }
0xc1: {  	[dreg:$0x1] =	wrdreg $0xFFFFFFFF  }
0xc2: {  	_ =	task.clear_ibuf [dreg:s7], $0x2FFFF;
	_ =	strace $0x9FFFFFFF  }
0xc3: {  	(tm) =	ssettm $0x7FFFFFFF  }
tec
execute0_lowered:
.L_overlay_start_1:
0x0: {  	(tag) =	ssettag $0x1  }
0x1: {  	s5 =	rddreg [dreg:$0x0]  }
0x2: {  	s1 =	rddreg [dreg:$0x1]  }
0x3: {  	s3 =	rddreg [dreg:$0x2];
	s2 =	stileid.u32  }
0x4: {  	s0 =	rddreg [dreg:$0x3];
	s6 =	smul.u32 $0xC4000, s2  }
0x5: {  	s4 =	simm.s32 $0x0;
	s7 =	srdreg.scid;
	s8 =	smul.u32 $0x1880, s2  }
0x6: {  	s15 =	simm.s32 $0x2;
	s18 =	simm.s32 $0x0;
	s22 =	smul.u32 $0x62200, s2  }
0x7: {  	[smem:$0x7FF] =	sst s4;
	s7 =	sand.u32 $0x1, s7;
	s23 =	smul.u32 $0x310, s2  }
0x8: {  	s9 =	sadd.s32 $0x1041200, s5;
	s25 =	sshll.u32 s2, $0x6;
	s26 =	smul.u32 $0x62000, s2  }
0x9: {  	_ =	strace $0x8000004D;
	s20 =	ssub.s32 $0x2, s7;
	s16 =	smul.u32 $0x6200, s7  }
0xa: {  	s11 =	sadd.s32 s6, s5;
	s10 =	sadd.s32 s8, s5;
	s21 =	sshrl.u32 s20, $0x1  }
0xb: {  	s24 =	sshrl.u32 s22, $0x2;
	s5 =	sor.u32 $0x1C03, s25;
	s28 =	sshrl.u32 s26, $0x2  }
0xc: {  	s12 =	ssub.s32 s20, s21;
	s13 =	sadd.s32 s24, s3;
	s17 =	sadd.s32 $0x3100, s16  }
0xd: {  	s29 =	sadd.s32 s23, s16;
	s6 =	sadd.s32 s28, s3;
	s10 =	sadd.s32 $0x1028A00, s10  }
0xe: {  	s11 =	sadd.s32 $0xA000, s11;
	v0 =	vmov s16;
	s16 =	simm.s32 $0x1;
	s14 =	sadd.s32 s23, s17  }
0xf: {  	s30 =	sshll.u32 s29, $0x4;
	v1 =	vmov s17;
	s17 =	simm.s32 $0x80;
	s31 =	sshll.u32 s14, $0x4  }
0x10: {  	s7 =	sadd.s32 s9, s30;
	s14 =	simm.s32 $0x100;
	s8 =	sadd.s32 s9, s31  }
0x11: {  	s9 =	smax.u32 s12, $0x1;
	s12 =	sshrl.u32 s13, $0x3;
	s13 =	simm.s32 $0x3  }
.LBB2_1:
0x12: {  	[spmem:s12], [sflag:s5] =	dma.local [hbm:s1], $0x3110  }
0x13: {  	_ =	swait.ge [sflag:s13], $0x3110  }
0x14: {  	[sflag:s13] =	ssyncset.done $0x0  }
0x15: {  	[sflag:s13] =	ssyncadd.s32 $0xFFFFCEF0  }
0x16: {  	[bflag:$0x0] =	sbarrier.arrive $0xFFFF  }
0x17: {  	[tilespmem:s14], [sflag:$0x1] =	stream.linear.gather [hbm4b:s11+s4], $0x4000, $0x38;
	[tilespmem:$0x1C980] =	vst v63  }
0x18: {  	s19 =	sadd.s32 $0x0, s10  }
0x19: {  	[tilespmem:s4], [sflag:$0x2] =	stream.linear.gather [hbm4b:s19+s4], $0x80, $0x38;
	[tilespmem:$0x1C980] =	vst v63  }
0x1a: {  	_ =	swait.ge [sflag:s15], $0x80  }
0x1b: {  	[sflag:s15] =	ssyncset.done $0x0  }
0x1c: {  	[sflag:s15] =	ssyncadd.s32 $0xFFFFFF80  }
0x1d: {  	v2 =	vld [tilespmem:$0x70]  }
0x1e: {  	v3 =	vld [tilespmem:$0x60]  }
0x1f: {  	v4 =	vld [tilespmem:$0x30]  }
0x20: {  	v5 =	vld [tilespmem:$0x20]  }
0x21: {  	v6 =	vld [tilespmem:$0x10]  }
0x22: {  	v7 =	vld [tilespmem:$0x40];
	v2 =	vsub.s32 v2, v0  }
0x23: {  	v8 =	vld [tilespmem:$0x0];
	v3 =	vsub.s32 v3, v0;
	v2 =	vmin.u32 v2, $0x3100  }
0x24: {  	v9 =	vld [tilespmem:$0x50];
	v4 =	vsub.s32 v4, v0;
	v3 =	vmin.u32 v3, $0x3100;
	[tilespmem:$0xF0] =	vst v2  }
0x25: {  	v4 =	vmin.u32 v4, $0x3100;
	v2 =	vsub.s32 v5, v0;
	[tilespmem:$0xE0] =	vst v3  }
0x26: {  	v3 =	vsub.s32 v6, v0;
	[tilespmem:$0xB0] =	vst v4;
	v2 =	vmin.u32 v2, $0x3100  }
0x27: {  	v3 =	vmin.u32 v3, $0x3100;
	[tilespmem:$0xA0] =	vst v2;
	v2 =	vsub.s32 v7, v0  }
0x28: {  	v63 =	vsub.s32 v8, v0;
	[tilespmem:$0x90] =	vst v3;
	v2 =	vmin.u32 v2, $0x3100  }
0x29: {  	v3 =	vmin.u32 v63, $0x3100;
	[tilespmem:$0xC0] =	vst v2;
	v2 =	vsub.s32 v9, v0  }
0x2a: {  	s20 =	smov.u32 s11;
	s19 =	simm.s32 $0x10;
	[tilespmem:$0x80] =	vst v3;
	v2 =	vmin.u32 v2, $0x3100  }
.LBB2_2:
0x2b: {  	p0 =	sne.s32 s19, $0x1870  }
0x2c: {  	[tilespmem:$0xD0] =	vst v2;
	s20 =	sadd.s32 $0x800, s20;
	s21 =	smov.u32 s19;
	s19 =	sadd.s32 $0x10, s19  }
0x2d: {  	_ =	swait.ge [sflag:s16], $0x4000  }
0x2e: {  	[sflag:s16] =	ssyncset.done $0x0  }
0x2f: {  	[sflag:s16] =	ssyncadd.s32 $0xFFFFC000  }
0x30: {  	[spmem:s3] =	stream.indirect.scatter.add.f32 [tilespmem:s14], [sflag:$0x3], $0x80, s17, s17, $0xb8;
	[tilespmem:$0x1C980] =	vst v63  }
0x31: {  	_ =	swait.ge [sflag:s13], $0x4000  }
0x32: {  	[sflag:s13] =	ssyncset.done $0x0  }
0x33: {  	[sflag:s13] =	ssyncadd.s32 $0xFFFFC000  }
0x34: {  	[tilespmem:s14], [sflag:$0x1] =	stream.linear.gather [hbm4b:s20+s4], $0x4000, $0x38;
	[tilespmem:$0x1C980] =	vst v63  }
0x35: {  	s21 =	sadd.s32 s21, s10  }
0x36: {  	[tilespmem:s4], [sflag:$0x2] =	stream.linear.gather [hbm4b:s21+s4], $0x80, $0x38;
	[tilespmem:$0x1C980] =	vst v63  }
0x37: {  	_ =	swait.ge [sflag:s15], $0x80  }
0x38: {  	[sflag:s15] =	ssyncset.done $0x0  }
0x39: {  	[sflag:s15] =	ssyncadd.s32 $0xFFFFFF80  }
0x3a: {  	v2 =	vld [tilespmem:$0x70]  }
0x3b: {  	v3 =	vld [tilespmem:$0x60]  }
0x3c: {  	v4 =	vld [tilespmem:$0x30]  }
0x3d: {  	v5 =	vld [tilespmem:$0x20]  }
0x3e: {  	v6 =	vld [tilespmem:$0x10]  }
0x3f: {  	v7 =	vld [tilespmem:$0x40];
	v2 =	vsub.s32 v2, v0  }
0x40: {  	v8 =	vld [tilespmem:$0x0];
	v3 =	vsub.s32 v3, v0;
	v2 =	vmin.u32 v2, $0x3100  }
0x41: {  	v4 =	vsub.s32 v4, v0;
	v9 =	vld [tilespmem:$0x50];
	v3 =	vmin.u32 v3, $0x3100;
	[tilespmem:$0xF0] =	vst v2  }
0x42: {  	v2 =	vsub.s32 v5, v0;
	v4 =	vmin.u32 v4, $0x3100;
	[tilespmem:$0xE0] =	vst v3  }
.Ltmp0:
0x43: {  	v3 =	vsub.s32 v6, v0;
	v2 =	vmin.u32 v2, $0x3100;
	[tilespmem:$0xB0] =	vst v4;
	(pc) =	sbr.rel @p0 .LBB2_2-.Ltmp0, $4  }
0x44: {  	v3 =	vmin.u32 v3, $0x3100;
	[tilespmem:$0xA0] =	vst v2;
	v2 =	vsub.s32 v7, v0  }
0x45: {  	v4 =	vsub.s32 v8, v0;
	[tilespmem:$0x90] =	vst v3;
	v2 =	vmin.u32 v2, $0x3100  }
0x46: {  	v3 =	vmin.u32 v4, $0x3100;
	[tilespmem:$0xC0] =	vst v2;
	v2 =	vsub.s32 v9, v0  }
0x47: {  	[tilespmem:$0x80] =	vst v3;
	v2 =	vmin.u32 v2, $0x3100  }
0x48: {  	[tilespmem:$0xD0] =	vst v2  }
0x49: {  	_ =	swait.ge [sflag:s16], $0x4000  }
0x4a: {  	[sflag:s16] =	ssyncset.done $0x0  }
0x4b: {  	[sflag:s16] =	ssyncadd.s32 $0xFFFFC000  }
0x4c: {  	[spmem:s3] =	stream.indirect.scatter.add.f32 [tilespmem:s14], [sflag:$0x3], $0x80, s17, s17, $0xb8;
	[tilespmem:$0x1C980] =	vst v63  }
0x4d: {  	_ =	swait.ge [sflag:s13], $0x4000  }
0x4e: {  	[sflag:s13] =	ssyncset.done $0x0  }
0x4f: {  	[sflag:s13] =	ssyncadd.s32 $0xFFFFC000  }
0x50: {  	s19 =	sshrl.u32 s6, $0x3;
	[bflag:$0x0] =	sbarrier.arrive $0xFFFF  }
0x51: {  	[hbm:s7], [sflag:s5] =	dma.local [spmem:s19], $0x3100  }
0x52: {  	_ =	swait.ge [sflag:s13], $0x3100  }
0x53: {  	[sflag:s13] =	ssyncset.done $0x0  }
0x54: {  	[sflag:s13] =	ssyncadd.s32 $0xFFFFCF00  }
0x55: {  	[bflag:$0x0] =	sbarrier.arrive $0xFFFF  }
0x56: {  	[spmem:s12], [sflag:s5] =	dma.local [hbm:s1], $0x3110  }
0x57: {  	_ =	swait.ge [sflag:s13], $0x3110  }
0x58: {  	[sflag:s13] =	ssyncset.done $0x0  }
0x59: {  	[sflag:s13] =	ssyncadd.s32 $0xFFFFCEF0  }
0x5a: {  	[bflag:$0x0] =	sbarrier.arrive $0xFFFF  }
0x5b: {  	[tilespmem:s14], [sflag:$0x1] =	stream.linear.gather [hbm4b:s11+s4], $0x4000, $0x38;
	[tilespmem:$0x1C980] =	vst v63  }
0x5c: {  	s20 =	sadd.s32 $0x0, s10  }
0x5d: {  	[tilespmem:s4], [sflag:$0x2] =	stream.linear.gather [hbm4b:s20+s4], $0x80, $0x38;
	[tilespmem:$0x1C980] =	vst v63  }
0x5e: {  	_ =	swait.ge [sflag:s15], $0x80  }
0x5f: {  	[sflag:s15] =	ssyncset.done $0x0  }
0x60: {  	[sflag:s15] =	ssyncadd.s32 $0xFFFFFF80  }
0x61: {  	v2 =	vld [tilespmem:$0x70]  }
0x62: {  	v3 =	vld [tilespmem:$0x60]  }
0x63: {  	v4 =	vld [tilespmem:$0x30]  }
0x64: {  	v5 =	vld [tilespmem:$0x20]  }
0x65: {  	v6 =	vld [tilespmem:$0x10]  }
0x66: {  	v7 =	vld [tilespmem:$0x40];
	v2 =	vsub.s32 v2, v1  }
0x67: {  	v8 =	vld [tilespmem:$0x0];
	v3 =	vsub.s32 v3, v1;
	v2 =	vmin.u32 v2, $0x3100  }
0x68: {  	v9 =	vld [tilespmem:$0x50];
	v4 =	vsub.s32 v4, v1;
	v3 =	vmin.u32 v3, $0x3100;
	[tilespmem:$0xF0] =	vst v2  }
0x69: {  	v4 =	vmin.u32 v4, $0x3100;
	v2 =	vsub.s32 v5, v1;
	[tilespmem:$0xE0] =	vst v3  }
0x6a: {  	v3 =	vsub.s32 v6, v1;
	[tilespmem:$0xB0] =	vst v4;
	v2 =	vmin.u32 v2, $0x3100  }
0x6b: {  	v3 =	vmin.u32 v3, $0x3100;
	[tilespmem:$0xA0] =	vst v2;
	v2 =	vsub.s32 v7, v1  }
0x6c: {  	v63 =	vsub.s32 v8, v1;
	[tilespmem:$0x90] =	vst v3;
	v2 =	vmin.u32 v2, $0x3100  }
0x6d: {  	v3 =	vmin.u32 v63, $0x3100;
	[tilespmem:$0xC0] =	vst v2;
	v2 =	vsub.s32 v9, v1  }
0x6e: {  	s21 =	smov.u32 s11;
	s20 =	simm.s32 $0x10;
	[tilespmem:$0x80] =	vst v3;
	v2 =	vmin.u32 v2, $0x3100  }
.LBB2_4:
0x6f: {  	p0 =	sne.s32 s20, $0x1870  }
0x70: {  	[tilespmem:$0xD0] =	vst v2;
	s21 =	sadd.s32 $0x800, s21;
	s22 =	smov.u32 s20;
	s20 =	sadd.s32 $0x10, s20  }
0x71: {  	_ =	swait.ge [sflag:s16], $0x4000  }
0x72: {  	[sflag:s16] =	ssyncset.done $0x0  }
0x73: {  	[sflag:s16] =	ssyncadd.s32 $0xFFFFC000  }
0x74: {  	[spmem:s3] =	stream.indirect.scatter.add.f32 [tilespmem:s14], [sflag:$0x3], $0x80, s17, s17, $0xb8;
	[tilespmem:$0x1C980] =	vst v63  }
0x75: {  	_ =	swait.ge [sflag:s13], $0x4000  }
0x76: {  	[sflag:s13] =	ssyncset.done $0x0  }
0x77: {  	[sflag:s13] =	ssyncadd.s32 $0xFFFFC000  }
0x78: {  	[tilespmem:s14], [sflag:$0x1] =	stream.linear.gather [hbm4b:s21+s4], $0x4000, $0x38;
	[tilespmem:$0x1C980] =	vst v63  }
0x79: {  	s22 =	sadd.s32 s22, s10  }
0x7a: {  	[tilespmem:s4], [sflag:$0x2] =	stream.linear.gather [hbm4b:s22+s4], $0x80, $0x38;
	[tilespmem:$0x1C980] =	vst v63  }
0x7b: {  	_ =	swait.ge [sflag:s15], $0x80  }
0x7c: {  	[sflag:s15] =	ssyncset.done $0x0  }
0x7d: {  	[sflag:s15] =	ssyncadd.s32 $0xFFFFFF80  }
0x7e: {  	v2 =	vld [tilespmem:$0x70]  }
0x7f: {  	v3 =	vld [tilespmem:$0x60]  }
0x80: {  	v4 =	vld [tilespmem:$0x30]  }
0x81: {  	v5 =	vld [tilespmem:$0x20]  }
0x82: {  	v6 =	vld [tilespmem:$0x10]  }
0x83: {  	v7 =	vld [tilespmem:$0x40];
	v2 =	vsub.s32 v2, v1  }
0x84: {  	v8 =	vld [tilespmem:$0x0];
	v3 =	vsub.s32 v3, v1;
	v2 =	vmin.u32 v2, $0x3100  }
0x85: {  	v4 =	vsub.s32 v4, v1;
	v9 =	vld [tilespmem:$0x50];
	v3 =	vmin.u32 v3, $0x3100;
	[tilespmem:$0xF0] =	vst v2  }
0x86: {  	v2 =	vsub.s32 v5, v1;
	v4 =	vmin.u32 v4, $0x3100;
	[tilespmem:$0xE0] =	vst v3  }
.Ltmp1:
0x87: {  	v3 =	vsub.s32 v6, v1;
	v2 =	vmin.u32 v2, $0x3100;
	[tilespmem:$0xB0] =	vst v4;
	(pc) =	sbr.rel @p0 .LBB2_4-.Ltmp1, $4  }
0x88: {  	v3 =	vmin.u32 v3, $0x3100;
	[tilespmem:$0xA0] =	vst v2;
	v2 =	vsub.s32 v7, v1  }
0x89: {  	v4 =	vsub.s32 v8, v1;
	[tilespmem:$0x90] =	vst v3;
	v2 =	vmin.u32 v2, $0x3100  }
0x8a: {  	v3 =	vmin.u32 v4, $0x3100;
	[tilespmem:$0xC0] =	vst v2;
	v2 =	vsub.s32 v9, v1  }
0x8b: {  	[tilespmem:$0x80] =	vst v3;
	v2 =	vmin.u32 v2, $0x3100  }
0x8c: {  	[tilespmem:$0xD0] =	vst v2  }
0x8d: {  	_ =	swait.ge [sflag:s16], $0x4000  }
0x8e: {  	[sflag:s16] =	ssyncset.done $0x0  }
0x8f: {  	[sflag:s16] =	ssyncadd.s32 $0xFFFFC000  }
0x90: {  	[spmem:s3] =	stream.indirect.scatter.add.f32 [tilespmem:s14], [sflag:$0x3], $0x80, s17, s17, $0xb8;
	[tilespmem:$0x1C980] =	vst v63  }
0x91: {  	_ =	swait.ge [sflag:s13], $0x4000  }
0x92: {  	[sflag:s13] =	ssyncset.done $0x0  }
0x93: {  	s18 =	sadd.s32 $0x1, s18;
	[sflag:s13] =	ssyncadd.s32 $0xFFFFC000  }
0x94: {  	p0 =	sne.s32 s18, s9;
	[bflag:$0x0] =	sbarrier.arrive $0xFFFF  }
0x95: {  	[hbm:s8], [sflag:s5] =	dma.local [spmem:s19], $0x3100  }
.Ltmp2:
0x96: {  	_ =	swait.ge [sflag:s13], $0x3100;
	(pc) =	sbr.rel @p0 .LBB2_1-.Ltmp2, $3  }
0x97: {  	[sflag:s13] =	ssyncset.done $0x0  }
0x98: {  	[sflag:s13] =	ssyncadd.s32 $0xFFFFCF00  }
0x99: {  	[bflag:$0x0] =	sbarrier.arrive $0xFFFF;
	_ =	sdelay $0x1  }
0x9a: {  	_ =	sfence.sel $0x180000  }
0x9b: {  	[bflag:$0x0] =	sbarrier.arrive $0xFFFF  }
0x9c: {  	p0 =	sne.s32 s2, $0x0;
	_ =	strace $0x9000004D  }
0x9d: {  	s0 =	sadd.s32 @!p0 $0x100000, s0;
	[bflag:$0x2] =	sbarrier.arrive $0xFFFF  }
0x9e: {  	[sflag:s0] =	ssyncadd.tile.s32 @!p0 $0x1;
	_ =	shalt  }
.Lfunc_end2:
_tile_overlayer_lowered:
.L_overlay_start_2:
0x9f: {  	(tag) =	ssettag $0x2  }
0xa0: {  	s0 =	rddreg [dreg:$0x0];
	s2 =	stileid.u32  }
0xa1: {  	s1 =	rddreg [dreg:$0x1];
	p0 =	sne.s32 s2, $0x0  }
0xa2: {  	s3 =	rddreg [dreg:$0x2];
	[bflag:$0x3] =	sbarrier.arrive $0xFFFF;
	s2 =	simm.s32 @!p0 $0x1C03  }
0xa3: {  	[timem:s3], [sflag:s2] =	dma.local @!p0 [hbm:s0], s1  }
0xa4: {  	s0 =	simm.s32 @!p0 $0x3  }
0xa5: {  	_ =	swait.ge @!p0 [sflag:s0], s1  }
0xa6: {  	s1 =	ssub.s32 @!p0 $0x0, s1;
	[sflag:s0] =	ssyncset.done @!p0 $0x0  }
0xa7: {  	[sflag:s0] =	ssyncadd.s32 @!p0 s1  }
0xa8: {  	[bflag:$0x3] =	sbarrier.arrive $0xFFFF  }
0xa9: {  	_ =	shalt  }

// kernel: kernel.7.cloned.1.call-start
scs
__scs_entry_jumppad:
0x0: {  	(pc) =	sbr.rel $0x88, $3  }
0x1: {  	(tag) =	ssettag $0x0;
	lr =	simm.s32 $0x1  }
0x2: {  	[smem:$0x3F63] =	sst lr;
	_ =	strace $0xD0000000  }
0x3: {  	_ = 	snop  }
0x4: {  	_ = 	snop  }
0x5: {  	_ = 	snop  }
0x6: {  	_ = 	snop  }
0x7: {  	_ = 	snop  }
__scs_overlays_trampoline_lowered:
0x8: {  	[smem:$0x3F72] =	sst s0  }
0x9: {  	[smem:$0x3F73] =	sst s1  }
0xa: {  	[smem:$0x3F74] =	sst s2  }
0xb: {  	[smem:$0x3F75] =	sst s3  }
0xc: {  	[smem:$0x3F76] =	sst s4  }
0xd: {  	[smem:$0x3F77] =	sst s5  }
0xe: {  	[smem:$0x3F78] =	sst s6  }
0xf: {  	[smem:$0x3F79] =	sst s7  }
0x10: {  	[smem:$0x3F7A] =	sst s8  }
0x11: {  	[smem:$0x3F7B] =	sst s9;
	s0 =	simm.s32 @!p0 $0x0  }
0x12: {  	s1 =	sld [smem:$0x3F61];
	s0 =	simm.s32 @p0 $0x1  }
0x13: {  	[smem:$0x3F7C] =	sst s0;
	s0 =	simm.s32 @!p1 $0x0  }
0x14: {  	s2 =	sld [smem:$0x3F60];
	s0 =	simm.s32 @p1 $0x1  }
0x15: {  	[smem:$0x3F7D] =	sst s0;
	s0 =	simm.s32 @!p2 $0x0  }
0x16: {  	s3 =	sld [smem:$0x3FDB];
	s0 =	simm.s32 @p2 $0x1  }
0x17: {  	s4 =	simm.s32 $0x1BF5;
	[smem:$0x3F7F] =	sst s0  }
0x18: {  	s0 =	sld [smem:$0x3F62];
	_ =	swait.ge [sflag:s4], $0x0  }
0x19: {  	s7 =	sld [smem:$0x3F63]  }
0x1a: {  	s8 =	sadd.s32 $0xFFFFE003, lr  }
0x1b: {  	s9 =	sadd.s32 $0xFFFFFEF7, lr;
	s5 =	simm.s32 $0xFFFFFFFF;
	p2 =	slt.u32 s8, $0xFFFFF086  }
0x1c: {  	p1 =	slt.u32 s9, $0xF7A;
	s5 =	simm.s32 @!p2 $0x0  }
0x1d: {  	s5 =	simm.s32 @p1 $0x1;
	p0 =	seq.s32 s7, s2  }
0x1e: {  	s7 =	smul.u32 @!p0 $0xF7A, s2;
	p2 =	seq.s32 @!p0 s5, $0x0  }
0x1f: {  	s9 =	smul.u32 $0xF7A, s1;
	s8 =	simm.s32 @!p0 $0x1BF5;
	p2 =	por !p2, p0  }
0x20: {  	[sflag:s8] =	ssyncset.s32 @!p0 $0xFFFFF086;
	s6 =	sadd.s32 @!p0 s3, s7;
	s7 =	simm.s32 @!p0 $0x108  }
0x21: {  	s3 =	sadd.s32 s3, s9;
	s6 =	sadd.s32 @!p0 $0x88, s6;
	s7 =	simm.s32 @p2 $0x1082  }
0x22: {  	[simem:s7], [sflag:s8] =	dma.local @!p0 [hbm:s6], $0xF7A  }
0x23: {  	s9 =	sor.u32 $0xD0000000, s2;
	s6 =	simm.s32 $0x108;
	_ =	swait.ge @!p0 [sflag:s8], $0x0  }
0x24: {  	s3 =	sadd.s32 $0x88, s3;
	s6 =	simm.s32 @!p1 $0x1082;
	[sflag:s4] =	ssyncset.s32 $0xFFFFF086  }
0x25: {  	[simem:s6], [sflag:s4] =	dma.local [hbm:s3], $0xF7A  }
0x26: {  	[smem:$0x3F63] =	sst s1;
	(tag) =	ssettag s2;
	_ =	strace s9  }
0x27: {  	s1 =	sld [smem:$0x3F73]  }
0x28: {  	s2 =	sld [smem:$0x3F74]  }
0x29: {  	s4 =	sld [smem:$0x3F76]  }
0x2a: {  	p0 =	seq.s32 s5, $0x0;
	s5 =	sld [smem:$0x3F77]  }
0x2b: {  	s6 =	sld [smem:$0x3F78]  }
0x2c: {  	s7 =	sld [smem:$0x3F79]  }
0x2d: {  	s3 =	simm.s32 $0x108;
	s8 =	sld [smem:$0x3F7A]  }
0x2e: {  	s3 =	simm.s32 @!p0 $0x1082;
	s9 =	sld [smem:$0x3F7B]  }
0x2f: {  	lr =	sadd.s32 s0, s3;
	s0 =	sld [smem:$0x3F72]  }
0x30: {  	s3 =	sld [smem:$0x3F75]  }
0x31: {  	[smem:$0x3F7E] =	sst s10  }
0x32: {  	s10 =	sld [smem:$0x3F7C];
	_ =	sdelay $0x3  }
0x33: {  	p0 =	seq.s32 s10, $0x1;
	s10 =	sld [smem:$0x3F7E];
	_ =	sdelay $0x3  }
0x34: {  	[smem:$0x3F7E] =	sst s10  }
0x35: {  	s10 =	sld [smem:$0x3F7D];
	_ =	sdelay $0x3  }
0x36: {  	p1 =	seq.s32 s10, $0x1;
	s10 =	sld [smem:$0x3F7E];
	_ =	sdelay $0x3  }
0x37: {  	[smem:$0x3F7E] =	sst s10  }
0x38: {  	s10 =	sld [smem:$0x3F7F]  }
0x39: {  	_ = 	snop;
	(pc) =	sbr.ind lr, $3  }
0x3a: {  	_ = 	snop  }
0x3b: {  	_ = 	snop  }
0x3c: {  	p2 =	seq.s32 s10, $0x1;
	s10 =	sld [smem:$0x3F7E]  }
0x3d: {  	_ =	shalt  }
0x3e: {  	_ =	shalt  }
0x3f: {  	_ =	shalt  }
0x40: {  	_ =	shalt  }
0x41: {  	_ =	shalt  }
0x42: {  	_ =	shalt  }
0x43: {  	_ =	shalt  }
0x44: {  	_ =	shalt  }
0x45: {  	_ =	shalt  }
0x46: {  	_ =	shalt  }
0x47: {  	_ =	shalt  }
0x48: {  	_ =	shalt  }
0x49: {  	_ =	shalt  }
0x4a: {  	_ =	shalt  }
0x4b: {  	_ =	shalt  }
0x4c: {  	_ =	shalt  }
0x4d: {  	_ =	shalt  }
0x4e: {  	_ =	shalt  }
0x4f: {  	_ =	shalt  }
0x50: {  	_ =	shalt  }
0x51: {  	_ =	shalt  }
0x52: {  	_ =	shalt  }
0x53: {  	_ =	shalt  }
0x54: {  	_ =	shalt  }
0x55: {  	_ =	shalt  }
0x56: {  	_ =	shalt  }
0x57: {  	_ =	shalt  }
0x58: {  	_ =	shalt  }
0x59: {  	_ =	shalt  }
0x5a: {  	_ =	shalt  }
0x5b: {  	_ =	shalt  }
0x5c: {  	_ =	shalt  }
0x5d: {  	_ =	shalt  }
0x5e: {  	_ =	shalt  }
0x5f: {  	_ =	shalt  }
0x60: {  	_ =	shalt  }
0x61: {  	_ =	shalt  }
0x62: {  	_ =	shalt  }
0x63: {  	_ =	shalt  }
0x64: {  	_ =	shalt  }
0x65: {  	_ =	shalt  }
0x66: {  	_ =	shalt  }
0x67: {  	_ =	shalt  }
0x68: {  	_ =	shalt  }
0x69: {  	_ =	shalt  }
0x6a: {  	_ =	shalt  }
0x6b: {  	_ =	shalt  }
0x6c: {  	_ =	shalt  }
0x6d: {  	_ =	shalt  }
0x6e: {  	_ =	shalt  }
0x6f: {  	_ =	shalt  }
0x70: {  	_ =	shalt  }
0x71: {  	_ =	shalt  }
0x72: {  	_ =	shalt  }
0x73: {  	_ =	shalt  }
0x74: {  	_ =	shalt  }
0x75: {  	_ =	shalt  }
0x76: {  	_ =	shalt  }
0x77: {  	_ =	shalt  }
0x78: {  	_ =	shalt  }
0x79: {  	_ =	shalt  }
0x7a: {  	_ =	shalt  }
0x7b: {  	_ =	shalt  }
0x7c: {  	_ =	shalt  }
0x7d: {  	_ =	shalt  }
0x7e: {  	_ =	shalt  }
0x7f: {  	_ =	shalt  }
0x80: {  	_ =	shalt  }
0x81: {  	_ =	shalt  }
0x82: {  	_ =	shalt  }
0x83: {  	_ =	shalt  }
0x84: {  	_ =	shalt  }
0x85: {  	_ =	shalt  }
0x86: {  	_ =	shalt  }
0x87: {  	_ =	shalt  }
.Lfunc_end0:
.L_simem_size_0:
called_computation.1_lowered:
.L_overlay_start_0:
0x88: {  	s2 =	sld [smem:$0x3FD9]  }
0x89: {  	s3 =	sld [smem:$0x3FFE];
	_ =	sdelay $0x1  }
0x8a: {  	s1 =	srdreg.scid  }
0x8b: {  	s0 =	sand.u32 $0x1, s1  }
0x8c: {  	s17 =	sshll.u32 s0, $0xA;
	s2 =	sadd.s32 s3, s2  }
0x8d: {  	s2 =	sadd.s32 s2, s17  }
0x8e: {  	[smem:$0x3F8A] =	sst s2  }
0x8f: {  	_ = 	snop  }
0x90: {  	(tm) =	ssettm $0x1  }
0x91: {  	s18 =	sld [smem:$0x3FFB];
	_ =	sdelay $0x3  }
0x92: {  	_ =	strace s18  }
0x93: {  	s2 =	sld [smem:$0x3FFC];
	_ =	sdelay $0x3  }
0x94: {  	_ =	strace s2  }
0x95: {  	s2 =	sld [smem:$0x3FFD];
	_ =	sdelay $0x3  }
0x96: {  	_ =	strace s2  }
0x97: {  	_ =	strace $0x8FFFFFFF  }
0x98: {  	s19 =	sld [smem:$0x3FDB];
	_ =	sdelay $0x1  }
0x99: {  	s20 =	simm.s32 $_scs_section_size  }
0x9a: {  	s4 =	simm.s32 $_size__tile_overlayer_lowered;
	s5 =	simm.s32 $_tile_overlayer_lowered  }
0x9b: {  	s6 =	simm.s32 $0x1BFF;
	s21 =	sshll.u32 s5, $0x1;
	s3 =	sadd.s32 s20, s19  }
0x9c: {  	s22 =	simm.s32 $0x0;
	s4 =	sshll.u32 s4, $0x1;
	s5 =	sadd.s32 s21, s3  }
0x9d: {  	[timem:s22], [sflag:s6] =	dma.local [hbm:s5], s4  }
0x9e: {  	_ =	swait.ge [sflag:s6], s4  }
0x9f: {  	s4 =	ssub.s32 $0x0, s4;
	[sflag:s6] =	ssyncset.done $0x0  }
0xa0: {  	[sflag:s6] =	ssyncadd.s32 s4;
	_ =	sdelay $0x1  }
0xa1: {  	s23 =	simm.s32 $0x1B8B  }
0xa2: {  	_ =	swait.ge [sflag:s23], $0x1  }
0xa3: {  	[sflag:s23] =	ssyncset.done $0x0  }
0xa4: {  	[sflag:s23] =	ssyncadd.s32 $0xFFFFFFFF  }
0xa5: {  	s4 =	sld [smem:$0x0]  }
0xa6: {  	s5 =	sand.u32 $0xFFFFFFFE, s1  }
0xa7: {  	p0 =	sne.s32 s1, s5  }
0xa8: {  	s5 =	sshll.u32 @p0 s5, $0xE  }
0xa9: {  	s5 =	sadd.s32 @p0 $0x11B8D, s5;
	s6 =	sshll.u32 @p0 s4, $0x11  }
0xaa: {  	s5 =	sor.u32 @p0 s6, s5  }
0xab: {  	[sflag:s5] =	ssyncadd.remote.s32 @p0 $0x1;
	_ =	sdelay $0x1  }
0xac: {  	s5 =	simm.s32 @p0 $0x1B8D  }
0xad: {  	_ =	swait.eq @p0 [sflag:s5], $0x1  }
0xae: {  	[sflag:s5] =	ssyncadd.s32 @p0 $0xFFFFFFFF  }
0xaf: {  	s6 =	sshll.u32 @!p0 s1, $0xE  }
0xb0: {  	s6 =	sor.u32 @!p0 $0x4000, s6;
	s5 =	simm.s32 @!p0 $0x1B8D  }
0xb1: {  	s4 =	sshll.u32 @!p0 s4, $0x11;
	s6 =	sadd.s32 @!p0 $0x11B8D, s6;
	_ =	swait.eq @!p0 [sflag:s5], $0x1  }
0xb2: {  	s4 =	sor.u32 @!p0 s4, s6;
	[sflag:s5] =	ssyncadd.s32 @!p0 $0xFFFFFFFF  }
0xb3: {  	s25 =	simm.s32 $0x1B8E;
	s24 =	sld [smem:$0x3FFE];
	[sflag:s4] =	ssyncadd.remote.s32 @!p0 $0x1  }
0xb4: {  	s26 =	simm.s32 $execute0_lowered;
	[smem:$0x3FD2] =	sst s25  }
0xb5: {  	s5 =	sshll.u32 s26, $0x1;
	_ =	strace $0x80000049;
	[dreg:$0x1] =	wrdreg $0xFFFFFFFF  }
0xb6: {  	s28 =	simm.s32 $_size_execute0_lowered;
	s3 =	sadd.s32 s3, s5;
	[dreg:$0x0] =	wrdreg $0x0  }
0xb7: {  	s5 =	sshll.u32 s28, $0x1;
	[dreg:$0x2] =	wrdreg s3  }
0xb8: {  	[dreg:$0x3] =	wrdreg s5  }
0xb9: {  	[dreg:$0x4] =	wrdreg $0xC0  }
0xba: {  	_ =	task [dreg:s22], $0x5FFFF  }
0xbb: {  	[dreg:$0x1] =	wrdreg $0xFFFFFFFF  }
0xbc: {  	[dreg:$0x0] =	wrdreg $0x60  }
0xbd: {  	[dreg:$0x2] =	wrdreg s24  }
0xbe: {  	[dreg:$0x3] =	wrdreg $0xA  }
0xbf: {  	_ =	task.clear_ibuf [dreg:s22], $0x4FFFF;
	_ =	strace $0x90000049  }
0xc0: {  	s29 =	simm.s32 $0xA;
	_ =	strace $0x8000004B  }
0xc1: {  	_ =	swait.ge [sflag:s29], $0x1  }
0xc2: {  	[sflag:s29] =	ssyncadd.s32 $0xFFFFFFFF  }
0xc3: {  	_ =	strace $0x9000004B  }
0xc4: {  	_ =	sfence  }
0xc5: {  	s30 =	sld [smem:$0x0];
	_ =	sdelay $0x2  }
0xc6: {  	s31 =	sshll.u32 s1, $0xD;
	s1 =	sshrl.u32 s1, $0x2  }
0xc7: {  	s4 =	sand.u32 $0x4000, s31;
	s1 =	sadd.s32 s1, s30  }
0xc8: {  	s0 =	sor.u32 s4, s0;
	s1 =	sshll.u32 s1, $0x11  }
0xc9: {  	s0 =	sor.u32 s1, s0  }
0xca: {  	s0 =	sadd.s32 $0x8F2B, s0  }
0xcb: {  	[sflag:s0] =	ssyncadd.remote.s32 $0x1  }
0xcc: {  	_ =	sfence.sel $0xFFFF  }
0xcd: {  	[dreg:$0x0] =	wrdreg $0xFFFFFFFF;
	(pc) =	sbr.abs _section_cstart, $3  }
0xce: {  	[dreg:$0x1] =	wrdreg $0xFFFFFFFF  }
0xcf: {  	_ =	task.clear_ibuf [dreg:s22], $0x2FFFF;
	_ =	strace $0x9FFFFFFF  }
0xd0: {  	(tm) =	ssettm $0x7FFFFFFF  }
0xd1: {  	_ =	shalt  }
tec
execute0_lowered:
.L_overlay_start_1:
0x0: {  	(tag) =	ssettag $0x1  }
0x1: {  	s1 =	srdreg.scid  }
0x2: {  	s0 =	stileid.u32;
	s4 =	rddreg [dreg:$0x0]  }
0x3: {  	s2 =	simm.s32 $0x0;
	s10 =	simm.s32 $0x6400;
	s11 =	simm.s32 $0x80  }
0x4: {  	s12 =	simm.s32 $0xC800;
	s13 =	simm.s32 $0x10800;
	s14 =	simm.s32 $0x1  }
0x5: {  	s15 =	simm.s32 $0x2;
	s16 =	simm.s32 $0x0;
	s5 =	sand.u32 $0x1, s1  }
0x6: {  	s3 =	sshll.u32 s0, $0x1;
	s1 =	rddreg [dreg:$0x1];
	s7 =	smul.u32 $0xC4000, s0  }
0x7: {  	s3 =	sor.u32 s5, s3;
	s8 =	ssub.s32 $0x2, s5;
	s5 =	smul.u32 $0x62000, s5  }
0x8: {  	[smem:$0x7FF] =	sst s2;
	s6 =	smul.u32 $0xC80, s3;
	s7 =	sadd.s32 s7, s4  }
0x9: {  	_ =	strace $0x8000004A;
	s3 =	sadd.s32 $0x1137200, s4;
	s9 =	sadd.s32 s5, s7  }
0xa: {  	s31 =	sshrl.u32 s8, $0x1;
	s6 =	sadd.s32 s6, s4;
	s7 =	sadd.s32 $0x1E3B200, s9  }
0xb: {  	s8 =	ssub.s32 s8, s31;
	s4 =	sadd.s32 $0x105A200, s6;
	s5 =	sadd.s32 $0x1041200, s6  }
0xc: {  	s6 =	smax.u32 s8, $0x1;
	s8 =	sadd.s32 $0x11FB200, s9;
	s9 =	simm.s32 $0x3  }
.LBB2_1:
0xd: {  	[tilespmem:s2], [sflag:$0x3] =	stream.linear.gather [hbm4b:s4+s2], $0x6200, $0x38;
	[tilespmem:$0x14800] =	vst v63  }
0xe: {  	_ =	swait.ge [sflag:s9], $0x6200  }
0xf: {  	[sflag:s9] =	ssyncset.done $0x0  }
0x10: {  	[sflag:s9] =	ssyncadd.s32 $0xFFFF9E00  }
0x11: {  	[tilespmem:s10], [sflag:$0x3] =	stream.linear.gather [hbm4b:s5+s2], $0x6200, $0x38;
	[tilespmem:$0x14800] =	vst v63  }
0x12: {  	_ =	swait.ge [sflag:s9], $0x6200  }
0x13: {  	[sflag:s9] =	ssyncset.done $0x0  }
0x14: {  	s17 =	simm.s32 $0x0;
	[sflag:s9] =	ssyncadd.s32 $0xFFFF9E00  }
0x15: {  	[tilespmem:s12], [sflag:$0x1] =	stream.indirect.gather [hbm4b:s3+s11], $0x80, s17, s11, $0xb8;
	[tilespmem:$0x14800] =	vst v63  }
0x16: {  	s31 =	simm.s32 $0x6400  }
0x17: {  	[tilespmem:s13], [sflag:$0x2] =	stream.indirect.gather [hbm4b:s3+s11], $0x80, s31, s11, $0xb8;
	[tilespmem:$0x14800] =	vst v63  }
0x18: {  	_ =	swait.ge [sflag:s14], $0x4000  }
0x19: {  	[sflag:s14] =	ssyncset.done $0x0  }
0x1a: {  	[sflag:s14] =	ssyncadd.s32 $0xFFFFC000  }
0x1b: {  	[hbm4b:s8+s2] =	stream.linear.scatter [tilespmem:s12], [sflag:$0x3], $0x4000, $0x38;
	[tilespmem:$0x14800] =	vst v63  }
0x1c: {  	_ =	swait.ge [sflag:s9], $0x4000  }
0x1d: {  	[sflag:s9] =	ssyncset.done $0x0  }
0x1e: {  	[sflag:s9] =	ssyncadd.s32 $0xFFFFC000  }
0x1f: {  	_ =	swait.ge [sflag:s15], $0x4000  }
0x20: {  	[sflag:s15] =	ssyncset.done $0x0  }
0x21: {  	[sflag:s15] =	ssyncadd.s32 $0xFFFFC000  }
0x22: {  	[hbm4b:s7+s2] =	stream.linear.scatter [tilespmem:s13], [sflag:$0x3], $0x4000, $0x38;
	[tilespmem:$0x14800] =	vst v63  }
0x23: {  	s19 =	simm.s32 $0x200;
	s20 =	simm.s32 $0x400;
	_ =	swait.ge [sflag:s9], $0x4000  }
0x24: {  	s18 =	sadd.s32 $0x800, s8;
	s17 =	sadd.s32 $0x800, s7;
	[sflag:s9] =	ssyncset.done $0x0  }
.LBB2_2:
0x25: {  	s21 =	sshra.s32 s19, $0x2  }
0x26: {  	[sflag:s9] =	ssyncadd.s32 $0xFFFFC000;
	s19 =	smov.u32 s20;
	s22 =	sadd.s32 $0x200, s20  }
0x27: {  	[tilespmem:s12], [sflag:$0x1] =	stream.indirect.gather [hbm4b:s3+s11], $0x80, s21, s11, $0xb8;
	[tilespmem:$0x14800] =	vst v63  }
0x28: {  	p0 =	sne.s32 s20, $0x18600;
	s20 =	sadd.s32 $0x6400, s21  }
0x29: {  	[tilespmem:s13], [sflag:$0x2] =	stream.indirect.gather [hbm4b:s3+s11], $0x80, s20, s11, $0xb8;
	[tilespmem:$0x14800] =	vst v63  }
0x2a: {  	_ =	swait.ge [sflag:s14], $0x4000  }
0x2b: {  	[sflag:s14] =	ssyncset.done $0x0  }
0x2c: {  	[sflag:s14] =	ssyncadd.s32 $0xFFFFC000  }
0x2d: {  	[hbm4b:s18+s2] =	stream.linear.scatter [tilespmem:s12], [sflag:$0x3], $0x4000, $0x38;
	[tilespmem:$0x14800] =	vst v63  }
0x2e: {  	_ =	swait.ge [sflag:s9], $0x4000  }
0x2f: {  	[sflag:s9] =	ssyncset.done $0x0  }
0x30: {  	[sflag:s9] =	ssyncadd.s32 $0xFFFFC000  }
0x31: {  	_ =	swait.ge [sflag:s15], $0x4000  }
.Ltmp0:
0x32: {  	[sflag:s15] =	ssyncset.done $0x0;
	(pc) =	sbr.rel @p0 .LBB2_2-.Ltmp0, $4  }
0x33: {  	[sflag:s15] =	ssyncadd.s32 $0xFFFFC000  }
0x34: {  	[hbm4b:s17+s2] =	stream.linear.scatter [tilespmem:s13], [sflag:$0x3], $0x4000, $0x38;
	[tilespmem:$0x14800] =	vst v63  }
0x35: {  	s20 =	smov.u32 s22;
	_ =	swait.ge [sflag:s9], $0x4000  }
0x36: {  	s18 =	sadd.s32 $0x800, s18;
	s17 =	sadd.s32 $0x800, s17;
	[sflag:s9] =	ssyncset.done $0x0  }
0x37: {  	s19 =	sshra.s32 s19, $0x2;
	[sflag:s9] =	ssyncadd.s32 $0xFFFFC000  }
0x38: {  	[tilespmem:s12], [sflag:$0x1] =	stream.indirect.gather [hbm4b:s3+s11], $0x80, s19, s11, $0xb8;
	[tilespmem:$0x14800] =	vst v63  }
0x39: {  	s19 =	sadd.s32 $0x6400, s19  }
0x3a: {  	[tilespmem:s13], [sflag:$0x2] =	stream.indirect.gather [hbm4b:s3+s11], $0x80, s19, s11, $0xb8;
	[tilespmem:$0x14800] =	vst v63  }
0x3b: {  	_ =	swait.ge [sflag:s14], $0x4000  }
0x3c: {  	[sflag:s14] =	ssyncset.done $0x0  }
0x3d: {  	[sflag:s14] =	ssyncadd.s32 $0xFFFFC000  }
0x3e: {  	[hbm4b:s18+s2] =	stream.linear.scatter [tilespmem:s12], [sflag:$0x3], $0x4000, $0x38;
	[tilespmem:$0x14800] =	vst v63  }
0x3f: {  	_ =	swait.ge [sflag:s9], $0x4000  }
0x40: {  	[sflag:s9] =	ssyncset.done $0x0  }
0x41: {  	[sflag:s9] =	ssyncadd.s32 $0xFFFFC000  }
0x42: {  	s16 =	sadd.s32 $0x1, s16;
	_ =	swait.ge [sflag:s15], $0x4000  }
0x43: {  	p0 =	sne.s32 s16, s6;
	[sflag:s15] =	ssyncset.done $0x0  }
.Ltmp1:
0x44: {  	[sflag:s15] =	ssyncadd.s32 $0xFFFFC000;
	(pc) =	sbr.rel @p0 .LBB2_1-.Ltmp1, $4  }
0x45: {  	[hbm4b:s17+s2] =	stream.linear.scatter [tilespmem:s13], [sflag:$0x3], $0x4000, $0x38;
	[tilespmem:$0x14800] =	vst v63  }
0x46: {  	_ =	swait.ge [sflag:s9], $0x4000  }
0x47: {  	[sflag:s9] =	ssyncset.done $0x0  }
0x48: {  	[sflag:s9] =	ssyncadd.s32 $0xFFFFC000  }
0x49: {  	_ =	sfence.sel $0x180000  }
0x4a: {  	[bflag:$0x0] =	sbarrier.arrive $0xFFFF  }
0x4b: {  	p0 =	sne.s32 s0, $0x0;
	_ =	strace $0x9000004A  }
0x4c: {  	s0 =	sadd.s32 @!p0 $0x100000, s1;
	[bflag:$0x2] =	sbarrier.arrive $0xFFFF  }
0x4d: {  	[sflag:s0] =	ssyncadd.tile.s32 @!p0 $0x1;
	_ =	shalt  }
.Lfunc_end2:
_tile_overlayer_lowered:
.L_overlay_start_2:
0x4e: {  	(tag) =	ssettag $0x2  }
0x4f: {  	s0 =	rddreg [dreg:$0x0];
	s2 =	stileid.u32  }
0x50: {  	s1 =	rddreg [dreg:$0x1];
	p0 =	sne.s32 s2, $0x0  }
0x51: {  	s3 =	rddreg [dreg:$0x2];
	[bflag:$0x3] =	sbarrier.arrive $0xFFFF;
	s2 =	simm.s32 @!p0 $0x1C03  }
0x52: {  	[timem:s3], [sflag:s2] =	dma.local @!p0 [hbm:s0], s1  }
0x53: {  	s0 =	simm.s32 @!p0 $0x3  }
0x54: {  	_ =	swait.ge @!p0 [sflag:s0], s1  }
0x55: {  	s1 =	ssub.s32 @!p0 $0x0, s1;
	[sflag:s0] =	ssyncset.done @!p0 $0x0  }
0x56: {  	[sflag:s0] =	ssyncadd.s32 @!p0 s1  }
0x57: {  	[bflag:$0x3] =	sbarrier.arrive $0xFFFF  }
0x58: {  	_ =	shalt  }

// kernel: sparse-core-data-format-call.cloned.1.call-start
scs
called_computation_lowered:
.L_overlay_start_0:
0x0: {  	s1 =	sld [smem:$0x3FD9]  }
0x1: {  	s2 =	sld [smem:$0x3FFE];
	_ =	sdelay $0x1  }
0x2: {  	s3 =	srdreg.scid  }
0x3: {  	s0 =	sand.u32 $0x1, s3  }
0x4: {  	s17 =	sshll.u32 s0, $0xA;
	s1 =	sadd.s32 s2, s1  }
0x5: {  	s1 =	sadd.s32 s1, s17  }
0x6: {  	[smem:$0x3F8A] =	sst s1  }
0x7: {  	_ = 	snop  }
0x8: {  	(tm) =	ssettm $0x1  }
0x9: {  	s18 =	sld [smem:$0x3FFB];
	_ =	sdelay $0x3  }
0xa: {  	_ =	strace s18  }
0xb: {  	s1 =	sld [smem:$0x3FFC];
	_ =	sdelay $0x3  }
0xc: {  	_ =	strace s1  }
0xd: {  	s1 =	sld [smem:$0x3FFD];
	_ =	sdelay $0x3  }
0xe: {  	_ =	strace s1  }
0xf: {  	_ =	strace $0x8FFFFFFF  }
0x10: {  	s19 =	sld [smem:$0x3FDB];
	_ =	sdelay $0x1  }
0x11: {  	s20 =	simm.s32 $_scs_section_size  }
0x12: {  	s4 =	simm.s32 $_size__tile_overlayer_lowered;
	s5 =	simm.s32 $_tile_overlayer_lowered  }
0x13: {  	s23 =	simm.s32 $0x1BFF;
	s22 =	sshll.u32 s5, $0x1;
	s1 =	sadd.s32 s20, s19  }
0x14: {  	s6 =	simm.s32 $0x0;
	s21 =	sshll.u32 s4, $0x1;
	s4 =	sadd.s32 s22, s1  }
0x15: {  	[timem:s6], [sflag:s23] =	dma.local [hbm:s4], s21  }
0x16: {  	_ =	swait.ge [sflag:s23], s21  }
0x17: {  	s2 =	ssub.s32 $0x0, s21;
	[sflag:s23] =	ssyncset.done $0x0  }
0x18: {  	[sflag:s23] =	ssyncadd.s32 s2;
	_ =	sdelay $0x1  }
0x19: {  	s24 =	simm.s32 $0x1B8B  }
0x1a: {  	_ =	swait.ge [sflag:s24], $0x1  }
0x1b: {  	[sflag:s24] =	ssyncset.done $0x0  }
0x1c: {  	s26 =	simm.s32 $0x1B8E;
	s25 =	sld [smem:$0x3FFE];
	[sflag:s24] =	ssyncadd.s32 $0xFFFFFFFF  }
0x1d: {  	s27 =	simm.s32 $execute0_lowered;
	[smem:$0x3FD2] =	sst s26  }
0x1e: {  	s4 =	sshll.u32 s27, $0x1;
	_ =	strace $0x80000046;
	[dreg:$0x1] =	wrdreg $0xFFFFFFFF  }
0x1f: {  	s28 =	simm.s32 $_size_execute0_lowered;
	s1 =	sadd.s32 s1, s4;
	[dreg:$0x0] =	wrdreg $0x0  }
0x20: {  	s4 =	sshll.u32 s28, $0x1;
	[dreg:$0x2] =	wrdreg s1  }
0x21: {  	[dreg:$0x3] =	wrdreg s4  }
0x22: {  	[dreg:$0x4] =	wrdreg $0xC0  }
0x23: {  	_ =	task [dreg:s6], $0x5FFFF  }
0x24: {  	[dreg:$0x1] =	wrdreg $0xFFFFFFFF  }
0x25: {  	[dreg:$0x0] =	wrdreg $0x60  }
0x26: {  	[dreg:$0x2] =	wrdreg s25  }
0x27: {  	[dreg:$0x3] =	wrdreg $0x9  }
0x28: {  	_ =	task.clear_ibuf [dreg:s6], $0x4FFFF;
	_ =	strace $0x90000046  }
0x29: {  	s29 =	simm.s32 $0x9;
	_ =	strace $0x80000048  }
0x2a: {  	_ =	swait.ge [sflag:s29], $0x1  }
0x2b: {  	[sflag:s29] =	ssyncadd.s32 $0xFFFFFFFF  }
0x2c: {  	_ =	strace $0x90000048  }
0x2d: {  	_ =	sfence  }
0x2e: {  	s30 =	sld [smem:$0x0];
	_ =	sdelay $0x2  }
0x2f: {  	s31 =	sshll.u32 s3, $0xD;
	s3 =	sshrl.u32 s3, $0x2  }
0x30: {  	s2 =	sand.u32 $0x4000, s31;
	s1 =	sadd.s32 s3, s30  }
0x31: {  	s0 =	sor.u32 s2, s0;
	s1 =	sshll.u32 s1, $0x11  }
0x32: {  	s0 =	sor.u32 s1, s0  }
0x33: {  	s0 =	sadd.s32 $0x8F2B, s0  }
0x34: {  	[sflag:s0] =	ssyncadd.remote.s32 $0x1  }
0x35: {  	_ =	sfence.sel $0xFFFF  }
0x36: {  	[dreg:$0x0] =	wrdreg $0xFFFFFFFF;
	(pc) =	sbr.abs _section_cstart, $3  }
0x37: {  	[dreg:$0x1] =	wrdreg $0xFFFFFFFF  }
0x38: {  	_ =	task.clear_ibuf [dreg:s6], $0x2FFFF;
	_ =	strace $0x9FFFFFFF  }
0x39: {  	(tm) =	ssettm $0x7FFFFFFF  }
tec
execute0_lowered:
.L_overlay_start_1:
0x0: {  	(tag) =	ssettag $0x1  }
0x1: {  	s0 =	srdreg.scid  }
0x2: {  	s6 =	rddreg [dreg:$0x0];
	s7 =	simm.s32 $0x1;
	s1 =	sshll.u32 s0, $0x4  }
0x3: {  	s8 =	simm.s32 $0x2;
	s0 =	stileid.u32;
	s1 =	sand.u32 $0x10, s1  }
0x4: {  	s13 =	simm.s32 $0x0;
	s12 =	simm.s32 $0x0;
	s1 =	sor.u32 s0, s1  }
0x5: {  	s10 =	simm.s32 $0x0;
	s11 =	simm.s32 $0x0;
	s2 =	sshll.u32 s1, $0x8  }
0x6: {  	s3 =	sadd.s32 $0xA000, s6;
	s6 =	sadd.s32 $0x3DAA00, s6;
	s5 =	ssub.s32 $0xC3500, s2  }
.Ltmp0:
0x7: {  	s1 =	rddreg [dreg:$0x1];
	s4 =	sand.u32 $0x1F00, s5;
	(pc) =	sbr.rel .LBB1_1-.Ltmp0, $4  }
0x8: {  	_ =	strace $0x80000047;
	s9 =	smov.u32 s2;
	p0 =	sne.s32 s4, $0x0  }
0x9: {  	s5 =	sshrl.u32 s5, $0xD;
	s4 =	simm.s32 $0x1;
	s7 =	simm.s32 @!p0 $0x0  }
0xa: {  	[sflag:s4] =	ssyncpa.u1 $0x0;
	p0 =	por $0x0, $0x0;
	s5 =	sadd.s32 s7, s5  }
0xb: {  	[sflag:s8] =	ssyncpa.u1 $0x0;
	s8 =	simm.s32 $0x80;
	s7 =	sadd.s32 $0x1, s5  }
.LBB1_4:
0xc: {  	_ =	sdelay $0x3  }
0xd: {  	s21 =	sor.u32 s24, s23;
	v47 =	vld.idx.msk [tilespmem:v0+s16+$0x470 ss:$0x1], $0xffff  }
0xe: {  	v57 =	vld.idx.msk [tilespmem:v0+s21+$0x410 ss:$0x1], $0xffff  }
0xf: {  	v58 =	vld.idx.msk [tilespmem:v0+s21+$0x420 ss:$0x1], $0xffff  }
0x10: {  	[tilespmem:s18+$0x1860 ss:$0x41] =	vst.msk $0xffff, v8;
	v59 =	vld.idx.msk [tilespmem:v0+s21+$0x430 ss:$0x1], $0xffff  }
0x11: {  	[tilespmem:s18+$0x1C70 ss:$0x41] =	vst.msk $0xffff, v7;
	v60 =	vld.idx.msk [tilespmem:v0+s21+$0x440 ss:$0x1], $0xffff  }
0x12: {  	[tilespmem:s18+$0x2490 ss:$0x41] =	vst.msk $0xffff, v1;
	s22 =	sand.u32 $0x3B00, s21;
	v61 =	vld.idx.msk [tilespmem:v0+s21+$0x450 ss:$0x1], $0xffff  }
0x13: {  	s20 =	sand.u32 $0x80, s20;
	[tilespmem:s18+$0x28A0 ss:$0x41] =	vst.msk $0xffff, v2;
	v62 =	vld.idx.msk [tilespmem:v0+s21+$0x460 ss:$0x1], $0xffff;
	s15 =	sadd.s32 s22, s15  }
0x14: {  	[tilespmem:s18+$0x2CB0 ss:$0x41] =	vst.msk $0xffff, v3;
	v63 =	vld.idx.msk [tilespmem:v0+s21+$0x470 ss:$0x1], $0xffff;
	s15 =	sadd.s32 s20, s15  }
0x15: {  	[tilespmem:s18+$0x30C0 ss:$0x41] =	vst.msk $0xffff, v4;
	v48 =	vld [tilespmem:s15+$0x400]  }
0x16: {  	[tilespmem:s18+$0x34D0 ss:$0x41] =	vst.msk $0xffff, v5;
	v49 =	vld [tilespmem:s15+$0x0]  }
0x17: {  	s25 =	sshra.s32 s19, $0x2;
	[tilespmem:s18+$0x38E0 ss:$0x41] =	vst.msk $0xffff, v6;
	v50 =	vld [tilespmem:s15+$0x10]  }
0x18: {  	s16 =	sadd.s32 s25, s17;
	v51 =	vld [tilespmem:s15+$0x20];
	[tilespmem:s18+$0x3CF0 ss:$0x41] =	vst.msk $0xffff, v47  }
0x19: {  	v52 =	vld [tilespmem:s15+$0x30];
	[tilespmem:s16+$0x2490 ss:$0x41] =	vst.msk $0xffff, v57  }
0x1a: {  	v53 =	vld [tilespmem:s15+$0x40];
	[tilespmem:s16+$0x28A0 ss:$0x41] =	vst.msk $0xffff, v58  }
0x1b: {  	v54 =	vld [tilespmem:s15+$0x50];
	[tilespmem:s16+$0x2CB0 ss:$0x41] =	vst.msk $0xffff, v59  }
0x1c: {  	s13 =	sshll.u32 s13, $0x7;
	s26 =	sshll.u32 s12, $0x3;
	v55 =	vld [tilespmem:s15+$0x60];
	[tilespmem:s16+$0x30C0 ss:$0x41] =	vst.msk $0xffff, v60  }
0x1d: {  	s27 =	sand.u32 $0xFFFFFC00, s13;
	v56 =	vld [tilespmem:s15+$0x70];
	s15 =	sand.u32 $0xFFFFFC00, s26;
	[tilespmem:s16+$0x34D0 ss:$0x41] =	vst.msk $0xffff, v61  }
0x1e: {  	s13 =	sand.u32 $0x380, s13;
	s15 =	sadd.s32 s15, s27;
	[tilespmem:s16+$0x38E0 ss:$0x41] =	vst.msk $0xffff, v62  }
0x1f: {  	s13 =	sor.u32 s13, s15;
	[tilespmem:s16+$0x3CF0 ss:$0x41] =	vst.msk $0xffff, v63  }
0x20: {  	s13 =	sshrl.u32 s13, $0x7;
	[tilespmem:s16+$0x2080 ss:$0x41] =	vst.msk $0xffff, v48  }
0x21: {  	s28 =	smulhi.u32 $0x14F8B59, s13;
	[tilespmem:s16+$0x0 ss:$0x41] =	vst.msk $0xffff, v49  }
0x22: {  	[tilespmem:s16+$0x410 ss:$0x41] =	vst.msk $0xffff, v50  }
0x23: {  	[tilespmem:s16+$0x820 ss:$0x41] =	vst.msk $0xffff, v51;
	s15 =	sshrl.u32 s28, $0xC  }
0x24: {  	[tilespmem:s16+$0xC30 ss:$0x41] =	vst.msk $0xffff, v52;
	s15 =	smul.u32 $0xC3500, s15  }
0x25: {  	s29 =	sshrl.u32 s12, $0x3;
	[tilespmem:s16+$0x1040 ss:$0x41] =	vst.msk $0xffff, v53  }
0x26: {  	s31 =	sand.u32 $0x7, s12;
	s30 =	sand.u32 $0xF, s29;
	[tilespmem:s16+$0x1450 ss:$0x41] =	vst.msk $0xffff, v54;
	s13 =	ssub.s32 s13, s15  }
0x27: {  	s12 =	sshll.u32 s31, $0x12;
	[tilespmem:s16+$0x1860 ss:$0x41] =	vst.msk $0xffff, v55;
	s15 =	sadd.s32 s6, s30;
	s13 =	sshll.u32 s13, $0x4  }
0x28: {  	s12 =	sor.u32 $0x40, s12;
	[tilespmem:s16+$0x1C70 ss:$0x41] =	vst.msk $0xffff, v56;
	s13 =	sadd.s32 s13, s15  }
0x29: {  	[hbm4b:s13+s12] =	stream.strided.scatter [tilespmem:s14], [sflag:$0x2], $0x4000, s8, s12, $0x18;
	[tilespmem:$0x10200] =	vst v63  }
.LBB1_5:
0x2a: {  	s14 =	sadd.s32 $0x2000, s9  }
0x2b: {  	s12 =	sadd.s32 $0x40, s10;
	s16 =	smov.u32 s10;
	p2 =	sgt.s32 s14, $0xC34FF  }
0x2c: {  	s16 =	smov.u32 @p2 s12  }
0x2d: {  	s14 =	smov.u32 @p2 s2;
	p2 =	sgt.s32 s16, $0x23  }
0x2e: {  	s16 =	simm.s32 @p2 $0x0;
	p2 =	sne.s32 s11, s7  }
.Ltmp1:
0x2f: {  	p1 =	slt.u32 s11, $0x2;
	(pc) =	sbr.rel @!p2 .LBB1_6-.Ltmp1, $4  }
0x30: {  	s15 =	simm.s32 @!p1 $0x2  }
0x31: {  	s13 =	smov.u32 s9;
	p0 =	por !p0, !p0;
	_ =	swait.ge @!p1 [sflag:s15], $0x4000  }
0x32: {  	s12 =	smov.u32 s10;
	[sflag:s15] =	ssyncset.done @!p1 $0x0;
	s9 =	smov.u32 s14  }
0x33: {  	s11 =	sadd.s32 $0x1, s11;
	[sflag:s15] =	ssyncadd.s32 @!p1 $0xFFFFC000;
	s10 =	smov.u32 s16  }
.LBB1_1:
0x34: {  	p1 =	sge.u32 s11, s5  }
0x35: {  	s14 =	sshrl.u32 @!p1 s10, $0x3  }
0x36: {  	s20 =	smov.u32 s9;
	s15 =	sshll.u32 @!p1 s9, $0x3;
	s14 =	smul.u32 @!p1 $0x61A800, s14  }
0x37: {  	s31 =	sadd.s32 $0xFFFFFFFF, s11;
	s16 =	sshll.u32 @!p1 s10, $0x7;
	s15 =	sand.u32 @!p1 $0xFFFFFC00, s15  }
0x38: {  	s17 =	sand.u32 @!p1 $0x7F, s9;
	s14 =	sadd.s32 @!p1 s14, s15;
	s15 =	sand.u32 @!p1 $0x380, s16  }
0x39: {  	p2 =	sgt.s32 @!p1 s10, $0xFFFFFFE8;
	s19 =	sshra.s32 @!p1 s10, $0x1F;
	s14 =	sor.u32 @!p1 s15, s14  }
0x3a: {  	s21 =	sshra.s32 @!p1 s9, $0x1F;
	p2 =	por !p2, p1;
	s15 =	sshrl.u32 @!p1 s14, $0x8  }
0x3b: {  	s14 =	sor.u32 @!p1 s17, s14;
	s17 =	smov.u32 s10;
	s15 =	smulhi.u32 @!p1 $0x14F8B59, s15  }
0x3c: {  	s19 =	sand.u32 @!p1 s19, s10;
	s17 =	simm.s32 @p2 $0xFFFFFFE8;
	p2 =	sgt.s32 @!p1 s9, $0xC3400  }
0x3d: {  	s21 =	sand.u32 @!p1 s21, s9;
	p2 =	por !p2, p1;
	s15 =	sshrl.u32 @!p1 s15, $0x4  }
0x3e: {  	s16 =	sxor.u32 @!p1 $0xFFFFFFFF, s11;
	s20 =	simm.s32 @p2 $0xC3400;
	s18 =	smul.u32 @!p1 $0xCCD, s15  }
0x3f: {  	s16 =	sshll.u32 @!p1 s16, $0xE;
	s17 =	ssub.s32 @!p1 s17, s19;
	s19 =	ssub.s32 @!p1 s20, s21  }
0x40: {  	s20 =	sadd.s32 @!p1 $0x18, s17;
	s17 =	ssub.s32 @!p1 $0x28, s17;
	s18 =	sshrl.u32 @!p1 s18, $0x11  }
0x41: {  	s21 =	sadd.s32 @!p1 $0xFFF3CC00, s19;
	p2 =	sgt.s32 @!p1 s20, $0x3F;
	s18 =	smul.u32 @!p1 $0x28, s18  }
0x42: {  	s19 =	ssub.s32 @!p1 $0xC3500, s19;
	p3 =	sgt.s32 @!p1 s21, $0xFF;
	p2 =	por !p2, p1  }
0x43: {  	p3 =	por !p3, p1;
	s18 =	ssub.s32 @!p1 s15, s18;
	s15 =	smul.u32 @!p1 $0xC3500, s15  }
0x44: {  	s16 =	sand.u32 @!p1 $0x4000, s16;
	s17 =	simm.s32 @!p2 $0x0;
	s19 =	simm.s32 @!p3 $0x0  }
0x45: {  	s17 =	smul.u32 @!p1 s17, s19;
	s14 =	ssub.s32 @!p1 s14, s15;
	s15 =	sand.u32 @!p1 $0xFFFF, s18  }
0x46: {  	s15 =	smul.u32 @!p1 $0x186A0, s15;
	s18 =	sshrl.u32 @!p1 s14, $0x3;
	s14 =	sand.u32 @!p1 $0x7, s14  }
0x47: {  	s17 =	sand.u32 @!p1 $0x3FFFFFFF, s17;
	s18 =	sadd.s32 @!p1 s3, s18;
	s14 =	sshll.u32 @!p1 s14, $0x12  }
0x48: {  	s15 =	sadd.s32 @!p1 s15, s18;
	s14 =	sor.u32 @!p1 $0x800, s14;
	s18 =	simm.s32 @!p1 $0x61A800  }
0x49: {  	[tilespmem:s16], [sflag:$0x1] =	stream.strided.gather @!p1 [hbm4b:s15+s14], s17, s18, s14, $0x38;
	[tilespmem:$0x10200] =	vst v63  }
0x4a: {  	p1 =	sge.u32 s31, s5  }
.Ltmp2:
0x4b: {  	_ = 	snop;
	(pc) =	sbr.rel @p1 .LBB1_5-.Ltmp2, $1  }
0x4c: {  	_ =	sdelay $0x3  }
0x4d: {  	p1 =	sgt.s32 s12, $0xFFFFFFE8  }
0x4e: {  	s14 =	smov.u32 s12;
	s15 =	sshra.s32 s12, $0x1F;
	s16 =	smov.u32 s13  }
0x4f: {  	s17 =	sshra.s32 s13, $0x1F;
	s14 =	simm.s32 @!p1 $0xFFFFFFE8;
	p1 =	sgt.s32 s13, $0xC3400  }
0x50: {  	s15 =	sand.u32 s15, s12;
	s26 =	sand.u32 s17, s13;
	s16 =	simm.s32 @!p1 $0xC3400  }
0x51: {  	s14 =	ssub.s32 s14, s15;
	s15 =	ssub.s32 s16, s26  }
0x52: {  	s27 =	sadd.s32 $0x18, s14;
	s14 =	ssub.s32 $0x28, s14;
	s16 =	sadd.s32 $0xFFF3CC00, s15  }
0x53: {  	p1 =	sgt.s32 s27, $0x3F;
	s15 =	ssub.s32 $0xC3500, s15;
	p2 =	sgt.s32 s16, $0xFF  }
0x54: {  	s19 =	sand.u32 $0x1, s11;
	s14 =	simm.s32 @p1 $0x0;
	s15 =	simm.s32 @p2 $0x0  }
0x55: {  	s14 =	smul.u32 s14, s15;
	s15 =	sshll.u32 s19, $0xE  }
0x56: {  	v0 =	vmov s15  }
0x57: {  	s29 =	simm.s32 $0x0;
	s14 =	sand.u32 $0x3FFFFFFF, s14  }
0x58: {  	s30 =	sand.u32 $0x3800, s29;
	_ =	swait.ge [sflag:s4], s14  }
0x59: {  	s18 =	sand.u32 $0x380, s29;
	s28 =	ssub.s32 $0x0, s14;
	[sflag:s4] =	ssyncset.done $0x0  }
0x5a: {  	s16 =	sor.u32 s18, s30;
	[sflag:s4] =	ssyncadd.s32 s28  }
0x5b: {  	s17 =	sand.u32 $0x3B00, s16;
	v1 =	vld.idx.msk [tilespmem:v0+s16+$0x410 ss:$0x1], $0xffff  }
0x5c: {  	s18 =	simm.s32 $0x1;
	s17 =	sadd.s32 s17, s15;
	s14 =	sand.u32 $0x80, s29;
	v2 =	vld.idx.msk [tilespmem:v0+s16+$0x420 ss:$0x1], $0xffff  }
0x5d: {  	s18 =	simm.s32 @!p0 $0x0;
	s14 =	sadd.s32 s14, s17;
	v3 =	vld.idx.msk [tilespmem:v0+s16+$0x430 ss:$0x1], $0xffff  }
0x5e: {  	s31 =	smul.u32 $0x10400, s18;
	v4 =	vld [tilespmem:s14+$0x400]  }
0x5f: {  	v5 =	vld [tilespmem:s14+$0x0]  }
0x60: {  	s17 =	sshrl.u32 s31, $0x2;
	v6 =	vld [tilespmem:s14+$0x10]  }
0x61: {  	s17 =	sor.u32 $0x8000, s17;
	v7 =	vld [tilespmem:s14+$0x20]  }
0x62: {  	s18 =	sadd.s32 $0x0, s17;
	v9 =	vld [tilespmem:s14+$0x30]  }
0x63: {  	v10 =	vld [tilespmem:s14+$0x40];
	[tilespmem:s18+$0x2080 ss:$0x41] =	vst.msk $0xffff, v4  }
0x64: {  	v11 =	vld [tilespmem:s14+$0x50];
	[tilespmem:s18+$0x0 ss:$0x41] =	vst.msk $0xffff, v5  }
0x65: {  	v8 =	vld [tilespmem:s14+$0x60];
	[tilespmem:s18+$0x410 ss:$0x41] =	vst.msk $0xffff, v6  }
0x66: {  	s19 =	smul.u32 $0x10400, s19;
	[tilespmem:s18+$0x820 ss:$0x41] =	vst.msk $0xffff, v7;
	v7 =	vld [tilespmem:s14+$0x70]  }
0x67: {  	s20 =	simm.s32 $0x80;
	s21 =	simm.s32 $0x100;
	[tilespmem:s18+$0xC30 ss:$0x41] =	vst.msk $0xffff, v9;
	v4 =	vld.idx.msk [tilespmem:v0+s16+$0x440 ss:$0x1], $0xffff  }
0x68: {  	s22 =	simm.s32 $0x8;
	s23 =	sand.u32 $0x3800, s21;
	s19 =	sshrl.u32 s19, $0x2;
	[tilespmem:s18+$0x1040 ss:$0x41] =	vst.msk $0xffff, v10;
	v5 =	vld.idx.msk [tilespmem:v0+s16+$0x450 ss:$0x1], $0xffff  }
0x69: {  	s24 =	sand.u32 $0x380, s20;
	s14 =	sor.u32 $0x8000, s19;
	s19 =	simm.s32 $0x4;
	[tilespmem:s18+$0x1450 ss:$0x41] =	vst.msk $0xffff, v11;
	v6 =	vld.idx.msk [tilespmem:v0+s16+$0x460 ss:$0x1], $0xffff  }
.LBB1_3:
0x6a: {  	p1 =	sne.s32 s22, $0xFC;
	[tilespmem:s18+$0x1860 ss:$0x41] =	vst.msk $0xffff, v8;
	v8 =	vld.idx.msk [tilespmem:v0+s16+$0x470 ss:$0x1], $0xffff;
	s16 =	sor.u32 s24, s23  }
0x6b: {  	s23 =	sand.u32 $0x3B00, s16;
	v9 =	vld.idx.msk [tilespmem:v0+s16+$0x410 ss:$0x1], $0xffff;
	[tilespmem:s18+$0x1C70 ss:$0x41] =	vst.msk $0xffff, v7  }
0x6c: {  	s24 =	sand.u32 $0x80, s20;
	s23 =	sadd.s32 s23, s15;
	v7 =	vld.idx.msk [tilespmem:v0+s16+$0x420 ss:$0x1], $0xffff;
	[tilespmem:s18+$0x2490 ss:$0x41] =	vst.msk $0xffff, v1  }
0x6d: {  	s23 =	sadd.s32 s24, s23;
	v10 =	vld.idx.msk [tilespmem:v0+s16+$0x430 ss:$0x1], $0xffff;
	[tilespmem:s18+$0x28A0 ss:$0x41] =	vst.msk $0xffff, v2  }
0x6e: {  	v11 =	vld [tilespmem:s23+$0x400];
	[tilespmem:s18+$0x2CB0 ss:$0x41] =	vst.msk $0xffff, v3  }
0x6f: {  	v12 =	vld [tilespmem:s23+$0x0];
	[tilespmem:s18+$0x30C0 ss:$0x41] =	vst.msk $0xffff, v4  }
0x70: {  	v4 =	vld [tilespmem:s23+$0x10];
	[tilespmem:s18+$0x34D0 ss:$0x41] =	vst.msk $0xffff, v5  }
0x71: {  	s24 =	sshra.s32 s19, $0x2;
	s19 =	smov.u32 s22;
	v1 =	vmov v9;
	v5 =	vld [tilespmem:s23+$0x20];
	[tilespmem:s18+$0x38E0 ss:$0x41] =	vst.msk $0xffff, v6  }
0x72: {  	v2 =	vmov v7;
	v6 =	vld [tilespmem:s23+$0x30];
	[tilespmem:s18+$0x3CF0 ss:$0x41] =	vst.msk $0xffff, v8;
	s18 =	sadd.s32 s24, s17  }
0x73: {  	v3 =	vmov v10;
	v9 =	vld [tilespmem:s23+$0x40];
	[tilespmem:s18+$0x2080 ss:$0x41] =	vst.msk $0xffff, v11  }
0x74: {  	[tilespmem:s18+$0x0 ss:$0x41] =	vst.msk $0xffff, v12;
	v10 =	vld [tilespmem:s23+$0x50]  }
.Ltmp3:
0x75: {  	[tilespmem:s18+$0x410 ss:$0x41] =	vst.msk $0xffff, v4;
	v8 =	vld [tilespmem:s23+$0x60];
	(pc) =	sbr.rel @p1 .LBB1_3-.Ltmp3, $4  }
0x76: {  	[tilespmem:s18+$0x820 ss:$0x41] =	vst.msk $0xffff, v5;
	v7 =	vld [tilespmem:s23+$0x70]  }
0x77: {  	[tilespmem:s18+$0xC30 ss:$0x41] =	vst.msk $0xffff, v6;
	v4 =	vld.idx.msk [tilespmem:v0+s16+$0x440 ss:$0x1], $0xffff  }
0x78: {  	s20 =	sadd.s32 $0x80, s20;
	s21 =	sadd.s32 $0x100, s21;
	[tilespmem:s18+$0x1040 ss:$0x41] =	vst.msk $0xffff, v9;
	v5 =	vld.idx.msk [tilespmem:v0+s16+$0x450 ss:$0x1], $0xffff  }
0x79: {  	s22 =	sadd.s32 $0x4, s22;
	s24 =	sand.u32 $0x380, s20;
	s23 =	sand.u32 $0x3800, s21;
	[tilespmem:s18+$0x1450 ss:$0x41] =	vst.msk $0xffff, v10;
	v6 =	vld.idx.msk [tilespmem:v0+s16+$0x460 ss:$0x1], $0xffff  }
.Ltmp4:
0x7a: {  	_ = 	snop;
	(pc) =	sbr.rel .LBB1_4-.Ltmp4, $1  }
0x7b: {  	_ =	sdelay $0x3  }
.LBB1_6:
0x7c: {  	_ =	sfence.sel $0x180000  }
0x7d: {  	s2 =	simm.s32 $0x1;
	[bflag:$0x0] =	sbarrier.arrive $0xFFFF  }
0x7e: {  	s31 =	simm.s32 $0x2;
	[sflag:s2] =	ssyncpa.u1 $0x1  }
0x7f: {  	[sflag:s31] =	ssyncpa.u1 $0x1  }
0x80: {  	p0 =	sne.s32 s0, $0x0;
	_ =	strace $0x90000047  }
0x81: {  	s0 =	sadd.s32 @!p0 $0x100000, s1;
	[bflag:$0x2] =	sbarrier.arrive $0xFFFF  }
0x82: {  	[sflag:s0] =	ssyncadd.tile.s32 @!p0 $0x1;
	_ =	shalt  }
.Lfunc_end1:
_tile_overlayer_lowered:
.L_overlay_start_2:
0x83: {  	(tag) =	ssettag $0x2  }
0x84: {  	s0 =	rddreg [dreg:$0x0];
	s2 =	stileid.u32  }
0x85: {  	s1 =	rddreg [dreg:$0x1];
	p0 =	sne.s32 s2, $0x0  }
0x86: {  	s3 =	rddreg [dreg:$0x2];
	[bflag:$0x3] =	sbarrier.arrive $0xFFFF;
	s2 =	simm.s32 @!p0 $0x1C01  }
0x87: {  	[timem:s3], [sflag:s2] =	dma.local @!p0 [hbm:s0], s1  }
0x88: {  	s0 =	simm.s32 @!p0 $0x1  }
0x89: {  	_ =	swait.ge @!p0 [sflag:s0], s1  }
0x8a: {  	s1 =	ssub.s32 @!p0 $0x0, s1;
	[sflag:s0] =	ssyncset.done @!p0 $0x0  }
0x8b: {  	[sflag:s0] =	ssyncadd.s32 @!p0 s1  }
0x8c: {  	[bflag:$0x3] =	sbarrier.arrive $0xFFFF  }
0x8d: {  	_ =	shalt  }

</sc_bundles>
